<compile_context>
chip_gen: v7x
topology: tpu7x:2x2x1
jax: 0.10.2.dev20260603
libtpu: 0.0.44.dev20260713+nightly
codegen_flags: <defaults>
</compile_context>

<pallas_src>
import functools

import jax
import jax.numpy as jnp
from jax import lax
from jax.experimental import pallas as pl
from jax.experimental.pallas import tpu as pltpu
from jax.experimental.pallas import tpu_sc as plsc

NUM_F_MAPS = 64
B = 4096
L = 200

_NC, _NS = 2, 16
_NW = _NC * _NS
_BPW = B // _NW
_K = 4
_GROUPS = L // _K


def _sc_gather(idx_t, table):
    mesh = plsc.VectorSubcoreMesh(core_axis_name="c", subcore_axis_name="s")

    @functools.partial(
        pl.kernel,
        mesh=mesh,
        compiler_params=pltpu.CompilerParams(use_tc_tiling_on_sc=False),
        out_type=[
            jax.ShapeDtypeStruct((B, L * NUM_F_MAPS), jnp.float32),
            jax.ShapeDtypeStruct((L, B), jnp.int32),
        ],
        scratch_types=[
            pltpu.VMEM((L, _BPW), jnp.int32),
            pltpu.VMEM((L, _BPW), jnp.int32),
            pltpu.VMEM((2, _K, _BPW, NUM_F_MAPS), jnp.float32),
            pltpu.SemaphoreType.DMA,
            pltpu.SemaphoreType.DMA,
            pltpu.SemaphoreType.DMA,
            pltpu.SemaphoreType.DMA,
        ],
    )
    def k(idx_hbm, table_hbm, emb_hbm, mask_hbm, idx_v, mask_v, rows_v,
          gsem0, gsem1, wsem0, wsem1):
        wid = lax.axis_index("s") * _NC + lax.axis_index("c")
        b0 = wid * _BPW

        pltpu.sync_copy(idx_hbm.at[0, :, pl.ds(b0, _BPW)], idx_v)

        def gather(ell, s, t, gsem):
            pltpu.async_copy(table_hbm.at[idx_v.at[ell]], rows_v.at[s, t],
                             gsem)

        def write(ell, s, t, wsem):
            pltpu.async_copy(
                rows_v.at[s, t],
                emb_hbm.at[pl.ds(b0, _BPW), pl.ds(ell * NUM_F_MAPS,
                                                  NUM_F_MAPS)],
                wsem)

        def drain_gather(s, t, sem):
            pltpu.make_async_copy(
                table_hbm.at[idx_v.at[0]], rows_v.at[s, t], sem).wait()

        def drain_write(s, t, sem):
            pltpu.make_async_copy(
                rows_v.at[s, t],
                emb_hbm.at[pl.ds(b0, _BPW), pl.ds(0, NUM_F_MAPS)],
                sem).wait()

        def mask_row(ell):
            for c in range(_BPW // 16):
                v = idx_v[ell, pl.ds(c * 16, 16)]
                mask_v[ell, pl.ds(c * 16, 16)] = jnp.where(v != -1, 1, 0)

        for t in range(_K):
            gather(t, 0, t, gsem0)

        def body(i, _):
            ga = 2 * i
            gb = 2 * i + 1

            @pl.when(i > 0)
            def _():
                for t in range(_K):
                    drain_write(1, t, wsem1)

            for t in range(_K):
                gather(gb * _K + t, 1, t, gsem1)

            for t in range(_K):
                drain_gather(0, t, gsem0)
            for t in range(_K):
                mask_row(ga * _K + t)
                write(ga * _K + t, 0, t, wsem0)
            for t in range(_K):
                drain_write(0, t, wsem0)

            @pl.when(i < _GROUPS // 2 - 1)
            def _():
                for t in range(_K):
                    gather((ga + 2) * _K + t, 0, t, gsem0)

            for t in range(_K):
                drain_gather(1, t, gsem1)
            for t in range(_K):
                mask_row(gb * _K + t)
                write(gb * _K + t, 1, t, wsem1)
            return _

        lax.fori_loop(0, _GROUPS // 2, body, None)

        for t in range(_K):
            drain_write(1, t, wsem1)

        pltpu.sync_copy(mask_v, mask_hbm.at[:, pl.ds(b0, _BPW)])

    return k(idx_t, table)


def kernel(output, action_emb):
    idx_t = jnp.transpose(output, (0, 2, 1))
    emb2d, mask_t = _sc_gather(idx_t, action_emb)
    tgt_emb = emb2d.reshape(B, L, NUM_F_MAPS)
    mask_labels = mask_t.T
    return (tgt_emb, mask_labels)

# --- scband reference (transcript-rebuilt; emitter-appended) ---
"""Pipeline reference for scband-segment-embedding-26800595927500 (READ-ONLY COPY).

The authoritative reference and input builder live on the scoring server;
editing this copy changes nothing except your own understanding.
"""

import jax, jax.numpy as jnp
import numpy as np

NUM_CLASSES = 1000000
NUM_F_MAPS = 64
B = 4096
L = 200


def setup_inputs(seed: int = 0) -> dict:
    key = jax.random.key(seed)
    k1, k2 = jax.random.split(key)
    output = jax.random.randint(k1, (2, B, L), 0, NUM_CLASSES).astype(jnp.int64)
    action_emb = jax.random.normal(k2, (NUM_CLASSES + 2, NUM_F_MAPS), dtype=jnp.float32) * 0.02
    return {"output": output, "action_emb": action_emb}


def reference(output, action_emb):
    output_labels = output[0]
    # mask_labels: ones, zeroed where label == -1
    mask_labels = jnp.where(output_labels == -1, jnp.zeros_like(output_labels), jnp.ones_like(output_labels))
    idx = (output_labels * mask_labels).astype(jnp.int64)
    tgt_emb = jnp.take(action_emb, idx, axis=0) * mask_labels[..., None].astype(action_emb.dtype)
    return (tgt_emb, mask_labels)

if __name__ == "__main__":
    import jax
    _d = setup_inputs()
    print(jax.jit(kernel)(*tuple(_d.values())))

</pallas_src>

<mosaic_0001>
#map = affine_map<(d0, d1) -> (0, 0, 0)>
#map1 = affine_map<(d0, d1) -> (0, 0)>
module attributes {stable_mosaic.version = 14 : i64} {
  func.func @k(%arg0: i32, %arg1: i32, %arg2: memref<2x200x4096xi32, #tpu.memory_space<hbm>>, %arg3: memref<1000002x64xf32, #tpu.memory_space<hbm>>, %arg4: memref<4096x12800xf32, #tpu.memory_space<hbm>>, %arg5: memref<200x4096xi32, #tpu.memory_space<hbm>>, %arg6: memref<200x128xi32, #tpu.memory_space<vmem>>, %arg7: memref<200x128xi32, #tpu.memory_space<vmem>>, %arg8: memref<2x4x128x64xf32, #tpu.memory_space<vmem>>, %arg9: memref<!tpu.dma_semaphore, #tpu.memory_space<semaphore_mem>>, %arg10: memref<!tpu.dma_semaphore, #tpu.memory_space<semaphore_mem>>, %arg11: memref<!tpu.dma_semaphore, #tpu.memory_space<semaphore_mem>>, %arg12: memref<!tpu.dma_semaphore, #tpu.memory_space<semaphore_mem>>) attributes {dimension_semantics = [#tpu.dimension_semantics<core_parallel>, #tpu.dimension_semantics<subcore_parallel>], iteration_bounds = array<i64: 2, 16>, scalar_prefetch = 0 : i64, scratch_operands = 7 : i64, tpu.core_type = #tpu.core_type<sc_vector_subcore>, window_params = [{transform_indices = #map}, {transform_indices = #map1}, {transform_indices = #map1}, {transform_indices = #map1}]} {
    %mul3A = arith.constant 2 : i32
    %mul3A_0 = arith.muli %arg1, %mul3A : i32
    %add3A = arith.addi %mul3A_0, %arg0 : i32
    %mul3A_1 = arith.constant 128 : i32
    %mul3A_2 = arith.muli %add3A, %mul3A_1 : i32
    %run_scoped3A = arith.constant 0 : i32
    "tpu.region"() ({
      %run_scoped3A_113 = tpu.sem_alloc : memref<!tpu.dma_semaphore, #tpu.memory_space<semaphore_mem>>
      %dma_start3A_114 = arith.constant 0 : i32
      %dma_start3A_115 = tpu.memref_slice %arg2[%run_scoped3A, %dma_start3A_114, %mul3A_2] : memref<2x200x4096xi32, #tpu.memory_space<hbm>> -> memref<1x200x128xi32, #tpu.memory_space<hbm>>
      %dma_start3A_116 = tpu.memref_squeeze %dma_start3A_115 : memref<1x200x128xi32, #tpu.memory_space<hbm>> -> memref<200x128xi32, #tpu.memory_space<hbm>>
      %dma_start3A_117 = arith.constant 0 : i32
      %dma_start3A_118 = tpu.memref_slice %arg2[%run_scoped3A, %dma_start3A_117, %mul3A_2] : memref<2x200x4096xi32, #tpu.memory_space<hbm>> -> memref<1x200x128xi32, #tpu.memory_space<hbm>>
      %dma_start3A_119 = tpu.memref_squeeze %dma_start3A_118 : memref<1x200x128xi32, #tpu.memory_space<hbm>> -> memref<200x128xi32, #tpu.memory_space<hbm>>
      tpu.enqueue_dma source(%dma_start3A_119 : memref<200x128xi32, #tpu.memory_space<hbm>>) target(%arg6 : memref<200x128xi32, #tpu.memory_space<vmem>>) target_semaphore(%run_scoped3A_113 : memref<!tpu.dma_semaphore, #tpu.memory_space<semaphore_mem>>)
      %dma_wait3A_120 = arith.constant 0 : i32
      %dma_wait3A_121 = tpu.memref_slice %arg2[%run_scoped3A, %dma_wait3A_120, %mul3A_2] : memref<2x200x4096xi32, #tpu.memory_space<hbm>> -> memref<1x200x128xi32, #tpu.memory_space<hbm>>
      %dma_wait3A_122 = tpu.memref_squeeze %dma_wait3A_121 : memref<1x200x128xi32, #tpu.memory_space<hbm>> -> memref<200x128xi32, #tpu.memory_space<hbm>>
      %dma_wait3A_123 = arith.constant 0 : i32
      %dma_wait3A_124 = tpu.memref_slice %arg2[%run_scoped3A, %dma_wait3A_123, %mul3A_2] : memref<2x200x4096xi32, #tpu.memory_space<hbm>> -> memref<1x200x128xi32, #tpu.memory_space<hbm>>
      %dma_wait3A_125 = tpu.memref_squeeze %dma_wait3A_124 : memref<1x200x128xi32, #tpu.memory_space<hbm>> -> memref<200x128xi32, #tpu.memory_space<hbm>>
      tpu.wait_dma2 semaphore(%run_scoped3A_113 : memref<!tpu.dma_semaphore, #tpu.memory_space<semaphore_mem>>) src(%dma_wait3A_125 : memref<200x128xi32, #tpu.memory_space<hbm>>) dst(%arg6 : memref<200x128xi32, #tpu.memory_space<vmem>>)
      tpu.yield
    }) : () -> ()
    %dma_start3A = arith.constant 0 : i32
    %dma_start3A_3 = arith.constant 0 : i32
    %dma_start3A_4 = arith.constant 0 : i32
    %dma_start3A_5 = arith.constant 0 : i32
    %dma_start3A_6 = arith.constant 0 : i32
    %dma_start3A_7 = tpu.memref_slice %arg8[%dma_start3A_3, %dma_start3A_4, %dma_start3A_5, %dma_start3A_6] : memref<2x4x128x64xf32, #tpu.memory_space<vmem>> -> memref<1x1x128x64xf32, #tpu.memory_space<vmem>>
    %dma_start3A_8 = tpu.memref_squeeze %dma_start3A_7 : memref<1x1x128x64xf32, #tpu.memory_space<vmem>> -> memref<128x64xf32, #tpu.memory_space<vmem>>
    %dma_start3A_9 = arith.constant 0 : i32
    %dma_start3A_10 = tpu.memref_slice %arg6[%dma_start3A, %dma_start3A_9] : memref<200x128xi32, #tpu.memory_space<vmem>> -> memref<1x128xi32, #tpu.memory_space<vmem>>
    %dma_start3A_11 = tpu.memref_squeeze %dma_start3A_10 : memref<1x128xi32, #tpu.memory_space<vmem>> -> memref<128xi32, #tpu.memory_space<vmem>>
    %dma_start3A_12 = arith.constant 0 : i32
    %dma_start3A_13 = arith.constant 0 : i32
    %dma_start3A_14 = tpu.memref_slice %arg3[%dma_start3A_12, %dma_start3A_13] : memref<1000002x64xf32, #tpu.memory_space<hbm>> -> memref<1000002x64xf32, #tpu.memory_space<hbm>>
    tpu.enqueue_indirect_dma source(%dma_start3A_14 : memref<1000002x64xf32, #tpu.memory_space<hbm>>) target(%dma_start3A_8 : memref<128x64xf32, #tpu.memory_space<vmem>>) offsets(%dma_start3A_11 : memref<128xi32, #tpu.memory_space<vmem>>) semaphore(%arg9 : memref<!tpu.dma_semaphore, #tpu.memory_space<semaphore_mem>>)
    %dma_start3A_15 = arith.constant 1 : i32
    %dma_start3A_16 = arith.constant 0 : i32
    %dma_start3A_17 = arith.constant 1 : i32
    %dma_start3A_18 = arith.constant 0 : i32
    %dma_start3A_19 = arith.constant 0 : i32
    %dma_start3A_20 = tpu.memref_slice %arg8[%dma_start3A_16, %dma_start3A_17, %dma_start3A_18, %dma_start3A_19] : memref<2x4x128x64xf32, #tpu.memory_space<vmem>> -> memref<1x1x128x64xf32, #tpu.memory_space<vmem>>
    %dma_start3A_21 = tpu.memref_squeeze %dma_start3A_20 : memref<1x1x128x64xf32, #tpu.memory_space<vmem>> -> memref<128x64xf32, #tpu.memory_space<vmem>>
    %dma_start3A_22 = arith.constant 0 : i32
    %dma_start3A_23 = tpu.memref_slice %arg6[%dma_start3A_15, %dma_start3A_22] : memref<200x128xi32, #tpu.memory_space<vmem>> -> memref<1x128xi32, #tpu.memory_space<vmem>>
    %dma_start3A_24 = tpu.memref_squeeze %dma_start3A_23 : memref<1x128xi32, #tpu.memory_space<vmem>> -> memref<128xi32, #tpu.memory_space<vmem>>
    %dma_start3A_25 = arith.constant 0 : i32
    %dma_start3A_26 = arith.constant 0 : i32
    %dma_start3A_27 = tpu.memref_slice %arg3[%dma_start3A_25, %dma_start3A_26] : memref<1000002x64xf32, #tpu.memory_space<hbm>> -> memref<1000002x64xf32, #tpu.memory_space<hbm>>
    tpu.enqueue_indirect_dma source(%dma_start3A_27 : memref<1000002x64xf32, #tpu.memory_space<hbm>>) target(%dma_start3A_21 : memref<128x64xf32, #tpu.memory_space<vmem>>) offsets(%dma_start3A_24 : memref<128xi32, #tpu.memory_space<vmem>>) semaphore(%arg9 : memref<!tpu.dma_semaphore, #tpu.memory_space<semaphore_mem>>)
    %dma_start3A_28 = arith.constant 2 : i32
    %dma_start3A_29 = arith.constant 0 : i32
    %dma_start3A_30 = arith.constant 2 : i32
    %dma_start3A_31 = arith.constant 0 : i32
    %dma_start3A_32 = arith.constant 0 : i32
    %dma_start3A_33 = tpu.memref_slice %arg8[%dma_start3A_29, %dma_start3A_30, %dma_start3A_31, %dma_start3A_32] : memref<2x4x128x64xf32, #tpu.memory_space<vmem>> -> memref<1x1x128x64xf32, #tpu.memory_space<vmem>>
    %dma_start3A_34 = tpu.memref_squeeze %dma_start3A_33 : memref<1x1x128x64xf32, #tpu.memory_space<vmem>> -> memref<128x64xf32, #tpu.memory_space<vmem>>
    %dma_start3A_35 = arith.constant 0 : i32
    %dma_start3A_36 = tpu.memref_slice %arg6[%dma_start3A_28, %dma_start3A_35] : memref<200x128xi32, #tpu.memory_space<vmem>> -> memref<1x128xi32, #tpu.memory_space<vmem>>
    %dma_start3A_37 = tpu.memref_squeeze %dma_start3A_36 : memref<1x128xi32, #tpu.memory_space<vmem>> -> memref<128xi32, #tpu.memory_space<vmem>>
    %dma_start3A_38 = arith.constant 0 : i32
    %dma_start3A_39 = arith.constant 0 : i32
    %dma_start3A_40 = tpu.memref_slice %arg3[%dma_start3A_38, %dma_start3A_39] : memref<1000002x64xf32, #tpu.memory_space<hbm>> -> memref<1000002x64xf32, #tpu.memory_space<hbm>>
    tpu.enqueue_indirect_dma source(%dma_start3A_40 : memref<1000002x64xf32, #tpu.memory_space<hbm>>) target(%dma_start3A_34 : memref<128x64xf32, #tpu.memory_space<vmem>>) offsets(%dma_start3A_37 : memref<128xi32, #tpu.memory_space<vmem>>) semaphore(%arg9 : memref<!tpu.dma_semaphore, #tpu.memory_space<semaphore_mem>>)
    %dma_start3A_41 = arith.constant 3 : i32
    %dma_start3A_42 = arith.constant 0 : i32
    %dma_start3A_43 = arith.constant 3 : i32
    %dma_start3A_44 = arith.constant 0 : i32
    %dma_start3A_45 = arith.constant 0 : i32
    %dma_start3A_46 = tpu.memref_slice %arg8[%dma_start3A_42, %dma_start3A_43, %dma_start3A_44, %dma_start3A_45] : memref<2x4x128x64xf32, #tpu.memory_space<vmem>> -> memref<1x1x128x64xf32, #tpu.memory_space<vmem>>
    %dma_start3A_47 = tpu.memref_squeeze %dma_start3A_46 : memref<1x1x128x64xf32, #tpu.memory_space<vmem>> -> memref<128x64xf32, #tpu.memory_space<vmem>>
    %dma_start3A_48 = arith.constant 0 : i32
    %dma_start3A_49 = tpu.memref_slice %arg6[%dma_start3A_41, %dma_start3A_48] : memref<200x128xi32, #tpu.memory_space<vmem>> -> memref<1x128xi32, #tpu.memory_space<vmem>>
    %dma_start3A_50 = tpu.memref_squeeze %dma_start3A_49 : memref<1x128xi32, #tpu.memory_space<vmem>> -> memref<128xi32, #tpu.memory_space<vmem>>
    %dma_start3A_51 = arith.constant 0 : i32
    %dma_start3A_52 = arith.constant 0 : i32
    %dma_start3A_53 = tpu.memref_slice %arg3[%dma_start3A_51, %dma_start3A_52] : memref<1000002x64xf32, #tpu.memory_space<hbm>> -> memref<1000002x64xf32, #tpu.memory_space<hbm>>
    tpu.enqueue_indirect_dma source(%dma_start3A_53 : memref<1000002x64xf32, #tpu.memory_space<hbm>>) target(%dma_start3A_47 : memref<128x64xf32, #tpu.memory_space<vmem>>) offsets(%dma_start3A_50 : memref<128xi32, #tpu.memory_space<vmem>>) semaphore(%arg9 : memref<!tpu.dma_semaphore, #tpu.memory_space<semaphore_mem>>)
    %scan3A = arith.constant 0 : i32
    %scan3A_54 = arith.constant 25 : i32
    %scan3A_55 = arith.addi %scan3A, %scan3A_54 : i32
    %scan3A_56 = arith.constant 1 : i32
    scf.for %scan3A_113 = %scan3A to %scan3A_55 step %scan3A_56  : i32 {
      %mul3A_114 = arith.constant 2 : i32
      %mul3A_115 = arith.muli %mul3A_114, %scan3A_113 : i32
      %mul3A_116 = arith.constant 2 : i32
      %mul3A_117 = arith.muli %mul3A_116, %scan3A_113 : i32
      %add3A_118 = arith.constant 1 : i32
      %add3A_119 = arith.addi %mul3A_117, %add3A_118 : i32
      %gt3A = arith.constant 0 : i32
      %gt3A_120 = arith.cmpi sgt, %scan3A_113, %gt3A : i32
      %convert_element_type3A = arith.extui %gt3A_120 : i1 to i32
      %cond3A = arith.constant 0 : i32
      %cond3A_121 = arith.cmpi ne, %convert_element_type3A, %cond3A : i32
      scf.if %cond3A_121 {
        %dma_wait3A_1608 = arith.constant 1 : i32
        %dma_wait3A_1609 = arith.constant 0 : i32
        %dma_wait3A_1610 = arith.constant 0 : i32
        %dma_wait3A_1611 = arith.constant 0 : i32
        %dma_wait3A_1612 = tpu.memref_slice %arg8[%dma_wait3A_1608, %dma_wait3A_1609, %dma_wait3A_1610, %dma_wait3A_1611] : memref<2x4x128x64xf32, #tpu.memory_space<vmem>> -> memref<1x1x128x64xf32, #tpu.memory_space<vmem>>
        %dma_wait3A_1613 = tpu.memref_squeeze %dma_wait3A_1612 : memref<1x1x128x64xf32, #tpu.memory_space<vmem>> -> memref<128x64xf32, #tpu.memory_space<vmem>>
        %dma_wait3A_1614 = arith.constant 0 : i32
        %dma_wait3A_1615 = tpu.memref_slice %arg4[%mul3A_2, %dma_wait3A_1614] : memref<4096x12800xf32, #tpu.memory_space<hbm>> -> memref<128x64xf32, #tpu.memory_space<hbm>>
        %dma_wait3A_1616 = arith.constant 0 : i32
        %dma_wait3A_1617 = tpu.memref_slice %arg4[%mul3A_2, %dma_wait3A_1616] : memref<4096x12800xf32, #tpu.memory_space<hbm>> -> memref<128x64xf32, #tpu.memory_space<hbm>>
        %dma_wait3A_1618 = arith.constant 0 : i32
        %dma_wait3A_1619 = arith.constant 0 : i32
        %dma_wait3A_1620 = tpu.memref_slice %arg8[%dma_wait3A_1608, %dma_wait3A_1609, %dma_wait3A_1618, %dma_wait3A_1619] : memref<2x4x128x64xf32, #tpu.memory_space<vmem>> -> memref<1x1x128x64xf32, #tpu.memory_space<vmem>>
        %dma_wait3A_1621 = tpu.memref_squeeze %dma_wait3A_1620 : memref<1x1x128x64xf32, #tpu.memory_space<vmem>> -> memref<128x64xf32, #tpu.memory_space<vmem>>
        tpu.wait_dma2 semaphore(%arg12 : memref<!tpu.dma_semaphore, #tpu.memory_space<semaphore_mem>>) src(%dma_wait3A_1621 : memref<128x64xf32, #tpu.memory_space<vmem>>) dst(%dma_wait3A_1617 : memref<128x64xf32, #tpu.memory_space<hbm>>)
        %dma_wait3A_1622 = arith.constant 1 : i32
        %dma_wait3A_1623 = arith.constant 1 : i32
        %dma_wait3A_1624 = arith.constant 0 : i32
        %dma_wait3A_1625 = arith.constant 0 : i32
        %dma_wait3A_1626 = tpu.memref_slice %arg8[%dma_wait3A_1622, %dma_wait3A_1623, %dma_wait3A_1624, %dma_wait3A_1625] : memref<2x4x128x64xf32, #tpu.memory_space<vmem>> -> memref<1x1x128x64xf32, #tpu.memory_space<vmem>>
        %dma_wait3A_1627 = tpu.memref_squeeze %dma_wait3A_1626 : memref<1x1x128x64xf32, #tpu.memory_space<vmem>> -> memref<128x64xf32, #tpu.memory_space<vmem>>
        %dma_wait3A_1628 = arith.constant 0 : i32
        %dma_wait3A_1629 = tpu.memref_slice %arg4[%mul3A_2, %dma_wait3A_1628] : memref<4096x12800xf32, #tpu.memory_space<hbm>> -> memref<128x64xf32, #tpu.memory_space<hbm>>
        %dma_wait3A_1630 = arith.constant 0 : i32
        %dma_wait3A_1631 = tpu.memref_slice %arg4[%mul3A_2, %dma_wait3A_1630] : memref<4096x12800xf32, #tpu.memory_space<hbm>> -> memref<128x64xf32, #tpu.memory_space<hbm>>
        %dma_wait3A_1632 = arith.constant 0 : i32
        %dma_wait3A_1633 = arith.constant 0 : i32
        %dma_wait3A_1634 = tpu.memref_slice %arg8[%dma_wait3A_1622, %dma_wait3A_1623, %dma_wait3A_1632, %dma_wait3A_1633] : memref<2x4x128x64xf32, #tpu.memory_space<vmem>> -> memref<1x1x128x64xf32, #tpu.memory_space<vmem>>
        %dma_wait3A_1635 = tpu.memref_squeeze %dma_wait3A_1634 : memref<1x1x128x64xf32, #tpu.memory_space<vmem>> -> memref<128x64xf32, #tpu.memory_space<vmem>>
        tpu.wait_dma2 semaphore(%arg12 : memref<!tpu.dma_semaphore, #tpu.memory_space<semaphore_mem>>) src(%dma_wait3A_1635 : memref<128x64xf32, #tpu.memory_space<vmem>>) dst(%dma_wait3A_1631 : memref<128x64xf32, #tpu.memory_space<hbm>>)
        %dma_wait3A_1636 = arith.constant 1 : i32
        %dma_wait3A_1637 = arith.constant 2 : i32
        %dma_wait3A_1638 = arith.constant 0 : i32
        %dma_wait3A_1639 = arith.constant 0 : i32
        %dma_wait3A_1640 = tpu.memref_slice %arg8[%dma_wait3A_1636, %dma_wait3A_1637, %dma_wait3A_1638, %dma_wait3A_1639] : memref<2x4x128x64xf32, #tpu.memory_space<vmem>> -> memref<1x1x128x64xf32, #tpu.memory_space<vmem>>
        %dma_wait3A_1641 = tpu.memref_squeeze %dma_wait3A_1640 : memref<1x1x128x64xf32, #tpu.memory_space<vmem>> -> memref<128x64xf32, #tpu.memory_space<vmem>>
        %dma_wait3A_1642 = arith.constant 0 : i32
        %dma_wait3A_1643 = tpu.memref_slice %arg4[%mul3A_2, %dma_wait3A_1642] : memref<4096x12800xf32, #tpu.memory_space<hbm>> -> memref<128x64xf32, #tpu.memory_space<hbm>>
        %dma_wait3A_1644 = arith.constant 0 : i32
        %dma_wait3A_1645 = tpu.memref_slice %arg4[%mul3A_2, %dma_wait3A_1644] : memref<4096x12800xf32, #tpu.memory_space<hbm>> -> memref<128x64xf32, #tpu.memory_space<hbm>>
        %dma_wait3A_1646 = arith.constant 0 : i32
        %dma_wait3A_1647 = arith.constant 0 : i32
        %dma_wait3A_1648 = tpu.memref_slice %arg8[%dma_wait3A_1636, %dma_wait3A_1637, %dma_wait3A_1646, %dma_wait3A_1647] : memref<2x4x128x64xf32, #tpu.memory_space<vmem>> -> memref<1x1x128x64xf32, #tpu.memory_space<vmem>>
        %dma_wait3A_1649 = tpu.memref_squeeze %dma_wait3A_1648 : memref<1x1x128x64xf32, #tpu.memory_space<vmem>> -> memref<128x64xf32, #tpu.memory_space<vmem>>
        tpu.wait_dma2 semaphore(%arg12 : memref<!tpu.dma_semaphore, #tpu.memory_space<semaphore_mem>>) src(%dma_wait3A_1649 : memref<128x64xf32, #tpu.memory_space<vmem>>) dst(%dma_wait3A_1645 : memref<128x64xf32, #tpu.memory_space<hbm>>)
        %dma_wait3A_1650 = arith.constant 1 : i32
        %dma_wait3A_1651 = arith.constant 3 : i32
        %dma_wait3A_1652 = arith.constant 0 : i32
        %dma_wait3A_1653 = arith.constant 0 : i32
        %dma_wait3A_1654 = tpu.memref_slice %arg8[%dma_wait3A_1650, %dma_wait3A_1651, %dma_wait3A_1652, %dma_wait3A_1653] : memref<2x4x128x64xf32, #tpu.memory_space<vmem>> -> memref<1x1x128x64xf32, #tpu.memory_space<vmem>>
        %dma_wait3A_1655 = tpu.memref_squeeze %dma_wait3A_1654 : memref<1x1x128x64xf32, #tpu.memory_space<vmem>> -> memref<128x64xf32, #tpu.memory_space<vmem>>
        %dma_wait3A_1656 = arith.constant 0 : i32
        %dma_wait3A_1657 = tpu.memref_slice %arg4[%mul3A_2, %dma_wait3A_1656] : memref<4096x12800xf32, #tpu.memory_space<hbm>> -> memref<128x64xf32, #tpu.memory_space<hbm>>
        %dma_wait3A_1658 = arith.constant 0 : i32
        %dma_wait3A_1659 = tpu.memref_slice %arg4[%mul3A_2, %dma_wait3A_1658] : memref<4096x12800xf32, #tpu.memory_space<hbm>> -> memref<128x64xf32, #tpu.memory_space<hbm>>
        %dma_wait3A_1660 = arith.constant 0 : i32
        %dma_wait3A_1661 = arith.constant 0 : i32
        %dma_wait3A_1662 = tpu.memref_slice %arg8[%dma_wait3A_1650, %dma_wait3A_1651, %dma_wait3A_1660, %dma_wait3A_1661] : memref<2x4x128x64xf32, #tpu.memory_space<vmem>> -> memref<1x1x128x64xf32, #tpu.memory_space<vmem>>
        %dma_wait3A_1663 = tpu.memref_squeeze %dma_wait3A_1662 : memref<1x1x128x64xf32, #tpu.memory_space<vmem>> -> memref<128x64xf32, #tpu.memory_space<vmem>>
        tpu.wait_dma2 semaphore(%arg12 : memref<!tpu.dma_semaphore, #tpu.memory_space<semaphore_mem>>) src(%dma_wait3A_1663 : memref<128x64xf32, #tpu.memory_space<vmem>>) dst(%dma_wait3A_1659 : memref<128x64xf32, #tpu.memory_space<hbm>>)
      } else {
      }
      %mul3A_122 = arith.constant 4 : i32
      %mul3A_123 = arith.muli %add3A_119, %mul3A_122 : i32
      %add3A_124 = arith.constant 0 : i32
      %add3A_125 = arith.addi %mul3A_123, %add3A_124 : i32
      %dma_start3A_126 = arith.constant 1 : i32
      %dma_start3A_127 = arith.constant 0 : i32
      %dma_start3A_128 = arith.constant 0 : i32
      %dma_start3A_129 = arith.constant 0 : i32
      %dma_start3A_130 = tpu.memref_slice %arg8[%dma_start3A_126, %dma_start3A_127, %dma_start3A_128, %dma_start3A_129] : memref<2x4x128x64xf32, #tpu.memory_space<vmem>> -> memref<1x1x128x64xf32, #tpu.memory_space<vmem>>
      %dma_start3A_131 = tpu.memref_squeeze %dma_start3A_130 : memref<1x1x128x64xf32, #tpu.memory_space<vmem>> -> memref<128x64xf32, #tpu.memory_space<vmem>>
      %dma_start3A_132 = arith.constant 0 : i32
      %dma_start3A_133 = tpu.memref_slice %arg6[%add3A_125, %dma_start3A_132] : memref<200x128xi32, #tpu.memory_space<vmem>> -> memref<1x128xi32, #tpu.memory_space<vmem>>
      %dma_start3A_134 = tpu.memref_squeeze %dma_start3A_133 : memref<1x128xi32, #tpu.memory_space<vmem>> -> memref<128xi32, #tpu.memory_space<vmem>>
      %dma_start3A_135 = arith.constant 0 : i32
      %dma_start3A_136 = arith.constant 0 : i32
      %dma_start3A_137 = tpu.memref_slice %arg3[%dma_start3A_135, %dma_start3A_136] : memref<1000002x64xf32, #tpu.memory_space<hbm>> -> memref<1000002x64xf32, #tpu.memory_space<hbm>>
      tpu.enqueue_indirect_dma source(%dma_start3A_137 : memref<1000002x64xf32, #tpu.memory_space<hbm>>) target(%dma_start3A_131 : memref<128x64xf32, #tpu.memory_space<vmem>>) offsets(%dma_start3A_134 : memref<128xi32, #tpu.memory_space<vmem>>) semaphore(%arg10 : memref<!tpu.dma_semaphore, #tpu.memory_space<semaphore_mem>>)
      %mul3A_138 = arith.constant 4 : i32
      %mul3A_139 = arith.muli %add3A_119, %mul3A_138 : i32
      %add3A_140 = arith.constant 1 : i32
      %add3A_141 = arith.addi %mul3A_139, %add3A_140 : i32
      %dma_start3A_142 = arith.constant 1 : i32
      %dma_start3A_143 = arith.constant 1 : i32
      %dma_start3A_144 = arith.constant 0 : i32
      %dma_start3A_145 = arith.constant 0 : i32
      %dma_start3A_146 = tpu.memref_slice %arg8[%dma_start3A_142, %dma_start3A_143, %dma_start3A_144, %dma_start3A_145] : memref<2x4x128x64xf32, #tpu.memory_space<vmem>> -> memref<1x1x128x64xf32, #tpu.memory_space<vmem>>
      %dma_start3A_147 = tpu.memref_squeeze %dma_start3A_146 : memref<1x1x128x64xf32, #tpu.memory_space<vmem>> -> memref<128x64xf32, #tpu.memory_space<vmem>>
      %dma_start3A_148 = arith.constant 0 : i32
      %dma_start3A_149 = tpu.memref_slice %arg6[%add3A_141, %dma_start3A_148] : memref<200x128xi32, #tpu.memory_space<vmem>> -> memref<1x128xi32, #tpu.memory_space<vmem>>
      %dma_start3A_150 = tpu.memref_squeeze %dma_start3A_149 : memref<1x128xi32, #tpu.memory_space<vmem>> -> memref<128xi32, #tpu.memory_space<vmem>>
      %dma_start3A_151 = arith.constant 0 : i32
      %dma_start3A_152 = arith.constant 0 : i32
      %dma_start3A_153 = tpu.memref_slice %arg3[%dma_start3A_151, %dma_start3A_152] : memref<1000002x64xf32, #tpu.memory_space<hbm>> -> memref<1000002x64xf32, #tpu.memory_space<hbm>>
      tpu.enqueue_indirect_dma source(%dma_start3A_153 : memref<1000002x64xf32, #tpu.memory_space<hbm>>) target(%dma_start3A_147 : memref<128x64xf32, #tpu.memory_space<vmem>>) offsets(%dma_start3A_150 : memref<128xi32, #tpu.memory_space<vmem>>) semaphore(%arg10 : memref<!tpu.dma_semaphore, #tpu.memory_space<semaphore_mem>>)
      %mul3A_154 = arith.constant 4 : i32
      %mul3A_155 = arith.muli %add3A_119, %mul3A_154 : i32
      %add3A_156 = arith.constant 2 : i32
      %add3A_157 = arith.addi %mul3A_155, %add3A_156 : i32
      %dma_start3A_158 = arith.constant 1 : i32
      %dma_start3A_159 = arith.constant 2 : i32
      %dma_start3A_160 = arith.constant 0 : i32
      %dma_start3A_161 = arith.constant 0 : i32
      %dma_start3A_162 = tpu.memref_slice %arg8[%dma_start3A_158, %dma_start3A_159, %dma_start3A_160, %dma_start3A_161] : memref<2x4x128x64xf32, #tpu.memory_space<vmem>> -> memref<1x1x128x64xf32, #tpu.memory_space<vmem>>
      %dma_start3A_163 = tpu.memref_squeeze %dma_start3A_162 : memref<1x1x128x64xf32, #tpu.memory_space<vmem>> -> memref<128x64xf32, #tpu.memory_space<vmem>>
      %dma_start3A_164 = arith.constant 0 : i32
      %dma_start3A_165 = tpu.memref_slice %arg6[%add3A_157, %dma_start3A_164] : memref<200x128xi32, #tpu.memory_space<vmem>> -> memref<1x128xi32, #tpu.memory_space<vmem>>
      %dma_start3A_166 = tpu.memref_squeeze %dma_start3A_165 : memref<1x128xi32, #tpu.memory_space<vmem>> -> memref<128xi32, #tpu.memory_space<vmem>>
      %dma_start3A_167 = arith.constant 0 : i32
      %dma_start3A_168 = arith.constant 0 : i32
      %dma_start3A_169 = tpu.memref_slice %arg3[%dma_start3A_167, %dma_start3A_168] : memref<1000002x64xf32, #tpu.memory_space<hbm>> -> memref<1000002x64xf32, #tpu.memory_space<hbm>>
      tpu.enqueue_indirect_dma source(%dma_start3A_169 : memref<1000002x64xf32, #tpu.memory_space<hbm>>) target(%dma_start3A_163 : memref<128x64xf32, #tpu.memory_space<vmem>>) offsets(%dma_start3A_166 : memref<128xi32, #tpu.memory_space<vmem>>) semaphore(%arg10 : memref<!tpu.dma_semaphore, #tpu.memory_space<semaphore_mem>>)
      %mul3A_170 = arith.constant 4 : i32
      %mul3A_171 = arith.muli %add3A_119, %mul3A_170 : i32
      %add3A_172 = arith.constant 3 : i32
      %add3A_173 = arith.addi %mul3A_171, %add3A_172 : i32
      %dma_start3A_174 = arith.constant 1 : i32
      %dma_start3A_175 = arith.constant 3 : i32
      %dma_start3A_176 = arith.constant 0 : i32
      %dma_start3A_177 = arith.constant 0 : i32
      %dma_start3A_178 = tpu.memref_slice %arg8[%dma_start3A_174, %dma_start3A_175, %dma_start3A_176, %dma_start3A_177] : memref<2x4x128x64xf32, #tpu.memory_space<vmem>> -> memref<1x1x128x64xf32, #tpu.memory_space<vmem>>
      %dma_start3A_179 = tpu.memref_squeeze %dma_start3A_178 : memref<1x1x128x64xf32, #tpu.memory_space<vmem>> -> memref<128x64xf32, #tpu.memory_space<vmem>>
      %dma_start3A_180 = arith.constant 0 : i32
      %dma_start3A_181 = tpu.memref_slice %arg6[%add3A_173, %dma_start3A_180] : memref<200x128xi32, #tpu.memory_space<vmem>> -> memref<1x128xi32, #tpu.memory_space<vmem>>
      %dma_start3A_182 = tpu.memref_squeeze %dma_start3A_181 : memref<1x128xi32, #tpu.memory_space<vmem>> -> memref<128xi32, #tpu.memory_space<vmem>>
      %dma_start3A_183 = arith.constant 0 : i32
      %dma_start3A_184 = arith.constant 0 : i32
      %dma_start3A_185 = tpu.memref_slice %arg3[%dma_start3A_183, %dma_start3A_184] : memref<1000002x64xf32, #tpu.memory_space<hbm>> -> memref<1000002x64xf32, #tpu.memory_space<hbm>>
      tpu.enqueue_indirect_dma source(%dma_start3A_185 : memref<1000002x64xf32, #tpu.memory_space<hbm>>) target(%dma_start3A_179 : memref<128x64xf32, #tpu.memory_space<vmem>>) offsets(%dma_start3A_182 : memref<128xi32, #tpu.memory_space<vmem>>) semaphore(%arg10 : memref<!tpu.dma_semaphore, #tpu.memory_space<semaphore_mem>>)
      %dma_wait3A_186 = arith.constant 0 : i32
      %dma_wait3A_187 = arith.constant 0 : i32
      %dma_wait3A_188 = arith.constant 0 : i32
      %dma_wait3A_189 = arith.constant 0 : i32
      %dma_wait3A_190 = arith.constant 0 : i32
      %dma_wait3A_191 = tpu.memref_slice %arg8[%dma_wait3A_187, %dma_wait3A_188, %dma_wait3A_189, %dma_wait3A_190] : memref<2x4x128x64xf32, #tpu.memory_space<vmem>> -> memref<1x1x128x64xf32, #tpu.memory_space<vmem>>
      %dma_wait3A_192 = tpu.memref_squeeze %dma_wait3A_191 : memref<1x1x128x64xf32, #tpu.memory_space<vmem>> -> memref<128x64xf32, #tpu.memory_space<vmem>>
      %dma_wait3A_193 = arith.constant 0 : i32
      %dma_wait3A_194 = tpu.memref_slice %arg6[%dma_wait3A_186, %dma_wait3A_193] : memref<200x128xi32, #tpu.memory_space<vmem>> -> memref<1x128xi32, #tpu.memory_space<vmem>>
      %dma_wait3A_195 = tpu.memref_squeeze %dma_wait3A_194 : memref<1x128xi32, #tpu.memory_space<vmem>> -> memref<128xi32, #tpu.memory_space<vmem>>
      %dma_wait3A_196 = arith.constant 0 : i32
      %dma_wait3A_197 = arith.constant 0 : i32
      %dma_wait3A_198 = tpu.memref_slice %arg3[%dma_wait3A_196, %dma_wait3A_197] : memref<1000002x64xf32, #tpu.memory_space<hbm>> -> memref<1000002x64xf32, #tpu.memory_space<hbm>>
      tpu.wait_indirect_dma semaphore(%arg9 : memref<!tpu.dma_semaphore, #tpu.memory_space<semaphore_mem>>) src(%dma_wait3A_198 : memref<1000002x64xf32, #tpu.memory_space<hbm>>) dst(%dma_wait3A_192 : memref<128x64xf32, #tpu.memory_space<vmem>>)
      %dma_wait3A_199 = arith.constant 0 : i32
      %dma_wait3A_200 = arith.constant 0 : i32
      %dma_wait3A_201 = arith.constant 1 : i32
      %dma_wait3A_202 = arith.constant 0 : i32
      %dma_wait3A_203 = arith.constant 0 : i32
      %dma_wait3A_204 = tpu.memref_slice %arg8[%dma_wait3A_200, %dma_wait3A_201, %dma_wait3A_202, %dma_wait3A_203] : memref<2x4x128x64xf32, #tpu.memory_space<vmem>> -> memref<1x1x128x64xf32, #tpu.memory_space<vmem>>
      %dma_wait3A_205 = tpu.memref_squeeze %dma_wait3A_204 : memref<1x1x128x64xf32, #tpu.memory_space<vmem>> -> memref<128x64xf32, #tpu.memory_space<vmem>>
      %dma_wait3A_206 = arith.constant 0 : i32
      %dma_wait3A_207 = tpu.memref_slice %arg6[%dma_wait3A_199, %dma_wait3A_206] : memref<200x128xi32, #tpu.memory_space<vmem>> -> memref<1x128xi32, #tpu.memory_space<vmem>>
      %dma_wait3A_208 = tpu.memref_squeeze %dma_wait3A_207 : memref<1x128xi32, #tpu.memory_space<vmem>> -> memref<128xi32, #tpu.memory_space<vmem>>
      %dma_wait3A_209 = arith.constant 0 : i32
      %dma_wait3A_210 = arith.constant 0 : i32
      %dma_wait3A_211 = tpu.memref_slice %arg3[%dma_wait3A_209, %dma_wait3A_210] : memref<1000002x64xf32, #tpu.memory_space<hbm>> -> memref<1000002x64xf32, #tpu.memory_space<hbm>>
      tpu.wait_indirect_dma semaphore(%arg9 : memref<!tpu.dma_semaphore, #tpu.memory_space<semaphore_mem>>) src(%dma_wait3A_211 : memref<1000002x64xf32, #tpu.memory_space<hbm>>) dst(%dma_wait3A_205 : memref<128x64xf32, #tpu.memory_space<vmem>>)
      %dma_wait3A_212 = arith.constant 0 : i32
      %dma_wait3A_213 = arith.constant 0 : i32
      %dma_wait3A_214 = arith.constant 2 : i32
      %dma_wait3A_215 = arith.constant 0 : i32
      %dma_wait3A_216 = arith.constant 0 : i32
      %dma_wait3A_217 = tpu.memref_slice %arg8[%dma_wait3A_213, %dma_wait3A_214, %dma_wait3A_215, %dma_wait3A_216] : memref<2x4x128x64xf32, #tpu.memory_space<vmem>> -> memref<1x1x128x64xf32, #tpu.memory_space<vmem>>
      %dma_wait3A_218 = tpu.memref_squeeze %dma_wait3A_217 : memref<1x1x128x64xf32, #tpu.memory_space<vmem>> -> memref<128x64xf32, #tpu.memory_space<vmem>>
      %dma_wait3A_219 = arith.constant 0 : i32
      %dma_wait3A_220 = tpu.memref_slice %arg6[%dma_wait3A_212, %dma_wait3A_219] : memref<200x128xi32, #tpu.memory_space<vmem>> -> memref<1x128xi32, #tpu.memory_space<vmem>>
      %dma_wait3A_221 = tpu.memref_squeeze %dma_wait3A_220 : memref<1x128xi32, #tpu.memory_space<vmem>> -> memref<128xi32, #tpu.memory_space<vmem>>
      %dma_wait3A_222 = arith.constant 0 : i32
      %dma_wait3A_223 = arith.constant 0 : i32
      %dma_wait3A_224 = tpu.memref_slice %arg3[%dma_wait3A_222, %dma_wait3A_223] : memref<1000002x64xf32, #tpu.memory_space<hbm>> -> memref<1000002x64xf32, #tpu.memory_space<hbm>>
      tpu.wait_indirect_dma semaphore(%arg9 : memref<!tpu.dma_semaphore, #tpu.memory_space<semaphore_mem>>) src(%dma_wait3A_224 : memref<1000002x64xf32, #tpu.memory_space<hbm>>) dst(%dma_wait3A_218 : memref<128x64xf32, #tpu.memory_space<vmem>>)
      %dma_wait3A_225 = arith.constant 0 : i32
      %dma_wait3A_226 = arith.constant 0 : i32
      %dma_wait3A_227 = arith.constant 3 : i32
      %dma_wait3A_228 = arith.constant 0 : i32
      %dma_wait3A_229 = arith.constant 0 : i32
      %dma_wait3A_230 = tpu.memref_slice %arg8[%dma_wait3A_226, %dma_wait3A_227, %dma_wait3A_228, %dma_wait3A_229] : memref<2x4x128x64xf32, #tpu.memory_space<vmem>> -> memref<1x1x128x64xf32, #tpu.memory_space<vmem>>
      %dma_wait3A_231 = tpu.memref_squeeze %dma_wait3A_230 : memref<1x1x128x64xf32, #tpu.memory_space<vmem>> -> memref<128x64xf32, #tpu.memory_space<vmem>>
      %dma_wait3A_232 = arith.constant 0 : i32
      %dma_wait3A_233 = tpu.memref_slice %arg6[%dma_wait3A_225, %dma_wait3A_232] : memref<200x128xi32, #tpu.memory_space<vmem>> -> memref<1x128xi32, #tpu.memory_space<vmem>>
      %dma_wait3A_234 = tpu.memref_squeeze %dma_wait3A_233 : memref<1x128xi32, #tpu.memory_space<vmem>> -> memref<128xi32, #tpu.memory_space<vmem>>
      %dma_wait3A_235 = arith.constant 0 : i32
      %dma_wait3A_236 = arith.constant 0 : i32
      %dma_wait3A_237 = tpu.memref_slice %arg3[%dma_wait3A_235, %dma_wait3A_236] : memref<1000002x64xf32, #tpu.memory_space<hbm>> -> memref<1000002x64xf32, #tpu.memory_space<hbm>>
      tpu.wait_indirect_dma semaphore(%arg9 : memref<!tpu.dma_semaphore, #tpu.memory_space<semaphore_mem>>) src(%dma_wait3A_237 : memref<1000002x64xf32, #tpu.memory_space<hbm>>) dst(%dma_wait3A_231 : memref<128x64xf32, #tpu.memory_space<vmem>>)
      %mul3A_238 = arith.constant 4 : i32
      %mul3A_239 = arith.muli %mul3A_115, %mul3A_238 : i32
      %add3A_240 = arith.constant 0 : i32
      %add3A_241 = arith.addi %mul3A_239, %add3A_240 : i32
      %get3A = arith.index_cast %add3A_241 : i32 to index
      %get3A_242 = arith.constant 0 : index
      %get3A_243 = tpu.vector_load %arg6[%get3A, %get3A_242] {strides = array<i32>} : memref<200x128xi32, #tpu.memory_space<vmem>>, vector<1x16xi32>,
      %get3A_244 = vector.shape_cast %get3A_243 : vector<1x16xi32> to vector<16xi32>
      %ne3A = arith.constant -1 : i32
      %ne3A_245 = vector.broadcast %ne3A : i32 to vector<16xi32>
      %ne3A_246 = arith.cmpi ne, %get3A_244, %ne3A_245 : vector<16xi32>
      %jit3A = arith.constant 1 : i32
      %jit3A_247 = arith.constant 0 : i32
      %broadcast_in_dim3A = vector.broadcast %jit3A : i32 to vector<16xi32>
      %broadcast_in_dim3A_248 = vector.broadcast %jit3A_247 : i32 to vector<16xi32>
      %select_n3A = arith.select %ne3A_246, %broadcast_in_dim3A, %broadcast_in_dim3A_248 : vector<16xi1>, vector<16xi32>
      %swap3A = arith.index_cast %add3A_241 : i32 to index
      %swap3A_249 = arith.constant 0 : index
      %swap3A_250 = tpu.vector_load %arg7[%swap3A, %swap3A_249] {strides = array<i32>} : memref<200x128xi32, #tpu.memory_space<vmem>>, vector<1x16xi32>,
      %swap3A_251 = vector.shape_cast %swap3A_250 : vector<1x16xi32> to vector<16xi32>
      %swap3A_252 = vector.shape_cast %select_n3A : vector<16xi32> to vector<1x16xi32>
      tpu.vector_store %arg7[%swap3A, %swap3A_249], %swap3A_252 {strides = array<i32>} : memref<200x128xi32, #tpu.memory_space<vmem>>, vector<1x16xi32>,
      %get3A_253 = arith.index_cast %add3A_241 : i32 to index
      %get3A_254 = arith.constant 16 : index
      %get3A_255 = tpu.vector_load %arg6[%get3A_253, %get3A_254] {strides = array<i32>} : memref<200x128xi32, #tpu.memory_space<vmem>>, vector<1x16xi32>,
      %get3A_256 = vector.shape_cast %get3A_255 : vector<1x16xi32> to vector<16xi32>
      %ne3A_257 = arith.constant -1 : i32
      %ne3A_258 = vector.broadcast %ne3A_257 : i32 to vector<16xi32>
      %ne3A_259 = arith.cmpi ne, %get3A_256, %ne3A_258 : vector<16xi32>
      %jit3A_260 = arith.constant 1 : i32
      %jit3A_261 = arith.constant 0 : i32
      %broadcast_in_dim3A_262 = vector.broadcast %jit3A_260 : i32 to vector<16xi32>
      %broadcast_in_dim3A_263 = vector.broadcast %jit3A_261 : i32 to vector<16xi32>
      %select_n3A_264 = arith.select %ne3A_259, %broadcast_in_dim3A_262, %broadcast_in_dim3A_263 : vector<16xi1>, vector<16xi32>
      %swap3A_265 = arith.index_cast %add3A_241 : i32 to index
      %swap3A_266 = arith.constant 16 : index
      %swap3A_267 = tpu.vector_load %arg7[%swap3A_265, %swap3A_266] {strides = array<i32>} : memref<200x128xi32, #tpu.memory_space<vmem>>, vector<1x16xi32>,
      %swap3A_268 = vector.shape_cast %swap3A_267 : vector<1x16xi32> to vector<16xi32>
      %swap3A_269 = vector.shape_cast %select_n3A_264 : vector<16xi32> to vector<1x16xi32>
      tpu.vector_store %arg7[%swap3A_265, %swap3A_266], %swap3A_269 {strides = array<i32>} : memref<200x128xi32, #tpu.memory_space<vmem>>, vector<1x16xi32>,
      %get3A_270 = arith.index_cast %add3A_241 : i32 to index
      %get3A_271 = arith.constant 32 : index
      %get3A_272 = tpu.vector_load %arg6[%get3A_270, %get3A_271] {strides = array<i32>} : memref<200x128xi32, #tpu.memory_space<vmem>>, vector<1x16xi32>,
      %get3A_273 = vector.shape_cast %get3A_272 : vector<1x16xi32> to vector<16xi32>
      %ne3A_274 = arith.constant -1 : i32
      %ne3A_275 = vector.broadcast %ne3A_274 : i32 to vector<16xi32>
      %ne3A_276 = arith.cmpi ne, %get3A_273, %ne3A_275 : vector<16xi32>
      %jit3A_277 = arith.constant 1 : i32
      %jit3A_278 = arith.constant 0 : i32
      %broadcast_in_dim3A_279 = vector.broadcast %jit3A_277 : i32 to vector<16xi32>
      %broadcast_in_dim3A_280 = vector.broadcast %jit3A_278 : i32 to vector<16xi32>
      %select_n3A_281 = arith.select %ne3A_276, %broadcast_in_dim3A_279, %broadcast_in_dim3A_280 : vector<16xi1>, vector<16xi32>
      %swap3A_282 = arith.index_cast %add3A_241 : i32 to index
      %swap3A_283 = arith.constant 32 : index
      %swap3A_284 = tpu.vector_load %arg7[%swap3A_282, %swap3A_283] {strides = array<i32>} : memref<200x128xi32, #tpu.memory_space<vmem>>, vector<1x16xi32>,
      %swap3A_285 = vector.shape_cast %swap3A_284 : vector<1x16xi32> to vector<16xi32>
      %swap3A_286 = vector.shape_cast %select_n3A_281 : vector<16xi32> to vector<1x16xi32>
      tpu.vector_store %arg7[%swap3A_282, %swap3A_283], %swap3A_286 {strides = array<i32>} : memref<200x128xi32, #tpu.memory_space<vmem>>, vector<1x16xi32>,
      %get3A_287 = arith.index_cast %add3A_241 : i32 to index
      %get3A_288 = arith.constant 48 : index
      %get3A_289 = tpu.vector_load %arg6[%get3A_287, %get3A_288] {strides = array<i32>} : memref<200x128xi32, #tpu.memory_space<vmem>>, vector<1x16xi32>,
      %get3A_290 = vector.shape_cast %get3A_289 : vector<1x16xi32> to vector<16xi32>
      %ne3A_291 = arith.constant -1 : i32
      %ne3A_292 = vector.broadcast %ne3A_291 : i32 to vector<16xi32>
      %ne3A_293 = arith.cmpi ne, %get3A_290, %ne3A_292 : vector<16xi32>
      %jit3A_294 = arith.constant 1 : i32
      %jit3A_295 = arith.constant 0 : i32
      %broadcast_in_dim3A_296 = vector.broadcast %jit3A_294 : i32 to vector<16xi32>
      %broadcast_in_dim3A_297 = vector.broadcast %jit3A_295 : i32 to vector<16xi32>
      %select_n3A_298 = arith.select %ne3A_293, %broadcast_in_dim3A_296, %broadcast_in_dim3A_297 : vector<16xi1>, vector<16xi32>
      %swap3A_299 = arith.index_cast %add3A_241 : i32 to index
      %swap3A_300 = arith.constant 48 : index
      %swap3A_301 = tpu.vector_load %arg7[%swap3A_299, %swap3A_300] {strides = array<i32>} : memref<200x128xi32, #tpu.memory_space<vmem>>, vector<1x16xi32>,
      %swap3A_302 = vector.shape_cast %swap3A_301 : vector<1x16xi32> to vector<16xi32>
      %swap3A_303 = vector.shape_cast %select_n3A_298 : vector<16xi32> to vector<1x16xi32>
      tpu.vector_store %arg7[%swap3A_299, %swap3A_300], %swap3A_303 {strides = array<i32>} : memref<200x128xi32, #tpu.memory_space<vmem>>, vector<1x16xi32>,
      %get3A_304 = arith.index_cast %add3A_241 : i32 to index
      %get3A_305 = arith.constant 64 : index
      %get3A_306 = tpu.vector_load %arg6[%get3A_304, %get3A_305] {strides = array<i32>} : memref<200x128xi32, #tpu.memory_space<vmem>>, vector<1x16xi32>,
      %get3A_307 = vector.shape_cast %get3A_306 : vector<1x16xi32> to vector<16xi32>
      %ne3A_308 = arith.constant -1 : i32
      %ne3A_309 = vector.broadcast %ne3A_308 : i32 to vector<16xi32>
      %ne3A_310 = arith.cmpi ne, %get3A_307, %ne3A_309 : vector<16xi32>
      %jit3A_311 = arith.constant 1 : i32
      %jit3A_312 = arith.constant 0 : i32
      %broadcast_in_dim3A_313 = vector.broadcast %jit3A_311 : i32 to vector<16xi32>
      %broadcast_in_dim3A_314 = vector.broadcast %jit3A_312 : i32 to vector<16xi32>
      %select_n3A_315 = arith.select %ne3A_310, %broadcast_in_dim3A_313, %broadcast_in_dim3A_314 : vector<16xi1>, vector<16xi32>
      %swap3A_316 = arith.index_cast %add3A_241 : i32 to index
      %swap3A_317 = arith.constant 64 : index
      %swap3A_318 = tpu.vector_load %arg7[%swap3A_316, %swap3A_317] {strides = array<i32>} : memref<200x128xi32, #tpu.memory_space<vmem>>, vector<1x16xi32>,
      %swap3A_319 = vector.shape_cast %swap3A_318 : vector<1x16xi32> to vector<16xi32>
      %swap3A_320 = vector.shape_cast %select_n3A_315 : vector<16xi32> to vector<1x16xi32>
      tpu.vector_store %arg7[%swap3A_316, %swap3A_317], %swap3A_320 {strides = array<i32>} : memref<200x128xi32, #tpu.memory_space<vmem>>, vector<1x16xi32>,
      %get3A_321 = arith.index_cast %add3A_241 : i32 to index
      %get3A_322 = arith.constant 80 : index
      %get3A_323 = tpu.vector_load %arg6[%get3A_321, %get3A_322] {strides = array<i32>} : memref<200x128xi32, #tpu.memory_space<vmem>>, vector<1x16xi32>,
      %get3A_324 = vector.shape_cast %get3A_323 : vector<1x16xi32> to vector<16xi32>
      %ne3A_325 = arith.constant -1 : i32
      %ne3A_326 = vector.broadcast %ne3A_325 : i32 to vector<16xi32>
      %ne3A_327 = arith.cmpi ne, %get3A_324, %ne3A_326 : vector<16xi32>
      %jit3A_328 = arith.constant 1 : i32
      %jit3A_329 = arith.constant 0 : i32
      %broadcast_in_dim3A_330 = vector.broadcast %jit3A_328 : i32 to vector<16xi32>
      %broadcast_in_dim3A_331 = vector.broadcast %jit3A_329 : i32 to vector<16xi32>
      %select_n3A_332 = arith.select %ne3A_327, %broadcast_in_dim3A_330, %broadcast_in_dim3A_331 : vector<16xi1>, vector<16xi32>
      %swap3A_333 = arith.index_cast %add3A_241 : i32 to index
      %swap3A_334 = arith.constant 80 : index
      %swap3A_335 = tpu.vector_load %arg7[%swap3A_333, %swap3A_334] {strides = array<i32>} : memref<200x128xi32, #tpu.memory_space<vmem>>, vector<1x16xi32>,
      %swap3A_336 = vector.shape_cast %swap3A_335 : vector<1x16xi32> to vector<16xi32>
      %swap3A_337 = vector.shape_cast %select_n3A_332 : vector<16xi32> to vector<1x16xi32>
      tpu.vector_store %arg7[%swap3A_333, %swap3A_334], %swap3A_337 {strides = array<i32>} : memref<200x128xi32, #tpu.memory_space<vmem>>, vector<1x16xi32>,
      %get3A_338 = arith.index_cast %add3A_241 : i32 to index
      %get3A_339 = arith.constant 96 : index
      %get3A_340 = tpu.vector_load %arg6[%get3A_338, %get3A_339] {strides = array<i32>} : memref<200x128xi32, #tpu.memory_space<vmem>>, vector<1x16xi32>,
      %get3A_341 = vector.shape_cast %get3A_340 : vector<1x16xi32> to vector<16xi32>
      %ne3A_342 = arith.constant -1 : i32
      %ne3A_343 = vector.broadcast %ne3A_342 : i32 to vector<16xi32>
      %ne3A_344 = arith.cmpi ne, %get3A_341, %ne3A_343 : vector<16xi32>
      %jit3A_345 = arith.constant 1 : i32
      %jit3A_346 = arith.constant 0 : i32
      %broadcast_in_dim3A_347 = vector.broadcast %jit3A_345 : i32 to vector<16xi32>
      %broadcast_in_dim3A_348 = vector.broadcast %jit3A_346 : i32 to vector<16xi32>
      %select_n3A_349 = arith.select %ne3A_344, %broadcast_in_dim3A_347, %broadcast_in_dim3A_348 : vector<16xi1>, vector<16xi32>
      %swap3A_350 = arith.index_cast %add3A_241 : i32 to index
      %swap3A_351 = arith.constant 96 : index
      %swap3A_352 = tpu.vector_load %arg7[%swap3A_350, %swap3A_351] {strides = array<i32>} : memref<200x128xi32, #tpu.memory_space<vmem>>, vector<1x16xi32>,
      %swap3A_353 = vector.shape_cast %swap3A_352 : vector<1x16xi32> to vector<16xi32>
      %swap3A_354 = vector.shape_cast %select_n3A_349 : vector<16xi32> to vector<1x16xi32>
      tpu.vector_store %arg7[%swap3A_350, %swap3A_351], %swap3A_354 {strides = array<i32>} : memref<200x128xi32, #tpu.memory_space<vmem>>, vector<1x16xi32>,
      %get3A_355 = arith.index_cast %add3A_241 : i32 to index
      %get3A_356 = arith.constant 112 : index
      %get3A_357 = tpu.vector_load %arg6[%get3A_355, %get3A_356] {strides = array<i32>} : memref<200x128xi32, #tpu.memory_space<vmem>>, vector<1x16xi32>,
      %get3A_358 = vector.shape_cast %get3A_357 : vector<1x16xi32> to vector<16xi32>
      %ne3A_359 = arith.constant -1 : i32
      %ne3A_360 = vector.broadcast %ne3A_359 : i32 to vector<16xi32>
      %ne3A_361 = arith.cmpi ne, %get3A_358, %ne3A_360 : vector<16xi32>
      %jit3A_362 = arith.constant 1 : i32
      %jit3A_363 = arith.constant 0 : i32
      %broadcast_in_dim3A_364 = vector.broadcast %jit3A_362 : i32 to vector<16xi32>
      %broadcast_in_dim3A_365 = vector.broadcast %jit3A_363 : i32 to vector<16xi32>
      %select_n3A_366 = arith.select %ne3A_361, %broadcast_in_dim3A_364, %broadcast_in_dim3A_365 : vector<16xi1>, vector<16xi32>
      %swap3A_367 = arith.index_cast %add3A_241 : i32 to index
      %swap3A_368 = arith.constant 112 : index
      %swap3A_369 = tpu.vector_load %arg7[%swap3A_367, %swap3A_368] {strides = array<i32>} : memref<200x128xi32, #tpu.memory_space<vmem>>, vector<1x16xi32>,
      %swap3A_370 = vector.shape_cast %swap3A_369 : vector<1x16xi32> to vector<16xi32>
      %swap3A_371 = vector.shape_cast %select_n3A_366 : vector<16xi32> to vector<1x16xi32>
      tpu.vector_store %arg7[%swap3A_367, %swap3A_368], %swap3A_371 {strides = array<i32>} : memref<200x128xi32, #tpu.memory_space<vmem>>, vector<1x16xi32>,
      %mul3A_372 = arith.constant 4 : i32
      %mul3A_373 = arith.muli %mul3A_115, %mul3A_372 : i32
      %add3A_374 = arith.constant 0 : i32
      %add3A_375 = arith.addi %mul3A_373, %add3A_374 : i32
      %mul3A_376 = arith.constant 64 : i32
      %mul3A_377 = arith.muli %add3A_375, %mul3A_376 : i32
      %dma_start3A_378 = arith.constant 0 : i32
      %dma_start3A_379 = arith.constant 0 : i32
      %dma_start3A_380 = arith.constant 0 : i32
      %dma_start3A_381 = arith.constant 0 : i32
      %dma_start3A_382 = tpu.memref_slice %arg8[%dma_start3A_378, %dma_start3A_379, %dma_start3A_380, %dma_start3A_381] : memref<2x4x128x64xf32, #tpu.memory_space<vmem>> -> memref<1x1x128x64xf32, #tpu.memory_space<vmem>>
      %dma_start3A_383 = tpu.memref_squeeze %dma_start3A_382 : memref<1x1x128x64xf32, #tpu.memory_space<vmem>> -> memref<128x64xf32, #tpu.memory_space<vmem>>
      %dma_start3A_384 = tpu.memref_slice %arg4[%mul3A_2, %mul3A_377] : memref<4096x12800xf32, #tpu.memory_space<hbm>> -> memref<128x64xf32, #tpu.memory_space<hbm>>
      %dma_start3A_385 = tpu.memref_slice %arg4[%mul3A_2, %mul3A_377] : memref<4096x12800xf32, #tpu.memory_space<hbm>> -> memref<128x64xf32, #tpu.memory_space<hbm>>
      %dma_start3A_386 = arith.constant 0 : i32
      %dma_start3A_387 = arith.constant 0 : i32
      %dma_start3A_388 = tpu.memref_slice %arg8[%dma_start3A_378, %dma_start3A_379, %dma_start3A_386, %dma_start3A_387] : memref<2x4x128x64xf32, #tpu.memory_space<vmem>> -> memref<1x1x128x64xf32, #tpu.memory_space<vmem>>
      %dma_start3A_389 = tpu.memref_squeeze %dma_start3A_388 : memref<1x1x128x64xf32, #tpu.memory_space<vmem>> -> memref<128x64xf32, #tpu.memory_space<vmem>>
      tpu.enqueue_dma source(%dma_start3A_389 : memref<128x64xf32, #tpu.memory_space<vmem>>) target(%dma_start3A_385 : memref<128x64xf32, #tpu.memory_space<hbm>>) target_semaphore(%arg11 : memref<!tpu.dma_semaphore, #tpu.memory_space<semaphore_mem>>)
      %mul3A_390 = arith.constant 4 : i32
      %mul3A_391 = arith.muli %mul3A_115, %mul3A_390 : i32
      %add3A_392 = arith.constant 1 : i32
      %add3A_393 = arith.addi %mul3A_391, %add3A_392 : i32
      %get3A_394 = arith.index_cast %add3A_393 : i32 to index
      %get3A_395 = arith.constant 0 : index
      %get3A_396 = tpu.vector_load %arg6[%get3A_394, %get3A_395] {strides = array<i32>} : memref<200x128xi32, #tpu.memory_space<vmem>>, vector<1x16xi32>,
      %get3A_397 = vector.shape_cast %get3A_396 : vector<1x16xi32> to vector<16xi32>
      %ne3A_398 = arith.constant -1 : i32
      %ne3A_399 = vector.broadcast %ne3A_398 : i32 to vector<16xi32>
      %ne3A_400 = arith.cmpi ne, %get3A_397, %ne3A_399 : vector<16xi32>
      %jit3A_401 = arith.constant 1 : i32
      %jit3A_402 = arith.constant 0 : i32
      %broadcast_in_dim3A_403 = vector.broadcast %jit3A_401 : i32 to vector<16xi32>
      %broadcast_in_dim3A_404 = vector.broadcast %jit3A_402 : i32 to vector<16xi32>
      %select_n3A_405 = arith.select %ne3A_400, %broadcast_in_dim3A_403, %broadcast_in_dim3A_404 : vector<16xi1>, vector<16xi32>
      %swap3A_406 = arith.index_cast %add3A_393 : i32 to index
      %swap3A_407 = arith.constant 0 : index
      %swap3A_408 = tpu.vector_load %arg7[%swap3A_406, %swap3A_407] {strides = array<i32>} : memref<200x128xi32, #tpu.memory_space<vmem>>, vector<1x16xi32>,
      %swap3A_409 = vector.shape_cast %swap3A_408 : vector<1x16xi32> to vector<16xi32>
      %swap3A_410 = vector.shape_cast %select_n3A_405 : vector<16xi32> to vector<1x16xi32>
      tpu.vector_store %arg7[%swap3A_406, %swap3A_407], %swap3A_410 {strides = array<i32>} : memref<200x128xi32, #tpu.memory_space<vmem>>, vector<1x16xi32>,
      %get3A_411 = arith.index_cast %add3A_393 : i32 to index
      %get3A_412 = arith.constant 16 : index
      %get3A_413 = tpu.vector_load %arg6[%get3A_411, %get3A_412] {strides = array<i32>} : memref<200x128xi32, #tpu.memory_space<vmem>>, vector<1x16xi32>,
      %get3A_414 = vector.shape_cast %get3A_413 : vector<1x16xi32> to vector<16xi32>
      %ne3A_415 = arith.constant -1 : i32
      %ne3A_416 = vector.broadcast %ne3A_415 : i32 to vector<16xi32>
      %ne3A_417 = arith.cmpi ne, %get3A_414, %ne3A_416 : vector<16xi32>
      %jit3A_418 = arith.constant 1 : i32
      %jit3A_419 = arith.constant 0 : i32
      %broadcast_in_dim3A_420 = vector.broadcast %jit3A_418 : i32 to vector<16xi32>
      %broadcast_in_dim3A_421 = vector.broadcast %jit3A_419 : i32 to vector<16xi32>
      %select_n3A_422 = arith.select %ne3A_417, %broadcast_in_dim3A_420, %broadcast_in_dim3A_421 : vector<16xi1>, vector<16xi32>
      %swap3A_423 = arith.index_cast %add3A_393 : i32 to index
      %swap3A_424 = arith.constant 16 : index
      %swap3A_425 = tpu.vector_load %arg7[%swap3A_423, %swap3A_424] {strides = array<i32>} : memref<200x128xi32, #tpu.memory_space<vmem>>, vector<1x16xi32>,
      %swap3A_426 = vector.shape_cast %swap3A_425 : vector<1x16xi32> to vector<16xi32>
      %swap3A_427 = vector.shape_cast %select_n3A_422 : vector<16xi32> to vector<1x16xi32>
      tpu.vector_store %arg7[%swap3A_423, %swap3A_424], %swap3A_427 {strides = array<i32>} : memref<200x128xi32, #tpu.memory_space<vmem>>, vector<1x16xi32>,
      %get3A_428 = arith.index_cast %add3A_393 : i32 to index
      %get3A_429 = arith.constant 32 : index
      %get3A_430 = tpu.vector_load %arg6[%get3A_428, %get3A_429] {strides = array<i32>} : memref<200x128xi32, #tpu.memory_space<vmem>>, vector<1x16xi32>,
      %get3A_431 = vector.shape_cast %get3A_430 : vector<1x16xi32> to vector<16xi32>
      %ne3A_432 = arith.constant -1 : i32
      %ne3A_433 = vector.broadcast %ne3A_432 : i32 to vector<16xi32>
      %ne3A_434 = arith.cmpi ne, %get3A_431, %ne3A_433 : vector<16xi32>
      %jit3A_435 = arith.constant 1 : i32
      %jit3A_436 = arith.constant 0 : i32
      %broadcast_in_dim3A_437 = vector.broadcast %jit3A_435 : i32 to vector<16xi32>
      %broadcast_in_dim3A_438 = vector.broadcast %jit3A_436 : i32 to vector<16xi32>
      %select_n3A_439 = arith.select %ne3A_434, %broadcast_in_dim3A_437, %broadcast_in_dim3A_438 : vector<16xi1>, vector<16xi32>
      %swap3A_440 = arith.index_cast %add3A_393 : i32 to index
      %swap3A_441 = arith.constant 32 : index
      %swap3A_442 = tpu.vector_load %arg7[%swap3A_440, %swap3A_441] {strides = array<i32>} : memref<200x128xi32, #tpu.memory_space<vmem>>, vector<1x16xi32>,
      %swap3A_443 = vector.shape_cast %swap3A_442 : vector<1x16xi32> to vector<16xi32>
      %swap3A_444 = vector.shape_cast %select_n3A_439 : vector<16xi32> to vector<1x16xi32>
      tpu.vector_store %arg7[%swap3A_440, %swap3A_441], %swap3A_444 {strides = array<i32>} : memref<200x128xi32, #tpu.memory_space<vmem>>, vector<1x16xi32>,
      %get3A_445 = arith.index_cast %add3A_393 : i32 to index
      %get3A_446 = arith.constant 48 : index
      %get3A_447 = tpu.vector_load %arg6[%get3A_445, %get3A_446] {strides = array<i32>} : memref<200x128xi32, #tpu.memory_space<vmem>>, vector<1x16xi32>,
      %get3A_448 = vector.shape_cast %get3A_447 : vector<1x16xi32> to vector<16xi32>
      %ne3A_449 = arith.constant -1 : i32
      %ne3A_450 = vector.broadcast %ne3A_449 : i32 to vector<16xi32>
      %ne3A_451 = arith.cmpi ne, %get3A_448, %ne3A_450 : vector<16xi32>
      %jit3A_452 = arith.constant 1 : i32
      %jit3A_453 = arith.constant 0 : i32
      %broadcast_in_dim3A_454 = vector.broadcast %jit3A_452 : i32 to vector<16xi32>
      %broadcast_in_dim3A_455 = vector.broadcast %jit3A_453 : i32 to vector<16xi32>
      %select_n3A_456 = arith.select %ne3A_451, %broadcast_in_dim3A_454, %broadcast_in_dim3A_455 : vector<16xi1>, vector<16xi32>
      %swap3A_457 = arith.index_cast %add3A_393 : i32 to index
      %swap3A_458 = arith.constant 48 : index
      %swap3A_459 = tpu.vector_load %arg7[%swap3A_457, %swap3A_458] {strides = array<i32>} : memref<200x128xi32, #tpu.memory_space<vmem>>, vector<1x16xi32>,
      %swap3A_460 = vector.shape_cast %swap3A_459 : vector<1x16xi32> to vector<16xi32>
      %swap3A_461 = vector.shape_cast %select_n3A_456 : vector<16xi32> to vector<1x16xi32>
      tpu.vector_store %arg7[%swap3A_457, %swap3A_458], %swap3A_461 {strides = array<i32>} : memref<200x128xi32, #tpu.memory_space<vmem>>, vector<1x16xi32>,
      %get3A_462 = arith.index_cast %add3A_393 : i32 to index
      %get3A_463 = arith.constant 64 : index
      %get3A_464 = tpu.vector_load %arg6[%get3A_462, %get3A_463] {strides = array<i32>} : memref<200x128xi32, #tpu.memory_space<vmem>>, vector<1x16xi32>,
      %get3A_465 = vector.shape_cast %get3A_464 : vector<1x16xi32> to vector<16xi32>
      %ne3A_466 = arith.constant -1 : i32
      %ne3A_467 = vector.broadcast %ne3A_466 : i32 to vector<16xi32>
      %ne3A_468 = arith.cmpi ne, %get3A_465, %ne3A_467 : vector<16xi32>
      %jit3A_469 = arith.constant 1 : i32
      %jit3A_470 = arith.constant 0 : i32
      %broadcast_in_dim3A_471 = vector.broadcast %jit3A_469 : i32 to vector<16xi32>
      %broadcast_in_dim3A_472 = vector.broadcast %jit3A_470 : i32 to vector<16xi32>
      %select_n3A_473 = arith.select %ne3A_468, %broadcast_in_dim3A_471, %broadcast_in_dim3A_472 : vector<16xi1>, vector<16xi32>
      %swap3A_474 = arith.index_cast %add3A_393 : i32 to index
      %swap3A_475 = arith.constant 64 : index
      %swap3A_476 = tpu.vector_load %arg7[%swap3A_474, %swap3A_475] {strides = array<i32>} : memref<200x128xi32, #tpu.memory_space<vmem>>, vector<1x16xi32>,
      %swap3A_477 = vector.shape_cast %swap3A_476 : vector<1x16xi32> to vector<16xi32>
      %swap3A_478 = vector.shape_cast %select_n3A_473 : vector<16xi32> to vector<1x16xi32>
      tpu.vector_store %arg7[%swap3A_474, %swap3A_475], %swap3A_478 {strides = array<i32>} : memref<200x128xi32, #tpu.memory_space<vmem>>, vector<1x16xi32>,
      %get3A_479 = arith.index_cast %add3A_393 : i32 to index
      %get3A_480 = arith.constant 80 : index
      %get3A_481 = tpu.vector_load %arg6[%get3A_479, %get3A_480] {strides = array<i32>} : memref<200x128xi32, #tpu.memory_space<vmem>>, vector<1x16xi32>,
      %get3A_482 = vector.shape_cast %get3A_481 : vector<1x16xi32> to vector<16xi32>
      %ne3A_483 = arith.constant -1 : i32
      %ne3A_484 = vector.broadcast %ne3A_483 : i32 to vector<16xi32>
      %ne3A_485 = arith.cmpi ne, %get3A_482, %ne3A_484 : vector<16xi32>
      %jit3A_486 = arith.constant 1 : i32
      %jit3A_487 = arith.constant 0 : i32
      %broadcast_in_dim3A_488 = vector.broadcast %jit3A_486 : i32 to vector<16xi32>
      %broadcast_in_dim3A_489 = vector.broadcast %jit3A_487 : i32 to vector<16xi32>
      %select_n3A_490 = arith.select %ne3A_485, %broadcast_in_dim3A_488, %broadcast_in_dim3A_489 : vector<16xi1>, vector<16xi32>
      %swap3A_491 = arith.index_cast %add3A_393 : i32 to index
      %swap3A_492 = arith.constant 80 : index
      %swap3A_493 = tpu.vector_load %arg7[%swap3A_491, %swap3A_492] {strides = array<i32>} : memref<200x128xi32, #tpu.memory_space<vmem>>, vector<1x16xi32>,
      %swap3A_494 = vector.shape_cast %swap3A_493 : vector<1x16xi32> to vector<16xi32>
      %swap3A_495 = vector.shape_cast %select_n3A_490 : vector<16xi32> to vector<1x16xi32>
      tpu.vector_store %arg7[%swap3A_491, %swap3A_492], %swap3A_495 {strides = array<i32>} : memref<200x128xi32, #tpu.memory_space<vmem>>, vector<1x16xi32>,
      %get3A_496 = arith.index_cast %add3A_393 : i32 to index
      %get3A_497 = arith.constant 96 : index
      %get3A_498 = tpu.vector_load %arg6[%get3A_496, %get3A_497] {strides = array<i32>} : memref<200x128xi32, #tpu.memory_space<vmem>>, vector<1x16xi32>,
      %get3A_499 = vector.shape_cast %get3A_498 : vector<1x16xi32> to vector<16xi32>
      %ne3A_500 = arith.constant -1 : i32
      %ne3A_501 = vector.broadcast %ne3A_500 : i32 to vector<16xi32>
      %ne3A_502 = arith.cmpi ne, %get3A_499, %ne3A_501 : vector<16xi32>
      %jit3A_503 = arith.constant 1 : i32
      %jit3A_504 = arith.constant 0 : i32
      %broadcast_in_dim3A_505 = vector.broadcast %jit3A_503 : i32 to vector<16xi32>
      %broadcast_in_dim3A_506 = vector.broadcast %jit3A_504 : i32 to vector<16xi32>
      %select_n3A_507 = arith.select %ne3A_502, %broadcast_in_dim3A_505, %broadcast_in_dim3A_506 : vector<16xi1>, vector<16xi32>
      %swap3A_508 = arith.index_cast %add3A_393 : i32 to index
      %swap3A_509 = arith.constant 96 : index
      %swap3A_510 = tpu.vector_load %arg7[%swap3A_508, %swap3A_509] {strides = array<i32>} : memref<200x128xi32, #tpu.memory_space<vmem>>, vector<1x16xi32>,
      %swap3A_511 = vector.shape_cast %swap3A_510 : vector<1x16xi32> to vector<16xi32>
      %swap3A_512 = vector.shape_cast %select_n3A_507 : vector<16xi32> to vector<1x16xi32>
      tpu.vector_store %arg7[%swap3A_508, %swap3A_509], %swap3A_512 {strides = array<i32>} : memref<200x128xi32, #tpu.memory_space<vmem>>, vector<1x16xi32>,
      %get3A_513 = arith.index_cast %add3A_393 : i32 to index
      %get3A_514 = arith.constant 112 : index
      %get3A_515 = tpu.vector_load %arg6[%get3A_513, %get3A_514] {strides = array<i32>} : memref<200x128xi32, #tpu.memory_space<vmem>>, vector<1x16xi32>,
      %get3A_516 = vector.shape_cast %get3A_515 : vector<1x16xi32> to vector<16xi32>
      %ne3A_517 = arith.constant -1 : i32
      %ne3A_518 = vector.broadcast %ne3A_517 : i32 to vector<16xi32>
      %ne3A_519 = arith.cmpi ne, %get3A_516, %ne3A_518 : vector<16xi32>
      %jit3A_520 = arith.constant 1 : i32
      %jit3A_521 = arith.constant 0 : i32
      %broadcast_in_dim3A_522 = vector.broadcast %jit3A_520 : i32 to vector<16xi32>
      %broadcast_in_dim3A_523 = vector.broadcast %jit3A_521 : i32 to vector<16xi32>
      %select_n3A_524 = arith.select %ne3A_519, %broadcast_in_dim3A_522, %broadcast_in_dim3A_523 : vector<16xi1>, vector<16xi32>
      %swap3A_525 = arith.index_cast %add3A_393 : i32 to index
      %swap3A_526 = arith.constant 112 : index
      %swap3A_527 = tpu.vector_load %arg7[%swap3A_525, %swap3A_526] {strides = array<i32>} : memref<200x128xi32, #tpu.memory_space<vmem>>, vector<1x16xi32>,
      %swap3A_528 = vector.shape_cast %swap3A_527 : vector<1x16xi32> to vector<16xi32>
      %swap3A_529 = vector.shape_cast %select_n3A_524 : vector<16xi32> to vector<1x16xi32>
      tpu.vector_store %arg7[%swap3A_525, %swap3A_526], %swap3A_529 {strides = array<i32>} : memref<200x128xi32, #tpu.memory_space<vmem>>, vector<1x16xi32>,
      %mul3A_530 = arith.constant 4 : i32
      %mul3A_531 = arith.muli %mul3A_115, %mul3A_530 : i32
      %add3A_532 = arith.constant 1 : i32
      %add3A_533 = arith.addi %mul3A_531, %add3A_532 : i32
      %mul3A_534 = arith.constant 64 : i32
      %mul3A_535 = arith.muli %add3A_533, %mul3A_534 : i32
      %dma_start3A_536 = arith.constant 0 : i32
      %dma_start3A_537 = arith.constant 1 : i32
      %dma_start3A_538 = arith.constant 0 : i32
      %dma_start3A_539 = arith.constant 0 : i32
      %dma_start3A_540 = tpu.memref_slice %arg8[%dma_start3A_536, %dma_start3A_537, %dma_start3A_538, %dma_start3A_539] : memref<2x4x128x64xf32, #tpu.memory_space<vmem>> -> memref<1x1x128x64xf32, #tpu.memory_space<vmem>>
      %dma_start3A_541 = tpu.memref_squeeze %dma_start3A_540 : memref<1x1x128x64xf32, #tpu.memory_space<vmem>> -> memref<128x64xf32, #tpu.memory_space<vmem>>
      %dma_start3A_542 = tpu.memref_slice %arg4[%mul3A_2, %mul3A_535] : memref<4096x12800xf32, #tpu.memory_space<hbm>> -> memref<128x64xf32, #tpu.memory_space<hbm>>
      %dma_start3A_543 = tpu.memref_slice %arg4[%mul3A_2, %mul3A_535] : memref<4096x12800xf32, #tpu.memory_space<hbm>> -> memref<128x64xf32, #tpu.memory_space<hbm>>
      %dma_start3A_544 = arith.constant 0 : i32
      %dma_start3A_545 = arith.constant 0 : i32
      %dma_start3A_546 = tpu.memref_slice %arg8[%dma_start3A_536, %dma_start3A_537, %dma_start3A_544, %dma_start3A_545] : memref<2x4x128x64xf32, #tpu.memory_space<vmem>> -> memref<1x1x128x64xf32, #tpu.memory_space<vmem>>
      %dma_start3A_547 = tpu.memref_squeeze %dma_start3A_546 : memref<1x1x128x64xf32, #tpu.memory_space<vmem>> -> memref<128x64xf32, #tpu.memory_space<vmem>>
      tpu.enqueue_dma source(%dma_start3A_547 : memref<128x64xf32, #tpu.memory_space<vmem>>) target(%dma_start3A_543 : memref<128x64xf32, #tpu.memory_space<hbm>>) target_semaphore(%arg11 : memref<!tpu.dma_semaphore, #tpu.memory_space<semaphore_mem>>)
      %mul3A_548 = arith.constant 4 : i32
      %mul3A_549 = arith.muli %mul3A_115, %mul3A_548 : i32
      %add3A_550 = arith.constant 2 : i32
      %add3A_551 = arith.addi %mul3A_549, %add3A_550 : i32
      %get3A_552 = arith.index_cast %add3A_551 : i32 to index
      %get3A_553 = arith.constant 0 : index
      %get3A_554 = tpu.vector_load %arg6[%get3A_552, %get3A_553] {strides = array<i32>} : memref<200x128xi32, #tpu.memory_space<vmem>>, vector<1x16xi32>,
      %get3A_555 = vector.shape_cast %get3A_554 : vector<1x16xi32> to vector<16xi32>
      %ne3A_556 = arith.constant -1 : i32
      %ne3A_557 = vector.broadcast %ne3A_556 : i32 to vector<16xi32>
      %ne3A_558 = arith.cmpi ne, %get3A_555, %ne3A_557 : vector<16xi32>
      %jit3A_559 = arith.constant 1 : i32
      %jit3A_560 = arith.constant 0 : i32
      %broadcast_in_dim3A_561 = vector.broadcast %jit3A_559 : i32 to vector<16xi32>
      %broadcast_in_dim3A_562 = vector.broadcast %jit3A_560 : i32 to vector<16xi32>
      %select_n3A_563 = arith.select %ne3A_558, %broadcast_in_dim3A_561, %broadcast_in_dim3A_562 : vector<16xi1>, vector<16xi32>
      %swap3A_564 = arith.index_cast %add3A_551 : i32 to index
      %swap3A_565 = arith.constant 0 : index
      %swap3A_566 = tpu.vector_load %arg7[%swap3A_564, %swap3A_565] {strides = array<i32>} : memref<200x128xi32, #tpu.memory_space<vmem>>, vector<1x16xi32>,
      %swap3A_567 = vector.shape_cast %swap3A_566 : vector<1x16xi32> to vector<16xi32>
      %swap3A_568 = vector.shape_cast %select_n3A_563 : vector<16xi32> to vector<1x16xi32>
      tpu.vector_store %arg7[%swap3A_564, %swap3A_565], %swap3A_568 {strides = array<i32>} : memref<200x128xi32, #tpu.memory_space<vmem>>, vector<1x16xi32>,
      %get3A_569 = arith.index_cast %add3A_551 : i32 to index
      %get3A_570 = arith.constant 16 : index
      %get3A_571 = tpu.vector_load %arg6[%get3A_569, %get3A_570] {strides = array<i32>} : memref<200x128xi32, #tpu.memory_space<vmem>>, vector<1x16xi32>,
      %get3A_572 = vector.shape_cast %get3A_571 : vector<1x16xi32> to vector<16xi32>
      %ne3A_573 = arith.constant -1 : i32
      %ne3A_574 = vector.broadcast %ne3A_573 : i32 to vector<16xi32>
      %ne3A_575 = arith.cmpi ne, %get3A_572, %ne3A_574 : vector<16xi32>
      %jit3A_576 = arith.constant 1 : i32
      %jit3A_577 = arith.constant 0 : i32
      %broadcast_in_dim3A_578 = vector.broadcast %jit3A_576 : i32 to vector<16xi32>
      %broadcast_in_dim3A_579 = vector.broadcast %jit3A_577 : i32 to vector<16xi32>
      %select_n3A_580 = arith.select %ne3A_575, %broadcast_in_dim3A_578, %broadcast_in_dim3A_579 : vector<16xi1>, vector<16xi32>
      %swap3A_581 = arith.index_cast %add3A_551 : i32 to index
      %swap3A_582 = arith.constant 16 : index
      %swap3A_583 = tpu.vector_load %arg7[%swap3A_581, %swap3A_582] {strides = array<i32>} : memref<200x128xi32, #tpu.memory_space<vmem>>, vector<1x16xi32>,
      %swap3A_584 = vector.shape_cast %swap3A_583 : vector<1x16xi32> to vector<16xi32>
      %swap3A_585 = vector.shape_cast %select_n3A_580 : vector<16xi32> to vector<1x16xi32>
      tpu.vector_store %arg7[%swap3A_581, %swap3A_582], %swap3A_585 {strides = array<i32>} : memref<200x128xi32, #tpu.memory_space<vmem>>, vector<1x16xi32>,
      %get3A_586 = arith.index_cast %add3A_551 : i32 to index
      %get3A_587 = arith.constant 32 : index
      %get3A_588 = tpu.vector_load %arg6[%get3A_586, %get3A_587] {strides = array<i32>} : memref<200x128xi32, #tpu.memory_space<vmem>>, vector<1x16xi32>,
      %get3A_589 = vector.shape_cast %get3A_588 : vector<1x16xi32> to vector<16xi32>
      %ne3A_590 = arith.constant -1 : i32
      %ne3A_591 = vector.broadcast %ne3A_590 : i32 to vector<16xi32>
      %ne3A_592 = arith.cmpi ne, %get3A_589, %ne3A_591 : vector<16xi32>
      %jit3A_593 = arith.constant 1 : i32
      %jit3A_594 = arith.constant 0 : i32
      %broadcast_in_dim3A_595 = vector.broadcast %jit3A_593 : i32 to vector<16xi32>
      %broadcast_in_dim3A_596 = vector.broadcast %jit3A_594 : i32 to vector<16xi32>
      %select_n3A_597 = arith.select %ne3A_592, %broadcast_in_dim3A_595, %broadcast_in_dim3A_596 : vector<16xi1>, vector<16xi32>
      %swap3A_598 = arith.index_cast %add3A_551 : i32 to index
      %swap3A_599 = arith.constant 32 : index
      %swap3A_600 = tpu.vector_load %arg7[%swap3A_598, %swap3A_599] {strides = array<i32>} : memref<200x128xi32, #tpu.memory_space<vmem>>, vector<1x16xi32>,
      %swap3A_601 = vector.shape_cast %swap3A_600 : vector<1x16xi32> to vector<16xi32>
      %swap3A_602 = vector.shape_cast %select_n3A_597 : vector<16xi32> to vector<1x16xi32>
      tpu.vector_store %arg7[%swap3A_598, %swap3A_599], %swap3A_602 {strides = array<i32>} : memref<200x128xi32, #tpu.memory_space<vmem>>, vector<1x16xi32>,
      %get3A_603 = arith.index_cast %add3A_551 : i32 to index
      %get3A_604 = arith.constant 48 : index
      %get3A_605 = tpu.vector_load %arg6[%get3A_603, %get3A_604] {strides = array<i32>} : memref<200x128xi32, #tpu.memory_space<vmem>>, vector<1x16xi32>,
      %get3A_606 = vector.shape_cast %get3A_605 : vector<1x16xi32> to vector<16xi32>
      %ne3A_607 = arith.constant -1 : i32
      %ne3A_608 = vector.broadcast %ne3A_607 : i32 to vector<16xi32>
      %ne3A_609 = arith.cmpi ne, %get3A_606, %ne3A_608 : vector<16xi32>
      %jit3A_610 = arith.constant 1 : i32
      %jit3A_611 = arith.constant 0 : i32
      %broadcast_in_dim3A_612 = vector.broadcast %jit3A_610 : i32 to vector<16xi32>
      %broadcast_in_dim3A_613 = vector.broadcast %jit3A_611 : i32 to vector<16xi32>
      %select_n3A_614 = arith.select %ne3A_609, %broadcast_in_dim3A_612, %broadcast_in_dim3A_613 : vector<16xi1>, vector<16xi32>
      %swap3A_615 = arith.index_cast %add3A_551 : i32 to index
      %swap3A_616 = arith.constant 48 : index
      %swap3A_617 = tpu.vector_load %arg7[%swap3A_615, %swap3A_616] {strides = array<i32>} : memref<200x128xi32, #tpu.memory_space<vmem>>, vector<1x16xi32>,
      %swap3A_618 = vector.shape_cast %swap3A_617 : vector<1x16xi32> to vector<16xi32>
      %swap3A_619 = vector.shape_cast %select_n3A_614 : vector<16xi32> to vector<1x16xi32>
      tpu.vector_store %arg7[%swap3A_615, %swap3A_616], %swap3A_619 {strides = array<i32>} : memref<200x128xi32, #tpu.memory_space<vmem>>, vector<1x16xi32>,
      %get3A_620 = arith.index_cast %add3A_551 : i32 to index
      %get3A_621 = arith.constant 64 : index
      %get3A_622 = tpu.vector_load %arg6[%get3A_620, %get3A_621] {strides = array<i32>} : memref<200x128xi32, #tpu.memory_space<vmem>>, vector<1x16xi32>,
      %get3A_623 = vector.shape_cast %get3A_622 : vector<1x16xi32> to vector<16xi32>
      %ne3A_624 = arith.constant -1 : i32
      %ne3A_625 = vector.broadcast %ne3A_624 : i32 to vector<16xi32>
      %ne3A_626 = arith.cmpi ne, %get3A_623, %ne3A_625 : vector<16xi32>
      %jit3A_627 = arith.constant 1 : i32
      %jit3A_628 = arith.constant 0 : i32
      %broadcast_in_dim3A_629 = vector.broadcast %jit3A_627 : i32 to vector<16xi32>
      %broadcast_in_dim3A_630 = vector.broadcast %jit3A_628 : i32 to vector<16xi32>
      %select_n3A_631 = arith.select %ne3A_626, %broadcast_in_dim3A_629, %broadcast_in_dim3A_630 : vector<16xi1>, vector<16xi32>
      %swap3A_632 = arith.index_cast %add3A_551 : i32 to index
      %swap3A_633 = arith.constant 64 : index
      %swap3A_634 = tpu.vector_load %arg7[%swap3A_632, %swap3A_633] {strides = array<i32>} : memref<200x128xi32, #tpu.memory_space<vmem>>, vector<1x16xi32>,
      %swap3A_635 = vector.shape_cast %swap3A_634 : vector<1x16xi32> to vector<16xi32>
      %swap3A_636 = vector.shape_cast %select_n3A_631 : vector<16xi32> to vector<1x16xi32>
      tpu.vector_store %arg7[%swap3A_632, %swap3A_633], %swap3A_636 {strides = array<i32>} : memref<200x128xi32, #tpu.memory_space<vmem>>, vector<1x16xi32>,
      %get3A_637 = arith.index_cast %add3A_551 : i32 to index
      %get3A_638 = arith.constant 80 : index
      %get3A_639 = tpu.vector_load %arg6[%get3A_637, %get3A_638] {strides = array<i32>} : memref<200x128xi32, #tpu.memory_space<vmem>>, vector<1x16xi32>,
      %get3A_640 = vector.shape_cast %get3A_639 : vector<1x16xi32> to vector<16xi32>
      %ne3A_641 = arith.constant -1 : i32
      %ne3A_642 = vector.broadcast %ne3A_641 : i32 to vector<16xi32>
      %ne3A_643 = arith.cmpi ne, %get3A_640, %ne3A_642 : vector<16xi32>
      %jit3A_644 = arith.constant 1 : i32
      %jit3A_645 = arith.constant 0 : i32
      %broadcast_in_dim3A_646 = vector.broadcast %jit3A_644 : i32 to vector<16xi32>
      %broadcast_in_dim3A_647 = vector.broadcast %jit3A_645 : i32 to vector<16xi32>
      %select_n3A_648 = arith.select %ne3A_643, %broadcast_in_dim3A_646, %broadcast_in_dim3A_647 : vector<16xi1>, vector<16xi32>
      %swap3A_649 = arith.index_cast %add3A_551 : i32 to index
      %swap3A_650 = arith.constant 80 : index
      %swap3A_651 = tpu.vector_load %arg7[%swap3A_649, %swap3A_650] {strides = array<i32>} : memref<200x128xi32, #tpu.memory_space<vmem>>, vector<1x16xi32>,
      %swap3A_652 = vector.shape_cast %swap3A_651 : vector<1x16xi32> to vector<16xi32>
      %swap3A_653 = vector.shape_cast %select_n3A_648 : vector<16xi32> to vector<1x16xi32>
      tpu.vector_store %arg7[%swap3A_649, %swap3A_650], %swap3A_653 {strides = array<i32>} : memref<200x128xi32, #tpu.memory_space<vmem>>, vector<1x16xi32>,
      %get3A_654 = arith.index_cast %add3A_551 : i32 to index
      %get3A_655 = arith.constant 96 : index
      %get3A_656 = tpu.vector_load %arg6[%get3A_654, %get3A_655] {strides = array<i32>} : memref<200x128xi32, #tpu.memory_space<vmem>>, vector<1x16xi32>,
      %get3A_657 = vector.shape_cast %get3A_656 : vector<1x16xi32> to vector<16xi32>
      %ne3A_658 = arith.constant -1 : i32
      %ne3A_659 = vector.broadcast %ne3A_658 : i32 to vector<16xi32>
      %ne3A_660 = arith.cmpi ne, %get3A_657, %ne3A_659 : vector<16xi32>
      %jit3A_661 = arith.constant 1 : i32
      %jit3A_662 = arith.constant 0 : i32
      %broadcast_in_dim3A_663 = vector.broadcast %jit3A_661 : i32 to vector<16xi32>
      %broadcast_in_dim3A_664 = vector.broadcast %jit3A_662 : i32 to vector<16xi32>
      %select_n3A_665 = arith.select %ne3A_660, %broadcast_in_dim3A_663, %broadcast_in_dim3A_664 : vector<16xi1>, vector<16xi32>
      %swap3A_666 = arith.index_cast %add3A_551 : i32 to index
      %swap3A_667 = arith.constant 96 : index
      %swap3A_668 = tpu.vector_load %arg7[%swap3A_666, %swap3A_667] {strides = array<i32>} : memref<200x128xi32, #tpu.memory_space<vmem>>, vector<1x16xi32>,
      %swap3A_669 = vector.shape_cast %swap3A_668 : vector<1x16xi32> to vector<16xi32>
      %swap3A_670 = vector.shape_cast %select_n3A_665 : vector<16xi32> to vector<1x16xi32>
      tpu.vector_store %arg7[%swap3A_666, %swap3A_667], %swap3A_670 {strides = array<i32>} : memref<200x128xi32, #tpu.memory_space<vmem>>, vector<1x16xi32>,
      %get3A_671 = arith.index_cast %add3A_551 : i32 to index
      %get3A_672 = arith.constant 112 : index
      %get3A_673 = tpu.vector_load %arg6[%get3A_671, %get3A_672] {strides = array<i32>} : memref<200x128xi32, #tpu.memory_space<vmem>>, vector<1x16xi32>,
      %get3A_674 = vector.shape_cast %get3A_673 : vector<1x16xi32> to vector<16xi32>
      %ne3A_675 = arith.constant -1 : i32
      %ne3A_676 = vector.broadcast %ne3A_675 : i32 to vector<16xi32>
      %ne3A_677 = arith.cmpi ne, %get3A_674, %ne3A_676 : vector<16xi32>
      %jit3A_678 = arith.constant 1 : i32
      %jit3A_679 = arith.constant 0 : i32
      %broadcast_in_dim3A_680 = vector.broadcast %jit3A_678 : i32 to vector<16xi32>
      %broadcast_in_dim3A_681 = vector.broadcast %jit3A_679 : i32 to vector<16xi32>
      %select_n3A_682 = arith.select %ne3A_677, %broadcast_in_dim3A_680, %broadcast_in_dim3A_681 : vector<16xi1>, vector<16xi32>
      %swap3A_683 = arith.index_cast %add3A_551 : i32 to index
      %swap3A_684 = arith.constant 112 : index
      %swap3A_685 = tpu.vector_load %arg7[%swap3A_683, %swap3A_684] {strides = array<i32>} : memref<200x128xi32, #tpu.memory_space<vmem>>, vector<1x16xi32>,
      %swap3A_686 = vector.shape_cast %swap3A_685 : vector<1x16xi32> to vector<16xi32>
      %swap3A_687 = vector.shape_cast %select_n3A_682 : vector<16xi32> to vector<1x16xi32>
      tpu.vector_store %arg7[%swap3A_683, %swap3A_684], %swap3A_687 {strides = array<i32>} : memref<200x128xi32, #tpu.memory_space<vmem>>, vector<1x16xi32>,
      %mul3A_688 = arith.constant 4 : i32
      %mul3A_689 = arith.muli %mul3A_115, %mul3A_688 : i32
      %add3A_690 = arith.constant 2 : i32
      %add3A_691 = arith.addi %mul3A_689, %add3A_690 : i32
      %mul3A_692 = arith.constant 64 : i32
      %mul3A_693 = arith.muli %add3A_691, %mul3A_692 : i32
      %dma_start3A_694 = arith.constant 0 : i32
      %dma_start3A_695 = arith.constant 2 : i32
      %dma_start3A_696 = arith.constant 0 : i32
      %dma_start3A_697 = arith.constant 0 : i32
      %dma_start3A_698 = tpu.memref_slice %arg8[%dma_start3A_694, %dma_start3A_695, %dma_start3A_696, %dma_start3A_697] : memref<2x4x128x64xf32, #tpu.memory_space<vmem>> -> memref<1x1x128x64xf32, #tpu.memory_space<vmem>>
      %dma_start3A_699 = tpu.memref_squeeze %dma_start3A_698 : memref<1x1x128x64xf32, #tpu.memory_space<vmem>> -> memref<128x64xf32, #tpu.memory_space<vmem>>
      %dma_start3A_700 = tpu.memref_slice %arg4[%mul3A_2, %mul3A_693] : memref<4096x12800xf32, #tpu.memory_space<hbm>> -> memref<128x64xf32, #tpu.memory_space<hbm>>
      %dma_start3A_701 = tpu.memref_slice %arg4[%mul3A_2, %mul3A_693] : memref<4096x12800xf32, #tpu.memory_space<hbm>> -> memref<128x64xf32, #tpu.memory_space<hbm>>
      %dma_start3A_702 = arith.constant 0 : i32
      %dma_start3A_703 = arith.constant 0 : i32
      %dma_start3A_704 = tpu.memref_slice %arg8[%dma_start3A_694, %dma_start3A_695, %dma_start3A_702, %dma_start3A_703] : memref<2x4x128x64xf32, #tpu.memory_space<vmem>> -> memref<1x1x128x64xf32, #tpu.memory_space<vmem>>
      %dma_start3A_705 = tpu.memref_squeeze %dma_start3A_704 : memref<1x1x128x64xf32, #tpu.memory_space<vmem>> -> memref<128x64xf32, #tpu.memory_space<vmem>>
      tpu.enqueue_dma source(%dma_start3A_705 : memref<128x64xf32, #tpu.memory_space<vmem>>) target(%dma_start3A_701 : memref<128x64xf32, #tpu.memory_space<hbm>>) target_semaphore(%arg11 : memref<!tpu.dma_semaphore, #tpu.memory_space<semaphore_mem>>)
      %mul3A_706 = arith.constant 4 : i32
      %mul3A_707 = arith.muli %mul3A_115, %mul3A_706 : i32
      %add3A_708 = arith.constant 3 : i32
      %add3A_709 = arith.addi %mul3A_707, %add3A_708 : i32
      %get3A_710 = arith.index_cast %add3A_709 : i32 to index
      %get3A_711 = arith.constant 0 : index
      %get3A_712 = tpu.vector_load %arg6[%get3A_710, %get3A_711] {strides = array<i32>} : memref<200x128xi32, #tpu.memory_space<vmem>>, vector<1x16xi32>,
      %get3A_713 = vector.shape_cast %get3A_712 : vector<1x16xi32> to vector<16xi32>
      %ne3A_714 = arith.constant -1 : i32
      %ne3A_715 = vector.broadcast %ne3A_714 : i32 to vector<16xi32>
      %ne3A_716 = arith.cmpi ne, %get3A_713, %ne3A_715 : vector<16xi32>
      %jit3A_717 = arith.constant 1 : i32
      %jit3A_718 = arith.constant 0 : i32
      %broadcast_in_dim3A_719 = vector.broadcast %jit3A_717 : i32 to vector<16xi32>
      %broadcast_in_dim3A_720 = vector.broadcast %jit3A_718 : i32 to vector<16xi32>
      %select_n3A_721 = arith.select %ne3A_716, %broadcast_in_dim3A_719, %broadcast_in_dim3A_720 : vector<16xi1>, vector<16xi32>
      %swap3A_722 = arith.index_cast %add3A_709 : i32 to index
      %swap3A_723 = arith.constant 0 : index
      %swap3A_724 = tpu.vector_load %arg7[%swap3A_722, %swap3A_723] {strides = array<i32>} : memref<200x128xi32, #tpu.memory_space<vmem>>, vector<1x16xi32>,
      %swap3A_725 = vector.shape_cast %swap3A_724 : vector<1x16xi32> to vector<16xi32>
      %swap3A_726 = vector.shape_cast %select_n3A_721 : vector<16xi32> to vector<1x16xi32>
      tpu.vector_store %arg7[%swap3A_722, %swap3A_723], %swap3A_726 {strides = array<i32>} : memref<200x128xi32, #tpu.memory_space<vmem>>, vector<1x16xi32>,
      %get3A_727 = arith.index_cast %add3A_709 : i32 to index
      %get3A_728 = arith.constant 16 : index
      %get3A_729 = tpu.vector_load %arg6[%get3A_727, %get3A_728] {strides = array<i32>} : memref<200x128xi32, #tpu.memory_space<vmem>>, vector<1x16xi32>,
      %get3A_730 = vector.shape_cast %get3A_729 : vector<1x16xi32> to vector<16xi32>
      %ne3A_731 = arith.constant -1 : i32
      %ne3A_732 = vector.broadcast %ne3A_731 : i32 to vector<16xi32>
      %ne3A_733 = arith.cmpi ne, %get3A_730, %ne3A_732 : vector<16xi32>
      %jit3A_734 = arith.constant 1 : i32
      %jit3A_735 = arith.constant 0 : i32
      %broadcast_in_dim3A_736 = vector.broadcast %jit3A_734 : i32 to vector<16xi32>
      %broadcast_in_dim3A_737 = vector.broadcast %jit3A_735 : i32 to vector<16xi32>
      %select_n3A_738 = arith.select %ne3A_733, %broadcast_in_dim3A_736, %broadcast_in_dim3A_737 : vector<16xi1>, vector<16xi32>
      %swap3A_739 = arith.index_cast %add3A_709 : i32 to index
      %swap3A_740 = arith.constant 16 : index
      %swap3A_741 = tpu.vector_load %arg7[%swap3A_739, %swap3A_740] {strides = array<i32>} : memref<200x128xi32, #tpu.memory_space<vmem>>, vector<1x16xi32>,
      %swap3A_742 = vector.shape_cast %swap3A_741 : vector<1x16xi32> to vector<16xi32>
      %swap3A_743 = vector.shape_cast %select_n3A_738 : vector<16xi32> to vector<1x16xi32>
      tpu.vector_store %arg7[%swap3A_739, %swap3A_740], %swap3A_743 {strides = array<i32>} : memref<200x128xi32, #tpu.memory_space<vmem>>, vector<1x16xi32>,
      %get3A_744 = arith.index_cast %add3A_709 : i32 to index
      %get3A_745 = arith.constant 32 : index
      %get3A_746 = tpu.vector_load %arg6[%get3A_744, %get3A_745] {strides = array<i32>} : memref<200x128xi32, #tpu.memory_space<vmem>>, vector<1x16xi32>,
      %get3A_747 = vector.shape_cast %get3A_746 : vector<1x16xi32> to vector<16xi32>
      %ne3A_748 = arith.constant -1 : i32
      %ne3A_749 = vector.broadcast %ne3A_748 : i32 to vector<16xi32>
      %ne3A_750 = arith.cmpi ne, %get3A_747, %ne3A_749 : vector<16xi32>
      %jit3A_751 = arith.constant 1 : i32
      %jit3A_752 = arith.constant 0 : i32
      %broadcast_in_dim3A_753 = vector.broadcast %jit3A_751 : i32 to vector<16xi32>
      %broadcast_in_dim3A_754 = vector.broadcast %jit3A_752 : i32 to vector<16xi32>
      %select_n3A_755 = arith.select %ne3A_750, %broadcast_in_dim3A_753, %broadcast_in_dim3A_754 : vector<16xi1>, vector<16xi32>
      %swap3A_756 = arith.index_cast %add3A_709 : i32 to index
      %swap3A_757 = arith.constant 32 : index
      %swap3A_758 = tpu.vector_load %arg7[%swap3A_756, %swap3A_757] {strides = array<i32>} : memref<200x128xi32, #tpu.memory_space<vmem>>, vector<1x16xi32>,
      %swap3A_759 = vector.shape_cast %swap3A_758 : vector<1x16xi32> to vector<16xi32>
      %swap3A_760 = vector.shape_cast %select_n3A_755 : vector<16xi32> to vector<1x16xi32>
      tpu.vector_store %arg7[%swap3A_756, %swap3A_757], %swap3A_760 {strides = array<i32>} : memref<200x128xi32, #tpu.memory_space<vmem>>, vector<1x16xi32>,
      %get3A_761 = arith.index_cast %add3A_709 : i32 to index
      %get3A_762 = arith.constant 48 : index
      %get3A_763 = tpu.vector_load %arg6[%get3A_761, %get3A_762] {strides = array<i32>} : memref<200x128xi32, #tpu.memory_space<vmem>>, vector<1x16xi32>,
      %get3A_764 = vector.shape_cast %get3A_763 : vector<1x16xi32> to vector<16xi32>
      %ne3A_765 = arith.constant -1 : i32
      %ne3A_766 = vector.broadcast %ne3A_765 : i32 to vector<16xi32>
      %ne3A_767 = arith.cmpi ne, %get3A_764, %ne3A_766 : vector<16xi32>
      %jit3A_768 = arith.constant 1 : i32
      %jit3A_769 = arith.constant 0 : i32
      %broadcast_in_dim3A_770 = vector.broadcast %jit3A_768 : i32 to vector<16xi32>
      %broadcast_in_dim3A_771 = vector.broadcast %jit3A_769 : i32 to vector<16xi32>
      %select_n3A_772 = arith.select %ne3A_767, %broadcast_in_dim3A_770, %broadcast_in_dim3A_771 : vector<16xi1>, vector<16xi32>
      %swap3A_773 = arith.index_cast %add3A_709 : i32 to index
      %swap3A_774 = arith.constant 48 : index
      %swap3A_775 = tpu.vector_load %arg7[%swap3A_773, %swap3A_774] {strides = array<i32>} : memref<200x128xi32, #tpu.memory_space<vmem>>, vector<1x16xi32>,
      %swap3A_776 = vector.shape_cast %swap3A_775 : vector<1x16xi32> to vector<16xi32>
      %swap3A_777 = vector.shape_cast %select_n3A_772 : vector<16xi32> to vector<1x16xi32>
      tpu.vector_store %arg7[%swap3A_773, %swap3A_774], %swap3A_777 {strides = array<i32>} : memref<200x128xi32, #tpu.memory_space<vmem>>, vector<1x16xi32>,
      %get3A_778 = arith.index_cast %add3A_709 : i32 to index
      %get3A_779 = arith.constant 64 : index
      %get3A_780 = tpu.vector_load %arg6[%get3A_778, %get3A_779] {strides = array<i32>} : memref<200x128xi32, #tpu.memory_space<vmem>>, vector<1x16xi32>,
      %get3A_781 = vector.shape_cast %get3A_780 : vector<1x16xi32> to vector<16xi32>
      %ne3A_782 = arith.constant -1 : i32
      %ne3A_783 = vector.broadcast %ne3A_782 : i32 to vector<16xi32>
      %ne3A_784 = arith.cmpi ne, %get3A_781, %ne3A_783 : vector<16xi32>
      %jit3A_785 = arith.constant 1 : i32
      %jit3A_786 = arith.constant 0 : i32
      %broadcast_in_dim3A_787 = vector.broadcast %jit3A_785 : i32 to vector<16xi32>
      %broadcast_in_dim3A_788 = vector.broadcast %jit3A_786 : i32 to vector<16xi32>
      %select_n3A_789 = arith.select %ne3A_784, %broadcast_in_dim3A_787, %broadcast_in_dim3A_788 : vector<16xi1>, vector<16xi32>
      %swap3A_790 = arith.index_cast %add3A_709 : i32 to index
      %swap3A_791 = arith.constant 64 : index
      %swap3A_792 = tpu.vector_load %arg7[%swap3A_790, %swap3A_791] {strides = array<i32>} : memref<200x128xi32, #tpu.memory_space<vmem>>, vector<1x16xi32>,
      %swap3A_793 = vector.shape_cast %swap3A_792 : vector<1x16xi32> to vector<16xi32>
      %swap3A_794 = vector.shape_cast %select_n3A_789 : vector<16xi32> to vector<1x16xi32>
      tpu.vector_store %arg7[%swap3A_790, %swap3A_791], %swap3A_794 {strides = array<i32>} : memref<200x128xi32, #tpu.memory_space<vmem>>, vector<1x16xi32>,
      %get3A_795 = arith.index_cast %add3A_709 : i32 to index
      %get3A_796 = arith.constant 80 : index
      %get3A_797 = tpu.vector_load %arg6[%get3A_795, %get3A_796] {strides = array<i32>} : memref<200x128xi32, #tpu.memory_space<vmem>>, vector<1x16xi32>,
      %get3A_798 = vector.shape_cast %get3A_797 : vector<1x16xi32> to vector<16xi32>
      %ne3A_799 = arith.constant -1 : i32
      %ne3A_800 = vector.broadcast %ne3A_799 : i32 to vector<16xi32>
      %ne3A_801 = arith.cmpi ne, %get3A_798, %ne3A_800 : vector<16xi32>
      %jit3A_802 = arith.constant 1 : i32
      %jit3A_803 = arith.constant 0 : i32
      %broadcast_in_dim3A_804 = vector.broadcast %jit3A_802 : i32 to vector<16xi32>
      %broadcast_in_dim3A_805 = vector.broadcast %jit3A_803 : i32 to vector<16xi32>
      %select_n3A_806 = arith.select %ne3A_801, %broadcast_in_dim3A_804, %broadcast_in_dim3A_805 : vector<16xi1>, vector<16xi32>
      %swap3A_807 = arith.index_cast %add3A_709 : i32 to index
      %swap3A_808 = arith.constant 80 : index
      %swap3A_809 = tpu.vector_load %arg7[%swap3A_807, %swap3A_808] {strides = array<i32>} : memref<200x128xi32, #tpu.memory_space<vmem>>, vector<1x16xi32>,
      %swap3A_810 = vector.shape_cast %swap3A_809 : vector<1x16xi32> to vector<16xi32>
      %swap3A_811 = vector.shape_cast %select_n3A_806 : vector<16xi32> to vector<1x16xi32>
      tpu.vector_store %arg7[%swap3A_807, %swap3A_808], %swap3A_811 {strides = array<i32>} : memref<200x128xi32, #tpu.memory_space<vmem>>, vector<1x16xi32>,
      %get3A_812 = arith.index_cast %add3A_709 : i32 to index
      %get3A_813 = arith.constant 96 : index
      %get3A_814 = tpu.vector_load %arg6[%get3A_812, %get3A_813] {strides = array<i32>} : memref<200x128xi32, #tpu.memory_space<vmem>>, vector<1x16xi32>,
      %get3A_815 = vector.shape_cast %get3A_814 : vector<1x16xi32> to vector<16xi32>
      %ne3A_816 = arith.constant -1 : i32
      %ne3A_817 = vector.broadcast %ne3A_816 : i32 to vector<16xi32>
      %ne3A_818 = arith.cmpi ne, %get3A_815, %ne3A_817 : vector<16xi32>
      %jit3A_819 = arith.constant 1 : i32
      %jit3A_820 = arith.constant 0 : i32
      %broadcast_in_dim3A_821 = vector.broadcast %jit3A_819 : i32 to vector<16xi32>
      %broadcast_in_dim3A_822 = vector.broadcast %jit3A_820 : i32 to vector<16xi32>
      %select_n3A_823 = arith.select %ne3A_818, %broadcast_in_dim3A_821, %broadcast_in_dim3A_822 : vector<16xi1>, vector<16xi32>
      %swap3A_824 = arith.index_cast %add3A_709 : i32 to index
      %swap3A_825 = arith.constant 96 : index
      %swap3A_826 = tpu.vector_load %arg7[%swap3A_824, %swap3A_825] {strides = array<i32>} : memref<200x128xi32, #tpu.memory_space<vmem>>, vector<1x16xi32>,
      %swap3A_827 = vector.shape_cast %swap3A_826 : vector<1x16xi32> to vector<16xi32>
      %swap3A_828 = vector.shape_cast %select_n3A_823 : vector<16xi32> to vector<1x16xi32>
      tpu.vector_store %arg7[%swap3A_824, %swap3A_825], %swap3A_828 {strides = array<i32>} : memref<200x128xi32, #tpu.memory_space<vmem>>, vector<1x16xi32>,
      %get3A_829 = arith.index_cast %add3A_709 : i32 to index
      %get3A_830 = arith.constant 112 : index
      %get3A_831 = tpu.vector_load %arg6[%get3A_829, %get3A_830] {strides = array<i32>} : memref<200x128xi32, #tpu.memory_space<vmem>>, vector<1x16xi32>,
      %get3A_832 = vector.shape_cast %get3A_831 : vector<1x16xi32> to vector<16xi32>
      %ne3A_833 = arith.constant -1 : i32
      %ne3A_834 = vector.broadcast %ne3A_833 : i32 to vector<16xi32>
      %ne3A_835 = arith.cmpi ne, %get3A_832, %ne3A_834 : vector<16xi32>
      %jit3A_836 = arith.constant 1 : i32
      %jit3A_837 = arith.constant 0 : i32
      %broadcast_in_dim3A_838 = vector.broadcast %jit3A_836 : i32 to vector<16xi32>
      %broadcast_in_dim3A_839 = vector.broadcast %jit3A_837 : i32 to vector<16xi32>
      %select_n3A_840 = arith.select %ne3A_835, %broadcast_in_dim3A_838, %broadcast_in_dim3A_839 : vector<16xi1>, vector<16xi32>
      %swap3A_841 = arith.index_cast %add3A_709 : i32 to index
      %swap3A_842 = arith.constant 112 : index
      %swap3A_843 = tpu.vector_load %arg7[%swap3A_841, %swap3A_842] {strides = array<i32>} : memref<200x128xi32, #tpu.memory_space<vmem>>, vector<1x16xi32>,
      %swap3A_844 = vector.shape_cast %swap3A_843 : vector<1x16xi32> to vector<16xi32>
      %swap3A_845 = vector.shape_cast %select_n3A_840 : vector<16xi32> to vector<1x16xi32>
      tpu.vector_store %arg7[%swap3A_841, %swap3A_842], %swap3A_845 {strides = array<i32>} : memref<200x128xi32, #tpu.memory_space<vmem>>, vector<1x16xi32>,
      %mul3A_846 = arith.constant 4 : i32
      %mul3A_847 = arith.muli %mul3A_115, %mul3A_846 : i32
      %add3A_848 = arith.constant 3 : i32
      %add3A_849 = arith.addi %mul3A_847, %add3A_848 : i32
      %mul3A_850 = arith.constant 64 : i32
      %mul3A_851 = arith.muli %add3A_849, %mul3A_850 : i32
      %dma_start3A_852 = arith.constant 0 : i32
      %dma_start3A_853 = arith.constant 3 : i32
      %dma_start3A_854 = arith.constant 0 : i32
      %dma_start3A_855 = arith.constant 0 : i32
      %dma_start3A_856 = tpu.memref_slice %arg8[%dma_start3A_852, %dma_start3A_853, %dma_start3A_854, %dma_start3A_855] : memref<2x4x128x64xf32, #tpu.memory_space<vmem>> -> memref<1x1x128x64xf32, #tpu.memory_space<vmem>>
      %dma_start3A_857 = tpu.memref_squeeze %dma_start3A_856 : memref<1x1x128x64xf32, #tpu.memory_space<vmem>> -> memref<128x64xf32, #tpu.memory_space<vmem>>
      %dma_start3A_858 = tpu.memref_slice %arg4[%mul3A_2, %mul3A_851] : memref<4096x12800xf32, #tpu.memory_space<hbm>> -> memref<128x64xf32, #tpu.memory_space<hbm>>
      %dma_start3A_859 = tpu.memref_slice %arg4[%mul3A_2, %mul3A_851] : memref<4096x12800xf32, #tpu.memory_space<hbm>> -> memref<128x64xf32, #tpu.memory_space<hbm>>
      %dma_start3A_860 = arith.constant 0 : i32
      %dma_start3A_861 = arith.constant 0 : i32
      %dma_start3A_862 = tpu.memref_slice %arg8[%dma_start3A_852, %dma_start3A_853, %dma_start3A_860, %dma_start3A_861] : memref<2x4x128x64xf32, #tpu.memory_space<vmem>> -> memref<1x1x128x64xf32, #tpu.memory_space<vmem>>
      %dma_start3A_863 = tpu.memref_squeeze %dma_start3A_862 : memref<1x1x128x64xf32, #tpu.memory_space<vmem>> -> memref<128x64xf32, #tpu.memory_space<vmem>>
      tpu.enqueue_dma source(%dma_start3A_863 : memref<128x64xf32, #tpu.memory_space<vmem>>) target(%dma_start3A_859 : memref<128x64xf32, #tpu.memory_space<hbm>>) target_semaphore(%arg11 : memref<!tpu.dma_semaphore, #tpu.memory_space<semaphore_mem>>)
      %dma_wait3A_864 = arith.constant 0 : i32
      %dma_wait3A_865 = arith.constant 0 : i32
      %dma_wait3A_866 = arith.constant 0 : i32
      %dma_wait3A_867 = arith.constant 0 : i32
      %dma_wait3A_868 = tpu.memref_slice %arg8[%dma_wait3A_864, %dma_wait3A_865, %dma_wait3A_866, %dma_wait3A_867] : memref<2x4x128x64xf32, #tpu.memory_space<vmem>> -> memref<1x1x128x64xf32, #tpu.memory_space<vmem>>
      %dma_wait3A_869 = tpu.memref_squeeze %dma_wait3A_868 : memref<1x1x128x64xf32, #tpu.memory_space<vmem>> -> memref<128x64xf32, #tpu.memory_space<vmem>>
      %dma_wait3A_870 = arith.constant 0 : i32
      %dma_wait3A_871 = tpu.memref_slice %arg4[%mul3A_2, %dma_wait3A_870] : memref<4096x12800xf32, #tpu.memory_space<hbm>> -> memref<128x64xf32, #tpu.memory_space<hbm>>
      %dma_wait3A_872 = arith.constant 0 : i32
      %dma_wait3A_873 = tpu.memref_slice %arg4[%mul3A_2, %dma_wait3A_872] : memref<4096x12800xf32, #tpu.memory_space<hbm>> -> memref<128x64xf32, #tpu.memory_space<hbm>>
      %dma_wait3A_874 = arith.constant 0 : i32
      %dma_wait3A_875 = arith.constant 0 : i32
      %dma_wait3A_876 = tpu.memref_slice %arg8[%dma_wait3A_864, %dma_wait3A_865, %dma_wait3A_874, %dma_wait3A_875] : memref<2x4x128x64xf32, #tpu.memory_space<vmem>> -> memref<1x1x128x64xf32, #tpu.memory_space<vmem>>
      %dma_wait3A_877 = tpu.memref_squeeze %dma_wait3A_876 : memref<1x1x128x64xf32, #tpu.memory_space<vmem>> -> memref<128x64xf32, #tpu.memory_space<vmem>>
      tpu.wait_dma2 semaphore(%arg11 : memref<!tpu.dma_semaphore, #tpu.memory_space<semaphore_mem>>) src(%dma_wait3A_877 : memref<128x64xf32, #tpu.memory_space<vmem>>) dst(%dma_wait3A_873 : memref<128x64xf32, #tpu.memory_space<hbm>>)
      %dma_wait3A_878 = arith.constant 0 : i32
      %dma_wait3A_879 = arith.constant 1 : i32
      %dma_wait3A_880 = arith.constant 0 : i32
      %dma_wait3A_881 = arith.constant 0 : i32
      %dma_wait3A_882 = tpu.memref_slice %arg8[%dma_wait3A_878, %dma_wait3A_879, %dma_wait3A_880, %dma_wait3A_881] : memref<2x4x128x64xf32, #tpu.memory_space<vmem>> -> memref<1x1x128x64xf32, #tpu.memory_space<vmem>>
      %dma_wait3A_883 = tpu.memref_squeeze %dma_wait3A_882 : memref<1x1x128x64xf32, #tpu.memory_space<vmem>> -> memref<128x64xf32, #tpu.memory_space<vmem>>
      %dma_wait3A_884 = arith.constant 0 : i32
      %dma_wait3A_885 = tpu.memref_slice %arg4[%mul3A_2, %dma_wait3A_884] : memref<4096x12800xf32, #tpu.memory_space<hbm>> -> memref<128x64xf32, #tpu.memory_space<hbm>>
      %dma_wait3A_886 = arith.constant 0 : i32
      %dma_wait3A_887 = tpu.memref_slice %arg4[%mul3A_2, %dma_wait3A_886] : memref<4096x12800xf32, #tpu.memory_space<hbm>> -> memref<128x64xf32, #tpu.memory_space<hbm>>
      %dma_wait3A_888 = arith.constant 0 : i32
      %dma_wait3A_889 = arith.constant 0 : i32
      %dma_wait3A_890 = tpu.memref_slice %arg8[%dma_wait3A_878, %dma_wait3A_879, %dma_wait3A_888, %dma_wait3A_889] : memref<2x4x128x64xf32, #tpu.memory_space<vmem>> -> memref<1x1x128x64xf32, #tpu.memory_space<vmem>>
      %dma_wait3A_891 = tpu.memref_squeeze %dma_wait3A_890 : memref<1x1x128x64xf32, #tpu.memory_space<vmem>> -> memref<128x64xf32, #tpu.memory_space<vmem>>
      tpu.wait_dma2 semaphore(%arg11 : memref<!tpu.dma_semaphore, #tpu.memory_space<semaphore_mem>>) src(%dma_wait3A_891 : memref<128x64xf32, #tpu.memory_space<vmem>>) dst(%dma_wait3A_887 : memref<128x64xf32, #tpu.memory_space<hbm>>)
      %dma_wait3A_892 = arith.constant 0 : i32
      %dma_wait3A_893 = arith.constant 2 : i32
      %dma_wait3A_894 = arith.constant 0 : i32
      %dma_wait3A_895 = arith.constant 0 : i32
      %dma_wait3A_896 = tpu.memref_slice %arg8[%dma_wait3A_892, %dma_wait3A_893, %dma_wait3A_894, %dma_wait3A_895] : memref<2x4x128x64xf32, #tpu.memory_space<vmem>> -> memref<1x1x128x64xf32, #tpu.memory_space<vmem>>
      %dma_wait3A_897 = tpu.memref_squeeze %dma_wait3A_896 : memref<1x1x128x64xf32, #tpu.memory_space<vmem>> -> memref<128x64xf32, #tpu.memory_space<vmem>>
      %dma_wait3A_898 = arith.constant 0 : i32
      %dma_wait3A_899 = tpu.memref_slice %arg4[%mul3A_2, %dma_wait3A_898] : memref<4096x12800xf32, #tpu.memory_space<hbm>> -> memref<128x64xf32, #tpu.memory_space<hbm>>
      %dma_wait3A_900 = arith.constant 0 : i32
      %dma_wait3A_901 = tpu.memref_slice %arg4[%mul3A_2, %dma_wait3A_900] : memref<4096x12800xf32, #tpu.memory_space<hbm>> -> memref<128x64xf32, #tpu.memory_space<hbm>>
      %dma_wait3A_902 = arith.constant 0 : i32
      %dma_wait3A_903 = arith.constant 0 : i32
      %dma_wait3A_904 = tpu.memref_slice %arg8[%dma_wait3A_892, %dma_wait3A_893, %dma_wait3A_902, %dma_wait3A_903] : memref<2x4x128x64xf32, #tpu.memory_space<vmem>> -> memref<1x1x128x64xf32, #tpu.memory_space<vmem>>
      %dma_wait3A_905 = tpu.memref_squeeze %dma_wait3A_904 : memref<1x1x128x64xf32, #tpu.memory_space<vmem>> -> memref<128x64xf32, #tpu.memory_space<vmem>>
      tpu.wait_dma2 semaphore(%arg11 : memref<!tpu.dma_semaphore, #tpu.memory_space<semaphore_mem>>) src(%dma_wait3A_905 : memref<128x64xf32, #tpu.memory_space<vmem>>) dst(%dma_wait3A_901 : memref<128x64xf32, #tpu.memory_space<hbm>>)
      %dma_wait3A_906 = arith.constant 0 : i32
      %dma_wait3A_907 = arith.constant 3 : i32
      %dma_wait3A_908 = arith.constant 0 : i32
      %dma_wait3A_909 = arith.constant 0 : i32
      %dma_wait3A_910 = tpu.memref_slice %arg8[%dma_wait3A_906, %dma_wait3A_907, %dma_wait3A_908, %dma_wait3A_909] : memref<2x4x128x64xf32, #tpu.memory_space<vmem>> -> memref<1x1x128x64xf32, #tpu.memory_space<vmem>>
      %dma_wait3A_911 = tpu.memref_squeeze %dma_wait3A_910 : memref<1x1x128x64xf32, #tpu.memory_space<vmem>> -> memref<128x64xf32, #tpu.memory_space<vmem>>
      %dma_wait3A_912 = arith.constant 0 : i32
      %dma_wait3A_913 = tpu.memref_slice %arg4[%mul3A_2, %dma_wait3A_912] : memref<4096x12800xf32, #tpu.memory_space<hbm>> -> memref<128x64xf32, #tpu.memory_space<hbm>>
      %dma_wait3A_914 = arith.constant 0 : i32
      %dma_wait3A_915 = tpu.memref_slice %arg4[%mul3A_2, %dma_wait3A_914] : memref<4096x12800xf32, #tpu.memory_space<hbm>> -> memref<128x64xf32, #tpu.memory_space<hbm>>
      %dma_wait3A_916 = arith.constant 0 : i32
      %dma_wait3A_917 = arith.constant 0 : i32
      %dma_wait3A_918 = tpu.memref_slice %arg8[%dma_wait3A_906, %dma_wait3A_907, %dma_wait3A_916, %dma_wait3A_917] : memref<2x4x128x64xf32, #tpu.memory_space<vmem>> -> memref<1x1x128x64xf32, #tpu.memory_space<vmem>>
      %dma_wait3A_919 = tpu.memref_squeeze %dma_wait3A_918 : memref<1x1x128x64xf32, #tpu.memory_space<vmem>> -> memref<128x64xf32, #tpu.memory_space<vmem>>
      tpu.wait_dma2 semaphore(%arg11 : memref<!tpu.dma_semaphore, #tpu.memory_space<semaphore_mem>>) src(%dma_wait3A_919 : memref<128x64xf32, #tpu.memory_space<vmem>>) dst(%dma_wait3A_915 : memref<128x64xf32, #tpu.memory_space<hbm>>)
      %lt3A = arith.constant 24 : i32
      %lt3A_920 = arith.cmpi slt, %scan3A_113, %lt3A : i32
      %convert_element_type3A_921 = arith.extui %lt3A_920 : i1 to i32
      %cond3A_922 = arith.constant 0 : i32
      %cond3A_923 = arith.cmpi ne, %convert_element_type3A_921, %cond3A_922 : i32
      scf.if %cond3A_923 {
        %add3A_1608 = arith.constant 2 : i32
        %add3A_1609 = arith.addi %mul3A_115, %add3A_1608 : i32
        %mul3A_1610 = arith.constant 4 : i32
        %mul3A_1611 = arith.muli %add3A_1609, %mul3A_1610 : i32
        %add3A_1612 = arith.constant 0 : i32
        %add3A_1613 = arith.addi %mul3A_1611, %add3A_1612 : i32
        %dma_start3A_1614 = arith.constant 0 : i32
        %dma_start3A_1615 = arith.constant 0 : i32
        %dma_start3A_1616 = arith.constant 0 : i32
        %dma_start3A_1617 = arith.constant 0 : i32
        %dma_start3A_1618 = tpu.memref_slice %arg8[%dma_start3A_1614, %dma_start3A_1615, %dma_start3A_1616, %dma_start3A_1617] : memref<2x4x128x64xf32, #tpu.memory_space<vmem>> -> memref<1x1x128x64xf32, #tpu.memory_space<vmem>>
        %dma_start3A_1619 = tpu.memref_squeeze %dma_start3A_1618 : memref<1x1x128x64xf32, #tpu.memory_space<vmem>> -> memref<128x64xf32, #tpu.memory_space<vmem>>
        %dma_start3A_1620 = arith.constant 0 : i32
        %dma_start3A_1621 = tpu.memref_slice %arg6[%add3A_1613, %dma_start3A_1620] : memref<200x128xi32, #tpu.memory_space<vmem>> -> memref<1x128xi32, #tpu.memory_space<vmem>>
        %dma_start3A_1622 = tpu.memref_squeeze %dma_start3A_1621 : memref<1x128xi32, #tpu.memory_space<vmem>> -> memref<128xi32, #tpu.memory_space<vmem>>
        %dma_start3A_1623 = arith.constant 0 : i32
        %dma_start3A_1624 = arith.constant 0 : i32
        %dma_start3A_1625 = tpu.memref_slice %arg3[%dma_start3A_1623, %dma_start3A_1624] : memref<1000002x64xf32, #tpu.memory_space<hbm>> -> memref<1000002x64xf32, #tpu.memory_space<hbm>>
        tpu.enqueue_indirect_dma source(%dma_start3A_1625 : memref<1000002x64xf32, #tpu.memory_space<hbm>>) target(%dma_start3A_1619 : memref<128x64xf32, #tpu.memory_space<vmem>>) offsets(%dma_start3A_1622 : memref<128xi32, #tpu.memory_space<vmem>>) semaphore(%arg9 : memref<!tpu.dma_semaphore, #tpu.memory_space<semaphore_mem>>)
        %add3A_1626 = arith.constant 2 : i32
        %add3A_1627 = arith.addi %mul3A_115, %add3A_1626 : i32
        %mul3A_1628 = arith.constant 4 : i32
        %mul3A_1629 = arith.muli %add3A_1627, %mul3A_1628 : i32
        %add3A_1630 = arith.constant 1 : i32
        %add3A_1631 = arith.addi %mul3A_1629, %add3A_1630 : i32
        %dma_start3A_1632 = arith.constant 0 : i32
        %dma_start3A_1633 = arith.constant 1 : i32
        %dma_start3A_1634 = arith.constant 0 : i32
        %dma_start3A_1635 = arith.constant 0 : i32
        %dma_start3A_1636 = tpu.memref_slice %arg8[%dma_start3A_1632, %dma_start3A_1633, %dma_start3A_1634, %dma_start3A_1635] : memref<2x4x128x64xf32, #tpu.memory_space<vmem>> -> memref<1x1x128x64xf32, #tpu.memory_space<vmem>>
        %dma_start3A_1637 = tpu.memref_squeeze %dma_start3A_1636 : memref<1x1x128x64xf32, #tpu.memory_space<vmem>> -> memref<128x64xf32, #tpu.memory_space<vmem>>
        %dma_start3A_1638 = arith.constant 0 : i32
        %dma_start3A_1639 = tpu.memref_slice %arg6[%add3A_1631, %dma_start3A_1638] : memref<200x128xi32, #tpu.memory_space<vmem>> -> memref<1x128xi32, #tpu.memory_space<vmem>>
        %dma_start3A_1640 = tpu.memref_squeeze %dma_start3A_1639 : memref<1x128xi32, #tpu.memory_space<vmem>> -> memref<128xi32, #tpu.memory_space<vmem>>
        %dma_start3A_1641 = arith.constant 0 : i32
        %dma_start3A_1642 = arith.constant 0 : i32
        %dma_start3A_1643 = tpu.memref_slice %arg3[%dma_start3A_1641, %dma_start3A_1642] : memref<1000002x64xf32, #tpu.memory_space<hbm>> -> memref<1000002x64xf32, #tpu.memory_space<hbm>>
        tpu.enqueue_indirect_dma source(%dma_start3A_1643 : memref<1000002x64xf32, #tpu.memory_space<hbm>>) target(%dma_start3A_1637 : memref<128x64xf32, #tpu.memory_space<vmem>>) offsets(%dma_start3A_1640 : memref<128xi32, #tpu.memory_space<vmem>>) semaphore(%arg9 : memref<!tpu.dma_semaphore, #tpu.memory_space<semaphore_mem>>)
        %add3A_1644 = arith.constant 2 : i32
        %add3A_1645 = arith.addi %mul3A_115, %add3A_1644 : i32
        %mul3A_1646 = arith.constant 4 : i32
        %mul3A_1647 = arith.muli %add3A_1645, %mul3A_1646 : i32
        %add3A_1648 = arith.constant 2 : i32
        %add3A_1649 = arith.addi %mul3A_1647, %add3A_1648 : i32
        %dma_start3A_1650 = arith.constant 0 : i32
        %dma_start3A_1651 = arith.constant 2 : i32
        %dma_start3A_1652 = arith.constant 0 : i32
        %dma_start3A_1653 = arith.constant 0 : i32
        %dma_start3A_1654 = tpu.memref_slice %arg8[%dma_start3A_1650, %dma_start3A_1651, %dma_start3A_1652, %dma_start3A_1653] : memref<2x4x128x64xf32, #tpu.memory_space<vmem>> -> memref<1x1x128x64xf32, #tpu.memory_space<vmem>>
        %dma_start3A_1655 = tpu.memref_squeeze %dma_start3A_1654 : memref<1x1x128x64xf32, #tpu.memory_space<vmem>> -> memref<128x64xf32, #tpu.memory_space<vmem>>
        %dma_start3A_1656 = arith.constant 0 : i32
        %dma_start3A_1657 = tpu.memref_slice %arg6[%add3A_1649, %dma_start3A_1656] : memref<200x128xi32, #tpu.memory_space<vmem>> -> memref<1x128xi32, #tpu.memory_space<vmem>>
        %dma_start3A_1658 = tpu.memref_squeeze %dma_start3A_1657 : memref<1x128xi32, #tpu.memory_space<vmem>> -> memref<128xi32, #tpu.memory_space<vmem>>
        %dma_start3A_1659 = arith.constant 0 : i32
        %dma_start3A_1660 = arith.constant 0 : i32
        %dma_start3A_1661 = tpu.memref_slice %arg3[%dma_start3A_1659, %dma_start3A_1660] : memref<1000002x64xf32, #tpu.memory_space<hbm>> -> memref<1000002x64xf32, #tpu.memory_space<hbm>>
        tpu.enqueue_indirect_dma source(%dma_start3A_1661 : memref<1000002x64xf32, #tpu.memory_space<hbm>>) target(%dma_start3A_1655 : memref<128x64xf32, #tpu.memory_space<vmem>>) offsets(%dma_start3A_1658 : memref<128xi32, #tpu.memory_space<vmem>>) semaphore(%arg9 : memref<!tpu.dma_semaphore, #tpu.memory_space<semaphore_mem>>)
        %add3A_1662 = arith.constant 2 : i32
        %add3A_1663 = arith.addi %mul3A_115, %add3A_1662 : i32
        %mul3A_1664 = arith.constant 4 : i32
        %mul3A_1665 = arith.muli %add3A_1663, %mul3A_1664 : i32
        %add3A_1666 = arith.constant 3 : i32
        %add3A_1667 = arith.addi %mul3A_1665, %add3A_1666 : i32
        %dma_start3A_1668 = arith.constant 0 : i32
        %dma_start3A_1669 = arith.constant 3 : i32
        %dma_start3A_1670 = arith.constant 0 : i32
        %dma_start3A_1671 = arith.constant 0 : i32
        %dma_start3A_1672 = tpu.memref_slice %arg8[%dma_start3A_1668, %dma_start3A_1669, %dma_start3A_1670, %dma_start3A_1671] : memref<2x4x128x64xf32, #tpu.memory_space<vmem>> -> memref<1x1x128x64xf32, #tpu.memory_space<vmem>>
        %dma_start3A_1673 = tpu.memref_squeeze %dma_start3A_1672 : memref<1x1x128x64xf32, #tpu.memory_space<vmem>> -> memref<128x64xf32, #tpu.memory_space<vmem>>
        %dma_start3A_1674 = arith.constant 0 : i32
        %dma_start3A_1675 = tpu.memref_slice %arg6[%add3A_1667, %dma_start3A_1674] : memref<200x128xi32, #tpu.memory_space<vmem>> -> memref<1x128xi32, #tpu.memory_space<vmem>>
        %dma_start3A_1676 = tpu.memref_squeeze %dma_start3A_1675 : memref<1x128xi32, #tpu.memory_space<vmem>> -> memref<128xi32, #tpu.memory_space<vmem>>
        %dma_start3A_1677 = arith.constant 0 : i32
        %dma_start3A_1678 = arith.constant 0 : i32
        %dma_start3A_1679 = tpu.memref_slice %arg3[%dma_start3A_1677, %dma_start3A_1678] : memref<1000002x64xf32, #tpu.memory_space<hbm>> -> memref<1000002x64xf32, #tpu.memory_space<hbm>>
        tpu.enqueue_indirect_dma source(%dma_start3A_1679 : memref<1000002x64xf32, #tpu.memory_space<hbm>>) target(%dma_start3A_1673 : memref<128x64xf32, #tpu.memory_space<vmem>>) offsets(%dma_start3A_1676 : memref<128xi32, #tpu.memory_space<vmem>>) semaphore(%arg9 : memref<!tpu.dma_semaphore, #tpu.memory_space<semaphore_mem>>)
      } else {
      }
      %dma_wait3A_924 = arith.constant 0 : i32
      %dma_wait3A_925 = arith.constant 1 : i32
      %dma_wait3A_926 = arith.constant 0 : i32
      %dma_wait3A_927 = arith.constant 0 : i32
      %dma_wait3A_928 = arith.constant 0 : i32
      %dma_wait3A_929 = tpu.memref_slice %arg8[%dma_wait3A_925, %dma_wait3A_926, %dma_wait3A_927, %dma_wait3A_928] : memref<2x4x128x64xf32, #tpu.memory_space<vmem>> -> memref<1x1x128x64xf32, #tpu.memory_space<vmem>>
      %dma_wait3A_930 = tpu.memref_squeeze %dma_wait3A_929 : memref<1x1x128x64xf32, #tpu.memory_space<vmem>> -> memref<128x64xf32, #tpu.memory_space<vmem>>
      %dma_wait3A_931 = arith.constant 0 : i32
      %dma_wait3A_932 = tpu.memref_slice %arg6[%dma_wait3A_924, %dma_wait3A_931] : memref<200x128xi32, #tpu.memory_space<vmem>> -> memref<1x128xi32, #tpu.memory_space<vmem>>
      %dma_wait3A_933 = tpu.memref_squeeze %dma_wait3A_932 : memref<1x128xi32, #tpu.memory_space<vmem>> -> memref<128xi32, #tpu.memory_space<vmem>>
      %dma_wait3A_934 = arith.constant 0 : i32
      %dma_wait3A_935 = arith.constant 0 : i32
      %dma_wait3A_936 = tpu.memref_slice %arg3[%dma_wait3A_934, %dma_wait3A_935] : memref<1000002x64xf32, #tpu.memory_space<hbm>> -> memref<1000002x64xf32, #tpu.memory_space<hbm>>
      tpu.wait_indirect_dma semaphore(%arg10 : memref<!tpu.dma_semaphore, #tpu.memory_space<semaphore_mem>>) src(%dma_wait3A_936 : memref<1000002x64xf32, #tpu.memory_space<hbm>>) dst(%dma_wait3A_930 : memref<128x64xf32, #tpu.memory_space<vmem>>)
      %dma_wait3A_937 = arith.constant 0 : i32
      %dma_wait3A_938 = arith.constant 1 : i32
      %dma_wait3A_939 = arith.constant 1 : i32
      %dma_wait3A_940 = arith.constant 0 : i32
      %dma_wait3A_941 = arith.constant 0 : i32
      %dma_wait3A_942 = tpu.memref_slice %arg8[%dma_wait3A_938, %dma_wait3A_939, %dma_wait3A_940, %dma_wait3A_941] : memref<2x4x128x64xf32, #tpu.memory_space<vmem>> -> memref<1x1x128x64xf32, #tpu.memory_space<vmem>>
      %dma_wait3A_943 = tpu.memref_squeeze %dma_wait3A_942 : memref<1x1x128x64xf32, #tpu.memory_space<vmem>> -> memref<128x64xf32, #tpu.memory_space<vmem>>
      %dma_wait3A_944 = arith.constant 0 : i32
      %dma_wait3A_945 = tpu.memref_slice %arg6[%dma_wait3A_937, %dma_wait3A_944] : memref<200x128xi32, #tpu.memory_space<vmem>> -> memref<1x128xi32, #tpu.memory_space<vmem>>
      %dma_wait3A_946 = tpu.memref_squeeze %dma_wait3A_945 : memref<1x128xi32, #tpu.memory_space<vmem>> -> memref<128xi32, #tpu.memory_space<vmem>>
      %dma_wait3A_947 = arith.constant 0 : i32
      %dma_wait3A_948 = arith.constant 0 : i32
      %dma_wait3A_949 = tpu.memref_slice %arg3[%dma_wait3A_947, %dma_wait3A_948] : memref<1000002x64xf32, #tpu.memory_space<hbm>> -> memref<1000002x64xf32, #tpu.memory_space<hbm>>
      tpu.wait_indirect_dma semaphore(%arg10 : memref<!tpu.dma_semaphore, #tpu.memory_space<semaphore_mem>>) src(%dma_wait3A_949 : memref<1000002x64xf32, #tpu.memory_space<hbm>>) dst(%dma_wait3A_943 : memref<128x64xf32, #tpu.memory_space<vmem>>)
      %dma_wait3A_950 = arith.constant 0 : i32
      %dma_wait3A_951 = arith.constant 1 : i32
      %dma_wait3A_952 = arith.constant 2 : i32
      %dma_wait3A_953 = arith.constant 0 : i32
      %dma_wait3A_954 = arith.constant 0 : i32
      %dma_wait3A_955 = tpu.memref_slice %arg8[%dma_wait3A_951, %dma_wait3A_952, %dma_wait3A_953, %dma_wait3A_954] : memref<2x4x128x64xf32, #tpu.memory_space<vmem>> -> memref<1x1x128x64xf32, #tpu.memory_space<vmem>>
      %dma_wait3A_956 = tpu.memref_squeeze %dma_wait3A_955 : memref<1x1x128x64xf32, #tpu.memory_space<vmem>> -> memref<128x64xf32, #tpu.memory_space<vmem>>
      %dma_wait3A_957 = arith.constant 0 : i32
      %dma_wait3A_958 = tpu.memref_slice %arg6[%dma_wait3A_950, %dma_wait3A_957] : memref<200x128xi32, #tpu.memory_space<vmem>> -> memref<1x128xi32, #tpu.memory_space<vmem>>
      %dma_wait3A_959 = tpu.memref_squeeze %dma_wait3A_958 : memref<1x128xi32, #tpu.memory_space<vmem>> -> memref<128xi32, #tpu.memory_space<vmem>>
      %dma_wait3A_960 = arith.constant 0 : i32
      %dma_wait3A_961 = arith.constant 0 : i32
      %dma_wait3A_962 = tpu.memref_slice %arg3[%dma_wait3A_960, %dma_wait3A_961] : memref<1000002x64xf32, #tpu.memory_space<hbm>> -> memref<1000002x64xf32, #tpu.memory_space<hbm>>
      tpu.wait_indirect_dma semaphore(%arg10 : memref<!tpu.dma_semaphore, #tpu.memory_space<semaphore_mem>>) src(%dma_wait3A_962 : memref<1000002x64xf32, #tpu.memory_space<hbm>>) dst(%dma_wait3A_956 : memref<128x64xf32, #tpu.memory_space<vmem>>)
      %dma_wait3A_963 = arith.constant 0 : i32
      %dma_wait3A_964 = arith.constant 1 : i32
      %dma_wait3A_965 = arith.constant 3 : i32
      %dma_wait3A_966 = arith.constant 0 : i32
      %dma_wait3A_967 = arith.constant 0 : i32
      %dma_wait3A_968 = tpu.memref_slice %arg8[%dma_wait3A_964, %dma_wait3A_965, %dma_wait3A_966, %dma_wait3A_967] : memref<2x4x128x64xf32, #tpu.memory_space<vmem>> -> memref<1x1x128x64xf32, #tpu.memory_space<vmem>>
      %dma_wait3A_969 = tpu.memref_squeeze %dma_wait3A_968 : memref<1x1x128x64xf32, #tpu.memory_space<vmem>> -> memref<128x64xf32, #tpu.memory_space<vmem>>
      %dma_wait3A_970 = arith.constant 0 : i32
      %dma_wait3A_971 = tpu.memref_slice %arg6[%dma_wait3A_963, %dma_wait3A_970] : memref<200x128xi32, #tpu.memory_space<vmem>> -> memref<1x128xi32, #tpu.memory_space<vmem>>
      %dma_wait3A_972 = tpu.memref_squeeze %dma_wait3A_971 : memref<1x128xi32, #tpu.memory_space<vmem>> -> memref<128xi32, #tpu.memory_space<vmem>>
      %dma_wait3A_973 = arith.constant 0 : i32
      %dma_wait3A_974 = arith.constant 0 : i32
      %dma_wait3A_975 = tpu.memref_slice %arg3[%dma_wait3A_973, %dma_wait3A_974] : memref<1000002x64xf32, #tpu.memory_space<hbm>> -> memref<1000002x64xf32, #tpu.memory_space<hbm>>
      tpu.wait_indirect_dma semaphore(%arg10 : memref<!tpu.dma_semaphore, #tpu.memory_space<semaphore_mem>>) src(%dma_wait3A_975 : memref<1000002x64xf32, #tpu.memory_space<hbm>>) dst(%dma_wait3A_969 : memref<128x64xf32, #tpu.memory_space<vmem>>)
      %mul3A_976 = arith.constant 4 : i32
      %mul3A_977 = arith.muli %add3A_119, %mul3A_976 : i32
      %add3A_978 = arith.constant 0 : i32
      %add3A_979 = arith.addi %mul3A_977, %add3A_978 : i32
      %get3A_980 = arith.index_cast %add3A_979 : i32 to index
      %get3A_981 = arith.constant 0 : index
      %get3A_982 = tpu.vector_load %arg6[%get3A_980, %get3A_981] {strides = array<i32>} : memref<200x128xi32, #tpu.memory_space<vmem>>, vector<1x16xi32>,
      %get3A_983 = vector.shape_cast %get3A_982 : vector<1x16xi32> to vector<16xi32>
      %ne3A_984 = arith.constant -1 : i32
      %ne3A_985 = vector.broadcast %ne3A_984 : i32 to vector<16xi32>
      %ne3A_986 = arith.cmpi ne, %get3A_983, %ne3A_985 : vector<16xi32>
      %jit3A_987 = arith.constant 1 : i32
      %jit3A_988 = arith.constant 0 : i32
      %broadcast_in_dim3A_989 = vector.broadcast %jit3A_987 : i32 to vector<16xi32>
      %broadcast_in_dim3A_990 = vector.broadcast %jit3A_988 : i32 to vector<16xi32>
      %select_n3A_991 = arith.select %ne3A_986, %broadcast_in_dim3A_989, %broadcast_in_dim3A_990 : vector<16xi1>, vector<16xi32>
      %swap3A_992 = arith.index_cast %add3A_979 : i32 to index
      %swap3A_993 = arith.constant 0 : index
      %swap3A_994 = tpu.vector_load %arg7[%swap3A_992, %swap3A_993] {strides = array<i32>} : memref<200x128xi32, #tpu.memory_space<vmem>>, vector<1x16xi32>,
      %swap3A_995 = vector.shape_cast %swap3A_994 : vector<1x16xi32> to vector<16xi32>
      %swap3A_996 = vector.shape_cast %select_n3A_991 : vector<16xi32> to vector<1x16xi32>
      tpu.vector_store %arg7[%swap3A_992, %swap3A_993], %swap3A_996 {strides = array<i32>} : memref<200x128xi32, #tpu.memory_space<vmem>>, vector<1x16xi32>,
      %get3A_997 = arith.index_cast %add3A_979 : i32 to index
      %get3A_998 = arith.constant 16 : index
      %get3A_999 = tpu.vector_load %arg6[%get3A_997, %get3A_998] {strides = array<i32>} : memref<200x128xi32, #tpu.memory_space<vmem>>, vector<1x16xi32>,
      %get3A_1000 = vector.shape_cast %get3A_999 : vector<1x16xi32> to vector<16xi32>
      %ne3A_1001 = arith.constant -1 : i32
      %ne3A_1002 = vector.broadcast %ne3A_1001 : i32 to vector<16xi32>
      %ne3A_1003 = arith.cmpi ne, %get3A_1000, %ne3A_1002 : vector<16xi32>
      %jit3A_1004 = arith.constant 1 : i32
      %jit3A_1005 = arith.constant 0 : i32
      %broadcast_in_dim3A_1006 = vector.broadcast %jit3A_1004 : i32 to vector<16xi32>
      %broadcast_in_dim3A_1007 = vector.broadcast %jit3A_1005 : i32 to vector<16xi32>
      %select_n3A_1008 = arith.select %ne3A_1003, %broadcast_in_dim3A_1006, %broadcast_in_dim3A_1007 : vector<16xi1>, vector<16xi32>
      %swap3A_1009 = arith.index_cast %add3A_979 : i32 to index
      %swap3A_1010 = arith.constant 16 : index
      %swap3A_1011 = tpu.vector_load %arg7[%swap3A_1009, %swap3A_1010] {strides = array<i32>} : memref<200x128xi32, #tpu.memory_space<vmem>>, vector<1x16xi32>,
      %swap3A_1012 = vector.shape_cast %swap3A_1011 : vector<1x16xi32> to vector<16xi32>
      %swap3A_1013 = vector.shape_cast %select_n3A_1008 : vector<16xi32> to vector<1x16xi32>
      tpu.vector_store %arg7[%swap3A_1009, %swap3A_1010], %swap3A_1013 {strides = array<i32>} : memref<200x128xi32, #tpu.memory_space<vmem>>, vector<1x16xi32>,
      %get3A_1014 = arith.index_cast %add3A_979 : i32 to index
      %get3A_1015 = arith.constant 32 : index
      %get3A_1016 = tpu.vector_load %arg6[%get3A_1014, %get3A_1015] {strides = array<i32>} : memref<200x128xi32, #tpu.memory_space<vmem>>, vector<1x16xi32>,
      %get3A_1017 = vector.shape_cast %get3A_1016 : vector<1x16xi32> to vector<16xi32>
      %ne3A_1018 = arith.constant -1 : i32
      %ne3A_1019 = vector.broadcast %ne3A_1018 : i32 to vector<16xi32>
      %ne3A_1020 = arith.cmpi ne, %get3A_1017, %ne3A_1019 : vector<16xi32>
      %jit3A_1021 = arith.constant 1 : i32
      %jit3A_1022 = arith.constant 0 : i32
      %broadcast_in_dim3A_1023 = vector.broadcast %jit3A_1021 : i32 to vector<16xi32>
      %broadcast_in_dim3A_1024 = vector.broadcast %jit3A_1022 : i32 to vector<16xi32>
      %select_n3A_1025 = arith.select %ne3A_1020, %broadcast_in_dim3A_1023, %broadcast_in_dim3A_1024 : vector<16xi1>, vector<16xi32>
      %swap3A_1026 = arith.index_cast %add3A_979 : i32 to index
      %swap3A_1027 = arith.constant 32 : index
      %swap3A_1028 = tpu.vector_load %arg7[%swap3A_1026, %swap3A_1027] {strides = array<i32>} : memref<200x128xi32, #tpu.memory_space<vmem>>, vector<1x16xi32>,
      %swap3A_1029 = vector.shape_cast %swap3A_1028 : vector<1x16xi32> to vector<16xi32>
      %swap3A_1030 = vector.shape_cast %select_n3A_1025 : vector<16xi32> to vector<1x16xi32>
      tpu.vector_store %arg7[%swap3A_1026, %swap3A_1027], %swap3A_1030 {strides = array<i32>} : memref<200x128xi32, #tpu.memory_space<vmem>>, vector<1x16xi32>,
      %get3A_1031 = arith.index_cast %add3A_979 : i32 to index
      %get3A_1032 = arith.constant 48 : index
      %get3A_1033 = tpu.vector_load %arg6[%get3A_1031, %get3A_1032] {strides = array<i32>} : memref<200x128xi32, #tpu.memory_space<vmem>>, vector<1x16xi32>,
      %get3A_1034 = vector.shape_cast %get3A_1033 : vector<1x16xi32> to vector<16xi32>
      %ne3A_1035 = arith.constant -1 : i32
      %ne3A_1036 = vector.broadcast %ne3A_1035 : i32 to vector<16xi32>
      %ne3A_1037 = arith.cmpi ne, %get3A_1034, %ne3A_1036 : vector<16xi32>
      %jit3A_1038 = arith.constant 1 : i32
      %jit3A_1039 = arith.constant 0 : i32
      %broadcast_in_dim3A_1040 = vector.broadcast %jit3A_1038 : i32 to vector<16xi32>
      %broadcast_in_dim3A_1041 = vector.broadcast %jit3A_1039 : i32 to vector<16xi32>
      %select_n3A_1042 = arith.select %ne3A_1037, %broadcast_in_dim3A_1040, %broadcast_in_dim3A_1041 : vector<16xi1>, vector<16xi32>
      %swap3A_1043 = arith.index_cast %add3A_979 : i32 to index
      %swap3A_1044 = arith.constant 48 : index
      %swap3A_1045 = tpu.vector_load %arg7[%swap3A_1043, %swap3A_1044] {strides = array<i32>} : memref<200x128xi32, #tpu.memory_space<vmem>>, vector<1x16xi32>,
      %swap3A_1046 = vector.shape_cast %swap3A_1045 : vector<1x16xi32> to vector<16xi32>
      %swap3A_1047 = vector.shape_cast %select_n3A_1042 : vector<16xi32> to vector<1x16xi32>
      tpu.vector_store %arg7[%swap3A_1043, %swap3A_1044], %swap3A_1047 {strides = array<i32>} : memref<200x128xi32, #tpu.memory_space<vmem>>, vector<1x16xi32>,
      %get3A_1048 = arith.index_cast %add3A_979 : i32 to index
      %get3A_1049 = arith.constant 64 : index
      %get3A_1050 = tpu.vector_load %arg6[%get3A_1048, %get3A_1049] {strides = array<i32>} : memref<200x128xi32, #tpu.memory_space<vmem>>, vector<1x16xi32>,
      %get3A_1051 = vector.shape_cast %get3A_1050 : vector<1x16xi32> to vector<16xi32>
      %ne3A_1052 = arith.constant -1 : i32
      %ne3A_1053 = vector.broadcast %ne3A_1052 : i32 to vector<16xi32>
      %ne3A_1054 = arith.cmpi ne, %get3A_1051, %ne3A_1053 : vector<16xi32>
      %jit3A_1055 = arith.constant 1 : i32
      %jit3A_1056 = arith.constant 0 : i32
      %broadcast_in_dim3A_1057 = vector.broadcast %jit3A_1055 : i32 to vector<16xi32>
      %broadcast_in_dim3A_1058 = vector.broadcast %jit3A_1056 : i32 to vector<16xi32>
      %select_n3A_1059 = arith.select %ne3A_1054, %broadcast_in_dim3A_1057, %broadcast_in_dim3A_1058 : vector<16xi1>, vector<16xi32>
      %swap3A_1060 = arith.index_cast %add3A_979 : i32 to index
      %swap3A_1061 = arith.constant 64 : index
      %swap3A_1062 = tpu.vector_load %arg7[%swap3A_1060, %swap3A_1061] {strides = array<i32>} : memref<200x128xi32, #tpu.memory_space<vmem>>, vector<1x16xi32>,
      %swap3A_1063 = vector.shape_cast %swap3A_1062 : vector<1x16xi32> to vector<16xi32>
      %swap3A_1064 = vector.shape_cast %select_n3A_1059 : vector<16xi32> to vector<1x16xi32>
      tpu.vector_store %arg7[%swap3A_1060, %swap3A_1061], %swap3A_1064 {strides = array<i32>} : memref<200x128xi32, #tpu.memory_space<vmem>>, vector<1x16xi32>,
      %get3A_1065 = arith.index_cast %add3A_979 : i32 to index
      %get3A_1066 = arith.constant 80 : index
      %get3A_1067 = tpu.vector_load %arg6[%get3A_1065, %get3A_1066] {strides = array<i32>} : memref<200x128xi32, #tpu.memory_space<vmem>>, vector<1x16xi32>,
      %get3A_1068 = vector.shape_cast %get3A_1067 : vector<1x16xi32> to vector<16xi32>
      %ne3A_1069 = arith.constant -1 : i32
      %ne3A_1070 = vector.broadcast %ne3A_1069 : i32 to vector<16xi32>
      %ne3A_1071 = arith.cmpi ne, %get3A_1068, %ne3A_1070 : vector<16xi32>
      %jit3A_1072 = arith.constant 1 : i32
      %jit3A_1073 = arith.constant 0 : i32
      %broadcast_in_dim3A_1074 = vector.broadcast %jit3A_1072 : i32 to vector<16xi32>
      %broadcast_in_dim3A_1075 = vector.broadcast %jit3A_1073 : i32 to vector<16xi32>
      %select_n3A_1076 = arith.select %ne3A_1071, %broadcast_in_dim3A_1074, %broadcast_in_dim3A_1075 : vector<16xi1>, vector<16xi32>
      %swap3A_1077 = arith.index_cast %add3A_979 : i32 to index
      %swap3A_1078 = arith.constant 80 : index
      %swap3A_1079 = tpu.vector_load %arg7[%swap3A_1077, %swap3A_1078] {strides = array<i32>} : memref<200x128xi32, #tpu.memory_space<vmem>>, vector<1x16xi32>,
      %swap3A_1080 = vector.shape_cast %swap3A_1079 : vector<1x16xi32> to vector<16xi32>
      %swap3A_1081 = vector.shape_cast %select_n3A_1076 : vector<16xi32> to vector<1x16xi32>
      tpu.vector_store %arg7[%swap3A_1077, %swap3A_1078], %swap3A_1081 {strides = array<i32>} : memref<200x128xi32, #tpu.memory_space<vmem>>, vector<1x16xi32>,
      %get3A_1082 = arith.index_cast %add3A_979 : i32 to index
      %get3A_1083 = arith.constant 96 : index
      %get3A_1084 = tpu.vector_load %arg6[%get3A_1082, %get3A_1083] {strides = array<i32>} : memref<200x128xi32, #tpu.memory_space<vmem>>, vector<1x16xi32>,
      %get3A_1085 = vector.shape_cast %get3A_1084 : vector<1x16xi32> to vector<16xi32>
      %ne3A_1086 = arith.constant -1 : i32
      %ne3A_1087 = vector.broadcast %ne3A_1086 : i32 to vector<16xi32>
      %ne3A_1088 = arith.cmpi ne, %get3A_1085, %ne3A_1087 : vector<16xi32>
      %jit3A_1089 = arith.constant 1 : i32
      %jit3A_1090 = arith.constant 0 : i32
      %broadcast_in_dim3A_1091 = vector.broadcast %jit3A_1089 : i32 to vector<16xi32>
      %broadcast_in_dim3A_1092 = vector.broadcast %jit3A_1090 : i32 to vector<16xi32>
      %select_n3A_1093 = arith.select %ne3A_1088, %broadcast_in_dim3A_1091, %broadcast_in_dim3A_1092 : vector<16xi1>, vector<16xi32>
      %swap3A_1094 = arith.index_cast %add3A_979 : i32 to index
      %swap3A_1095 = arith.constant 96 : index
      %swap3A_1096 = tpu.vector_load %arg7[%swap3A_1094, %swap3A_1095] {strides = array<i32>} : memref<200x128xi32, #tpu.memory_space<vmem>>, vector<1x16xi32>,
      %swap3A_1097 = vector.shape_cast %swap3A_1096 : vector<1x16xi32> to vector<16xi32>
      %swap3A_1098 = vector.shape_cast %select_n3A_1093 : vector<16xi32> to vector<1x16xi32>
      tpu.vector_store %arg7[%swap3A_1094, %swap3A_1095], %swap3A_1098 {strides = array<i32>} : memref<200x128xi32, #tpu.memory_space<vmem>>, vector<1x16xi32>,
      %get3A_1099 = arith.index_cast %add3A_979 : i32 to index
      %get3A_1100 = arith.constant 112 : index
      %get3A_1101 = tpu.vector_load %arg6[%get3A_1099, %get3A_1100] {strides = array<i32>} : memref<200x128xi32, #tpu.memory_space<vmem>>, vector<1x16xi32>,
      %get3A_1102 = vector.shape_cast %get3A_1101 : vector<1x16xi32> to vector<16xi32>
      %ne3A_1103 = arith.constant -1 : i32
      %ne3A_1104 = vector.broadcast %ne3A_1103 : i32 to vector<16xi32>
      %ne3A_1105 = arith.cmpi ne, %get3A_1102, %ne3A_1104 : vector<16xi32>
      %jit3A_1106 = arith.constant 1 : i32
      %jit3A_1107 = arith.constant 0 : i32
      %broadcast_in_dim3A_1108 = vector.broadcast %jit3A_1106 : i32 to vector<16xi32>
      %broadcast_in_dim3A_1109 = vector.broadcast %jit3A_1107 : i32 to vector<16xi32>
      %select_n3A_1110 = arith.select %ne3A_1105, %broadcast_in_dim3A_1108, %broadcast_in_dim3A_1109 : vector<16xi1>, vector<16xi32>
      %swap3A_1111 = arith.index_cast %add3A_979 : i32 to index
      %swap3A_1112 = arith.constant 112 : index
      %swap3A_1113 = tpu.vector_load %arg7[%swap3A_1111, %swap3A_1112] {strides = array<i32>} : memref<200x128xi32, #tpu.memory_space<vmem>>, vector<1x16xi32>,
      %swap3A_1114 = vector.shape_cast %swap3A_1113 : vector<1x16xi32> to vector<16xi32>
      %swap3A_1115 = vector.shape_cast %select_n3A_1110 : vector<16xi32> to vector<1x16xi32>
      tpu.vector_store %arg7[%swap3A_1111, %swap3A_1112], %swap3A_1115 {strides = array<i32>} : memref<200x128xi32, #tpu.memory_space<vmem>>, vector<1x16xi32>,
      %mul3A_1116 = arith.constant 4 : i32
      %mul3A_1117 = arith.muli %add3A_119, %mul3A_1116 : i32
      %add3A_1118 = arith.constant 0 : i32
      %add3A_1119 = arith.addi %mul3A_1117, %add3A_1118 : i32
      %mul3A_1120 = arith.constant 64 : i32
      %mul3A_1121 = arith.muli %add3A_1119, %mul3A_1120 : i32
      %dma_start3A_1122 = arith.constant 1 : i32
      %dma_start3A_1123 = arith.constant 0 : i32
      %dma_start3A_1124 = arith.constant 0 : i32
      %dma_start3A_1125 = arith.constant 0 : i32
      %dma_start3A_1126 = tpu.memref_slice %arg8[%dma_start3A_1122, %dma_start3A_1123, %dma_start3A_1124, %dma_start3A_1125] : memref<2x4x128x64xf32, #tpu.memory_space<vmem>> -> memref<1x1x128x64xf32, #tpu.memory_space<vmem>>
      %dma_start3A_1127 = tpu.memref_squeeze %dma_start3A_1126 : memref<1x1x128x64xf32, #tpu.memory_space<vmem>> -> memref<128x64xf32, #tpu.memory_space<vmem>>
      %dma_start3A_1128 = tpu.memref_slice %arg4[%mul3A_2, %mul3A_1121] : memref<4096x12800xf32, #tpu.memory_space<hbm>> -> memref<128x64xf32, #tpu.memory_space<hbm>>
      %dma_start3A_1129 = tpu.memref_slice %arg4[%mul3A_2, %mul3A_1121] : memref<4096x12800xf32, #tpu.memory_space<hbm>> -> memref<128x64xf32, #tpu.memory_space<hbm>>
      %dma_start3A_1130 = arith.constant 0 : i32
      %dma_start3A_1131 = arith.constant 0 : i32
      %dma_start3A_1132 = tpu.memref_slice %arg8[%dma_start3A_1122, %dma_start3A_1123, %dma_start3A_1130, %dma_start3A_1131] : memref<2x4x128x64xf32, #tpu.memory_space<vmem>> -> memref<1x1x128x64xf32, #tpu.memory_space<vmem>>
      %dma_start3A_1133 = tpu.memref_squeeze %dma_start3A_1132 : memref<1x1x128x64xf32, #tpu.memory_space<vmem>> -> memref<128x64xf32, #tpu.memory_space<vmem>>
      tpu.enqueue_dma source(%dma_start3A_1133 : memref<128x64xf32, #tpu.memory_space<vmem>>) target(%dma_start3A_1129 : memref<128x64xf32, #tpu.memory_space<hbm>>) target_semaphore(%arg12 : memref<!tpu.dma_semaphore, #tpu.memory_space<semaphore_mem>>)
      %mul3A_1134 = arith.constant 4 : i32
      %mul3A_1135 = arith.muli %add3A_119, %mul3A_1134 : i32
      %add3A_1136 = arith.constant 1 : i32
      %add3A_1137 = arith.addi %mul3A_1135, %add3A_1136 : i32
      %get3A_1138 = arith.index_cast %add3A_1137 : i32 to index
      %get3A_1139 = arith.constant 0 : index
      %get3A_1140 = tpu.vector_load %arg6[%get3A_1138, %get3A_1139] {strides = array<i32>} : memref<200x128xi32, #tpu.memory_space<vmem>>, vector<1x16xi32>,
      %get3A_1141 = vector.shape_cast %get3A_1140 : vector<1x16xi32> to vector<16xi32>
      %ne3A_1142 = arith.constant -1 : i32
      %ne3A_1143 = vector.broadcast %ne3A_1142 : i32 to vector<16xi32>
      %ne3A_1144 = arith.cmpi ne, %get3A_1141, %ne3A_1143 : vector<16xi32>
      %jit3A_1145 = arith.constant 1 : i32
      %jit3A_1146 = arith.constant 0 : i32
      %broadcast_in_dim3A_1147 = vector.broadcast %jit3A_1145 : i32 to vector<16xi32>
      %broadcast_in_dim3A_1148 = vector.broadcast %jit3A_1146 : i32 to vector<16xi32>
      %select_n3A_1149 = arith.select %ne3A_1144, %broadcast_in_dim3A_1147, %broadcast_in_dim3A_1148 : vector<16xi1>, vector<16xi32>
      %swap3A_1150 = arith.index_cast %add3A_1137 : i32 to index
      %swap3A_1151 = arith.constant 0 : index
      %swap3A_1152 = tpu.vector_load %arg7[%swap3A_1150, %swap3A_1151] {strides = array<i32>} : memref<200x128xi32, #tpu.memory_space<vmem>>, vector<1x16xi32>,
      %swap3A_1153 = vector.shape_cast %swap3A_1152 : vector<1x16xi32> to vector<16xi32>
      %swap3A_1154 = vector.shape_cast %select_n3A_1149 : vector<16xi32> to vector<1x16xi32>
      tpu.vector_store %arg7[%swap3A_1150, %swap3A_1151], %swap3A_1154 {strides = array<i32>} : memref<200x128xi32, #tpu.memory_space<vmem>>, vector<1x16xi32>,
      %get3A_1155 = arith.index_cast %add3A_1137 : i32 to index
      %get3A_1156 = arith.constant 16 : index
      %get3A_1157 = tpu.vector_load %arg6[%get3A_1155, %get3A_1156] {strides = array<i32>} : memref<200x128xi32, #tpu.memory_space<vmem>>, vector<1x16xi32>,
      %get3A_1158 = vector.shape_cast %get3A_1157 : vector<1x16xi32> to vector<16xi32>
      %ne3A_1159 = arith.constant -1 : i32
      %ne3A_1160 = vector.broadcast %ne3A_1159 : i32 to vector<16xi32>
      %ne3A_1161 = arith.cmpi ne, %get3A_1158, %ne3A_1160 : vector<16xi32>
      %jit3A_1162 = arith.constant 1 : i32
      %jit3A_1163 = arith.constant 0 : i32
      %broadcast_in_dim3A_1164 = vector.broadcast %jit3A_1162 : i32 to vector<16xi32>
      %broadcast_in_dim3A_1165 = vector.broadcast %jit3A_1163 : i32 to vector<16xi32>
      %select_n3A_1166 = arith.select %ne3A_1161, %broadcast_in_dim3A_1164, %broadcast_in_dim3A_1165 : vector<16xi1>, vector<16xi32>
      %swap3A_1167 = arith.index_cast %add3A_1137 : i32 to index
      %swap3A_1168 = arith.constant 16 : index
      %swap3A_1169 = tpu.vector_load %arg7[%swap3A_1167, %swap3A_1168] {strides = array<i32>} : memref<200x128xi32, #tpu.memory_space<vmem>>, vector<1x16xi32>,
      %swap3A_1170 = vector.shape_cast %swap3A_1169 : vector<1x16xi32> to vector<16xi32>
      %swap3A_1171 = vector.shape_cast %select_n3A_1166 : vector<16xi32> to vector<1x16xi32>
      tpu.vector_store %arg7[%swap3A_1167, %swap3A_1168], %swap3A_1171 {strides = array<i32>} : memref<200x128xi32, #tpu.memory_space<vmem>>, vector<1x16xi32>,
      %get3A_1172 = arith.index_cast %add3A_1137 : i32 to index
      %get3A_1173 = arith.constant 32 : index
      %get3A_1174 = tpu.vector_load %arg6[%get3A_1172, %get3A_1173] {strides = array<i32>} : memref<200x128xi32, #tpu.memory_space<vmem>>, vector<1x16xi32>,
      %get3A_1175 = vector.shape_cast %get3A_1174 : vector<1x16xi32> to vector<16xi32>
      %ne3A_1176 = arith.constant -1 : i32
      %ne3A_1177 = vector.broadcast %ne3A_1176 : i32 to vector<16xi32>
      %ne3A_1178 = arith.cmpi ne, %get3A_1175, %ne3A_1177 : vector<16xi32>
      %jit3A_1179 = arith.constant 1 : i32
      %jit3A_1180 = arith.constant 0 : i32
      %broadcast_in_dim3A_1181 = vector.broadcast %jit3A_1179 : i32 to vector<16xi32>
      %broadcast_in_dim3A_1182 = vector.broadcast %jit3A_1180 : i32 to vector<16xi32>
      %select_n3A_1183 = arith.select %ne3A_1178, %broadcast_in_dim3A_1181, %broadcast_in_dim3A_1182 : vector<16xi1>, vector<16xi32>
      %swap3A_1184 = arith.index_cast %add3A_1137 : i32 to index
      %swap3A_1185 = arith.constant 32 : index
      %swap3A_1186 = tpu.vector_load %arg7[%swap3A_1184, %swap3A_1185] {strides = array<i32>} : memref<200x128xi32, #tpu.memory_space<vmem>>, vector<1x16xi32>,
      %swap3A_1187 = vector.shape_cast %swap3A_1186 : vector<1x16xi32> to vector<16xi32>
      %swap3A_1188 = vector.shape_cast %select_n3A_1183 : vector<16xi32> to vector<1x16xi32>
      tpu.vector_store %arg7[%swap3A_1184, %swap3A_1185], %swap3A_1188 {strides = array<i32>} : memref<200x128xi32, #tpu.memory_space<vmem>>, vector<1x16xi32>,
      %get3A_1189 = arith.index_cast %add3A_1137 : i32 to index
      %get3A_1190 = arith.constant 48 : index
      %get3A_1191 = tpu.vector_load %arg6[%get3A_1189, %get3A_1190] {strides = array<i32>} : memref<200x128xi32, #tpu.memory_space<vmem>>, vector<1x16xi32>,
      %get3A_1192 = vector.shape_cast %get3A_1191 : vector<1x16xi32> to vector<16xi32>
      %ne3A_1193 = arith.constant -1 : i32
      %ne3A_1194 = vector.broadcast %ne3A_1193 : i32 to vector<16xi32>
      %ne3A_1195 = arith.cmpi ne, %get3A_1192, %ne3A_1194 : vector<16xi32>
      %jit3A_1196 = arith.constant 1 : i32
      %jit3A_1197 = arith.constant 0 : i32
      %broadcast_in_dim3A_1198 = vector.broadcast %jit3A_1196 : i32 to vector<16xi32>
      %broadcast_in_dim3A_1199 = vector.broadcast %jit3A_1197 : i32 to vector<16xi32>
      %select_n3A_1200 = arith.select %ne3A_1195, %broadcast_in_dim3A_1198, %broadcast_in_dim3A_1199 : vector<16xi1>, vector<16xi32>
      %swap3A_1201 = arith.index_cast %add3A_1137 : i32 to index
      %swap3A_1202 = arith.constant 48 : index
      %swap3A_1203 = tpu.vector_load %arg7[%swap3A_1201, %swap3A_1202] {strides = array<i32>} : memref<200x128xi32, #tpu.memory_space<vmem>>, vector<1x16xi32>,
      %swap3A_1204 = vector.shape_cast %swap3A_1203 : vector<1x16xi32> to vector<16xi32>
      %swap3A_1205 = vector.shape_cast %select_n3A_1200 : vector<16xi32> to vector<1x16xi32>
      tpu.vector_store %arg7[%swap3A_1201, %swap3A_1202], %swap3A_1205 {strides = array<i32>} : memref<200x128xi32, #tpu.memory_space<vmem>>, vector<1x16xi32>,
      %get3A_1206 = arith.index_cast %add3A_1137 : i32 to index
      %get3A_1207 = arith.constant 64 : index
      %get3A_1208 = tpu.vector_load %arg6[%get3A_1206, %get3A_1207] {strides = array<i32>} : memref<200x128xi32, #tpu.memory_space<vmem>>, vector<1x16xi32>,
      %get3A_1209 = vector.shape_cast %get3A_1208 : vector<1x16xi32> to vector<16xi32>
      %ne3A_1210 = arith.constant -1 : i32
      %ne3A_1211 = vector.broadcast %ne3A_1210 : i32 to vector<16xi32>
      %ne3A_1212 = arith.cmpi ne, %get3A_1209, %ne3A_1211 : vector<16xi32>
      %jit3A_1213 = arith.constant 1 : i32
      %jit3A_1214 = arith.constant 0 : i32
      %broadcast_in_dim3A_1215 = vector.broadcast %jit3A_1213 : i32 to vector<16xi32>
      %broadcast_in_dim3A_1216 = vector.broadcast %jit3A_1214 : i32 to vector<16xi32>
      %select_n3A_1217 = arith.select %ne3A_1212, %broadcast_in_dim3A_1215, %broadcast_in_dim3A_1216 : vector<16xi1>, vector<16xi32>
      %swap3A_1218 = arith.index_cast %add3A_1137 : i32 to index
      %swap3A_1219 = arith.constant 64 : index
      %swap3A_1220 = tpu.vector_load %arg7[%swap3A_1218, %swap3A_1219] {strides = array<i32>} : memref<200x128xi32, #tpu.memory_space<vmem>>, vector<1x16xi32>,
      %swap3A_1221 = vector.shape_cast %swap3A_1220 : vector<1x16xi32> to vector<16xi32>
      %swap3A_1222 = vector.shape_cast %select_n3A_1217 : vector<16xi32> to vector<1x16xi32>
      tpu.vector_store %arg7[%swap3A_1218, %swap3A_1219], %swap3A_1222 {strides = array<i32>} : memref<200x128xi32, #tpu.memory_space<vmem>>, vector<1x16xi32>,
      %get3A_1223 = arith.index_cast %add3A_1137 : i32 to index
      %get3A_1224 = arith.constant 80 : index
      %get3A_1225 = tpu.vector_load %arg6[%get3A_1223, %get3A_1224] {strides = array<i32>} : memref<200x128xi32, #tpu.memory_space<vmem>>, vector<1x16xi32>,
      %get3A_1226 = vector.shape_cast %get3A_1225 : vector<1x16xi32> to vector<16xi32>
      %ne3A_1227 = arith.constant -1 : i32
      %ne3A_1228 = vector.broadcast %ne3A_1227 : i32 to vector<16xi32>
      %ne3A_1229 = arith.cmpi ne, %get3A_1226, %ne3A_1228 : vector<16xi32>
      %jit3A_1230 = arith.constant 1 : i32
      %jit3A_1231 = arith.constant 0 : i32
      %broadcast_in_dim3A_1232 = vector.broadcast %jit3A_1230 : i32 to vector<16xi32>
      %broadcast_in_dim3A_1233 = vector.broadcast %jit3A_1231 : i32 to vector<16xi32>
      %select_n3A_1234 = arith.select %ne3A_1229, %broadcast_in_dim3A_1232, %broadcast_in_dim3A_1233 : vector<16xi1>, vector<16xi32>
      %swap3A_1235 = arith.index_cast %add3A_1137 : i32 to index
      %swap3A_1236 = arith.constant 80 : index
      %swap3A_1237 = tpu.vector_load %arg7[%swap3A_1235, %swap3A_1236] {strides = array<i32>} : memref<200x128xi32, #tpu.memory_space<vmem>>, vector<1x16xi32>,
      %swap3A_1238 = vector.shape_cast %swap3A_1237 : vector<1x16xi32> to vector<16xi32>
      %swap3A_1239 = vector.shape_cast %select_n3A_1234 : vector<16xi32> to vector<1x16xi32>
      tpu.vector_store %arg7[%swap3A_1235, %swap3A_1236], %swap3A_1239 {strides = array<i32>} : memref<200x128xi32, #tpu.memory_space<vmem>>, vector<1x16xi32>,
      %get3A_1240 = arith.index_cast %add3A_1137 : i32 to index
      %get3A_1241 = arith.constant 96 : index
      %get3A_1242 = tpu.vector_load %arg6[%get3A_1240, %get3A_1241] {strides = array<i32>} : memref<200x128xi32, #tpu.memory_space<vmem>>, vector<1x16xi32>,
      %get3A_1243 = vector.shape_cast %get3A_1242 : vector<1x16xi32> to vector<16xi32>
      %ne3A_1244 = arith.constant -1 : i32
      %ne3A_1245 = vector.broadcast %ne3A_1244 : i32 to vector<16xi32>
      %ne3A_1246 = arith.cmpi ne, %get3A_1243, %ne3A_1245 : vector<16xi32>
      %jit3A_1247 = arith.constant 1 : i32
      %jit3A_1248 = arith.constant 0 : i32
      %broadcast_in_dim3A_1249 = vector.broadcast %jit3A_1247 : i32 to vector<16xi32>
      %broadcast_in_dim3A_1250 = vector.broadcast %jit3A_1248 : i32 to vector<16xi32>
      %select_n3A_1251 = arith.select %ne3A_1246, %broadcast_in_dim3A_1249, %broadcast_in_dim3A_1250 : vector<16xi1>, vector<16xi32>
      %swap3A_1252 = arith.index_cast %add3A_1137 : i32 to index
      %swap3A_1253 = arith.constant 96 : index
      %swap3A_1254 = tpu.vector_load %arg7[%swap3A_1252, %swap3A_1253] {strides = array<i32>} : memref<200x128xi32, #tpu.memory_space<vmem>>, vector<1x16xi32>,
      %swap3A_1255 = vector.shape_cast %swap3A_1254 : vector<1x16xi32> to vector<16xi32>
      %swap3A_1256 = vector.shape_cast %select_n3A_1251 : vector<16xi32> to vector<1x16xi32>
      tpu.vector_store %arg7[%swap3A_1252, %swap3A_1253], %swap3A_1256 {strides = array<i32>} : memref<200x128xi32, #tpu.memory_space<vmem>>, vector<1x16xi32>,
      %get3A_1257 = arith.index_cast %add3A_1137 : i32 to index
      %get3A_1258 = arith.constant 112 : index
      %get3A_1259 = tpu.vector_load %arg6[%get3A_1257, %get3A_1258] {strides = array<i32>} : memref<200x128xi32, #tpu.memory_space<vmem>>, vector<1x16xi32>,
      %get3A_1260 = vector.shape_cast %get3A_1259 : vector<1x16xi32> to vector<16xi32>
      %ne3A_1261 = arith.constant -1 : i32
      %ne3A_1262 = vector.broadcast %ne3A_1261 : i32 to vector<16xi32>
      %ne3A_1263 = arith.cmpi ne, %get3A_1260, %ne3A_1262 : vector<16xi32>
      %jit3A_1264 = arith.constant 1 : i32
      %jit3A_1265 = arith.constant 0 : i32
      %broadcast_in_dim3A_1266 = vector.broadcast %jit3A_1264 : i32 to vector<16xi32>
      %broadcast_in_dim3A_1267 = vector.broadcast %jit3A_1265 : i32 to vector<16xi32>
      %select_n3A_1268 = arith.select %ne3A_1263, %broadcast_in_dim3A_1266, %broadcast_in_dim3A_1267 : vector<16xi1>, vector<16xi32>
      %swap3A_1269 = arith.index_cast %add3A_1137 : i32 to index
      %swap3A_1270 = arith.constant 112 : index
      %swap3A_1271 = tpu.vector_load %arg7[%swap3A_1269, %swap3A_1270] {strides = array<i32>} : memref<200x128xi32, #tpu.memory_space<vmem>>, vector<1x16xi32>,
      %swap3A_1272 = vector.shape_cast %swap3A_1271 : vector<1x16xi32> to vector<16xi32>
      %swap3A_1273 = vector.shape_cast %select_n3A_1268 : vector<16xi32> to vector<1x16xi32>
      tpu.vector_store %arg7[%swap3A_1269, %swap3A_1270], %swap3A_1273 {strides = array<i32>} : memref<200x128xi32, #tpu.memory_space<vmem>>, vector<1x16xi32>,
      %mul3A_1274 = arith.constant 4 : i32
      %mul3A_1275 = arith.muli %add3A_119, %mul3A_1274 : i32
      %add3A_1276 = arith.constant 1 : i32
      %add3A_1277 = arith.addi %mul3A_1275, %add3A_1276 : i32
      %mul3A_1278 = arith.constant 64 : i32
      %mul3A_1279 = arith.muli %add3A_1277, %mul3A_1278 : i32
      %dma_start3A_1280 = arith.constant 1 : i32
      %dma_start3A_1281 = arith.constant 1 : i32
      %dma_start3A_1282 = arith.constant 0 : i32
      %dma_start3A_1283 = arith.constant 0 : i32
      %dma_start3A_1284 = tpu.memref_slice %arg8[%dma_start3A_1280, %dma_start3A_1281, %dma_start3A_1282, %dma_start3A_1283] : memref<2x4x128x64xf32, #tpu.memory_space<vmem>> -> memref<1x1x128x64xf32, #tpu.memory_space<vmem>>
      %dma_start3A_1285 = tpu.memref_squeeze %dma_start3A_1284 : memref<1x1x128x64xf32, #tpu.memory_space<vmem>> -> memref<128x64xf32, #tpu.memory_space<vmem>>
      %dma_start3A_1286 = tpu.memref_slice %arg4[%mul3A_2, %mul3A_1279] : memref<4096x12800xf32, #tpu.memory_space<hbm>> -> memref<128x64xf32, #tpu.memory_space<hbm>>
      %dma_start3A_1287 = tpu.memref_slice %arg4[%mul3A_2, %mul3A_1279] : memref<4096x12800xf32, #tpu.memory_space<hbm>> -> memref<128x64xf32, #tpu.memory_space<hbm>>
      %dma_start3A_1288 = arith.constant 0 : i32
      %dma_start3A_1289 = arith.constant 0 : i32
      %dma_start3A_1290 = tpu.memref_slice %arg8[%dma_start3A_1280, %dma_start3A_1281, %dma_start3A_1288, %dma_start3A_1289] : memref<2x4x128x64xf32, #tpu.memory_space<vmem>> -> memref<1x1x128x64xf32, #tpu.memory_space<vmem>>
      %dma_start3A_1291 = tpu.memref_squeeze %dma_start3A_1290 : memref<1x1x128x64xf32, #tpu.memory_space<vmem>> -> memref<128x64xf32, #tpu.memory_space<vmem>>
      tpu.enqueue_dma source(%dma_start3A_1291 : memref<128x64xf32, #tpu.memory_space<vmem>>) target(%dma_start3A_1287 : memref<128x64xf32, #tpu.memory_space<hbm>>) target_semaphore(%arg12 : memref<!tpu.dma_semaphore, #tpu.memory_space<semaphore_mem>>)
      %mul3A_1292 = arith.constant 4 : i32
      %mul3A_1293 = arith.muli %add3A_119, %mul3A_1292 : i32
      %add3A_1294 = arith.constant 2 : i32
      %add3A_1295 = arith.addi %mul3A_1293, %add3A_1294 : i32
      %get3A_1296 = arith.index_cast %add3A_1295 : i32 to index
      %get3A_1297 = arith.constant 0 : index
      %get3A_1298 = tpu.vector_load %arg6[%get3A_1296, %get3A_1297] {strides = array<i32>} : memref<200x128xi32, #tpu.memory_space<vmem>>, vector<1x16xi32>,
      %get3A_1299 = vector.shape_cast %get3A_1298 : vector<1x16xi32> to vector<16xi32>
      %ne3A_1300 = arith.constant -1 : i32
      %ne3A_1301 = vector.broadcast %ne3A_1300 : i32 to vector<16xi32>
      %ne3A_1302 = arith.cmpi ne, %get3A_1299, %ne3A_1301 : vector<16xi32>
      %jit3A_1303 = arith.constant 1 : i32
      %jit3A_1304 = arith.constant 0 : i32
      %broadcast_in_dim3A_1305 = vector.broadcast %jit3A_1303 : i32 to vector<16xi32>
      %broadcast_in_dim3A_1306 = vector.broadcast %jit3A_1304 : i32 to vector<16xi32>
      %select_n3A_1307 = arith.select %ne3A_1302, %broadcast_in_dim3A_1305, %broadcast_in_dim3A_1306 : vector<16xi1>, vector<16xi32>
      %swap3A_1308 = arith.index_cast %add3A_1295 : i32 to index
      %swap3A_1309 = arith.constant 0 : index
      %swap3A_1310 = tpu.vector_load %arg7[%swap3A_1308, %swap3A_1309] {strides = array<i32>} : memref<200x128xi32, #tpu.memory_space<vmem>>, vector<1x16xi32>,
      %swap3A_1311 = vector.shape_cast %swap3A_1310 : vector<1x16xi32> to vector<16xi32>
      %swap3A_1312 = vector.shape_cast %select_n3A_1307 : vector<16xi32> to vector<1x16xi32>
      tpu.vector_store %arg7[%swap3A_1308, %swap3A_1309], %swap3A_1312 {strides = array<i32>} : memref<200x128xi32, #tpu.memory_space<vmem>>, vector<1x16xi32>,
      %get3A_1313 = arith.index_cast %add3A_1295 : i32 to index
      %get3A_1314 = arith.constant 16 : index
      %get3A_1315 = tpu.vector_load %arg6[%get3A_1313, %get3A_1314] {strides = array<i32>} : memref<200x128xi32, #tpu.memory_space<vmem>>, vector<1x16xi32>,
      %get3A_1316 = vector.shape_cast %get3A_1315 : vector<1x16xi32> to vector<16xi32>
      %ne3A_1317 = arith.constant -1 : i32
      %ne3A_1318 = vector.broadcast %ne3A_1317 : i32 to vector<16xi32>
      %ne3A_1319 = arith.cmpi ne, %get3A_1316, %ne3A_1318 : vector<16xi32>
      %jit3A_1320 = arith.constant 1 : i32
      %jit3A_1321 = arith.constant 0 : i32
      %broadcast_in_dim3A_1322 = vector.broadcast %jit3A_1320 : i32 to vector<16xi32>
      %broadcast_in_dim3A_1323 = vector.broadcast %jit3A_1321 : i32 to vector<16xi32>
      %select_n3A_1324 = arith.select %ne3A_1319, %broadcast_in_dim3A_1322, %broadcast_in_dim3A_1323 : vector<16xi1>, vector<16xi32>
      %swap3A_1325 = arith.index_cast %add3A_1295 : i32 to index
      %swap3A_1326 = arith.constant 16 : index
      %swap3A_1327 = tpu.vector_load %arg7[%swap3A_1325, %swap3A_1326] {strides = array<i32>} : memref<200x128xi32, #tpu.memory_space<vmem>>, vector<1x16xi32>,
      %swap3A_1328 = vector.shape_cast %swap3A_1327 : vector<1x16xi32> to vector<16xi32>
      %swap3A_1329 = vector.shape_cast %select_n3A_1324 : vector<16xi32> to vector<1x16xi32>
      tpu.vector_store %arg7[%swap3A_1325, %swap3A_1326], %swap3A_1329 {strides = array<i32>} : memref<200x128xi32, #tpu.memory_space<vmem>>, vector<1x16xi32>,
      %get3A_1330 = arith.index_cast %add3A_1295 : i32 to index
      %get3A_1331 = arith.constant 32 : index
      %get3A_1332 = tpu.vector_load %arg6[%get3A_1330, %get3A_1331] {strides = array<i32>} : memref<200x128xi32, #tpu.memory_space<vmem>>, vector<1x16xi32>,
      %get3A_1333 = vector.shape_cast %get3A_1332 : vector<1x16xi32> to vector<16xi32>
      %ne3A_1334 = arith.constant -1 : i32
      %ne3A_1335 = vector.broadcast %ne3A_1334 : i32 to vector<16xi32>
      %ne3A_1336 = arith.cmpi ne, %get3A_1333, %ne3A_1335 : vector<16xi32>
      %jit3A_1337 = arith.constant 1 : i32
      %jit3A_1338 = arith.constant 0 : i32
      %broadcast_in_dim3A_1339 = vector.broadcast %jit3A_1337 : i32 to vector<16xi32>
      %broadcast_in_dim3A_1340 = vector.broadcast %jit3A_1338 : i32 to vector<16xi32>
      %select_n3A_1341 = arith.select %ne3A_1336, %broadcast_in_dim3A_1339, %broadcast_in_dim3A_1340 : vector<16xi1>, vector<16xi32>
      %swap3A_1342 = arith.index_cast %add3A_1295 : i32 to index
      %swap3A_1343 = arith.constant 32 : index
      %swap3A_1344 = tpu.vector_load %arg7[%swap3A_1342, %swap3A_1343] {strides = array<i32>} : memref<200x128xi32, #tpu.memory_space<vmem>>, vector<1x16xi32>,
      %swap3A_1345 = vector.shape_cast %swap3A_1344 : vector<1x16xi32> to vector<16xi32>
      %swap3A_1346 = vector.shape_cast %select_n3A_1341 : vector<16xi32> to vector<1x16xi32>
      tpu.vector_store %arg7[%swap3A_1342, %swap3A_1343], %swap3A_1346 {strides = array<i32>} : memref<200x128xi32, #tpu.memory_space<vmem>>, vector<1x16xi32>,
      %get3A_1347 = arith.index_cast %add3A_1295 : i32 to index
      %get3A_1348 = arith.constant 48 : index
      %get3A_1349 = tpu.vector_load %arg6[%get3A_1347, %get3A_1348] {strides = array<i32>} : memref<200x128xi32, #tpu.memory_space<vmem>>, vector<1x16xi32>,
      %get3A_1350 = vector.shape_cast %get3A_1349 : vector<1x16xi32> to vector<16xi32>
      %ne3A_1351 = arith.constant -1 : i32
      %ne3A_1352 = vector.broadcast %ne3A_1351 : i32 to vector<16xi32>
      %ne3A_1353 = arith.cmpi ne, %get3A_1350, %ne3A_1352 : vector<16xi32>
      %jit3A_1354 = arith.constant 1 : i32
      %jit3A_1355 = arith.constant 0 : i32
      %broadcast_in_dim3A_1356 = vector.broadcast %jit3A_1354 : i32 to vector<16xi32>
      %broadcast_in_dim3A_1357 = vector.broadcast %jit3A_1355 : i32 to vector<16xi32>
      %select_n3A_1358 = arith.select %ne3A_1353, %broadcast_in_dim3A_1356, %broadcast_in_dim3A_1357 : vector<16xi1>, vector<16xi32>
      %swap3A_1359 = arith.index_cast %add3A_1295 : i32 to index
      %swap3A_1360 = arith.constant 48 : index
      %swap3A_1361 = tpu.vector_load %arg7[%swap3A_1359, %swap3A_1360] {strides = array<i32>} : memref<200x128xi32, #tpu.memory_space<vmem>>, vector<1x16xi32>,
      %swap3A_1362 = vector.shape_cast %swap3A_1361 : vector<1x16xi32> to vector<16xi32>
      %swap3A_1363 = vector.shape_cast %select_n3A_1358 : vector<16xi32> to vector<1x16xi32>
      tpu.vector_store %arg7[%swap3A_1359, %swap3A_1360], %swap3A_1363 {strides = array<i32>} : memref<200x128xi32, #tpu.memory_space<vmem>>, vector<1x16xi32>,
      %get3A_1364 = arith.index_cast %add3A_1295 : i32 to index
      %get3A_1365 = arith.constant 64 : index
      %get3A_1366 = tpu.vector_load %arg6[%get3A_1364, %get3A_1365] {strides = array<i32>} : memref<200x128xi32, #tpu.memory_space<vmem>>, vector<1x16xi32>,
      %get3A_1367 = vector.shape_cast %get3A_1366 : vector<1x16xi32> to vector<16xi32>
      %ne3A_1368 = arith.constant -1 : i32
      %ne3A_1369 = vector.broadcast %ne3A_1368 : i32 to vector<16xi32>
      %ne3A_1370 = arith.cmpi ne, %get3A_1367, %ne3A_1369 : vector<16xi32>
      %jit3A_1371 = arith.constant 1 : i32
      %jit3A_1372 = arith.constant 0 : i32
      %broadcast_in_dim3A_1373 = vector.broadcast %jit3A_1371 : i32 to vector<16xi32>
      %broadcast_in_dim3A_1374 = vector.broadcast %jit3A_1372 : i32 to vector<16xi32>
      %select_n3A_1375 = arith.select %ne3A_1370, %broadcast_in_dim3A_1373, %broadcast_in_dim3A_1374 : vector<16xi1>, vector<16xi32>
      %swap3A_1376 = arith.index_cast %add3A_1295 : i32 to index
      %swap3A_1377 = arith.constant 64 : index
      %swap3A_1378 = tpu.vector_load %arg7[%swap3A_1376, %swap3A_1377] {strides = array<i32>} : memref<200x128xi32, #tpu.memory_space<vmem>>, vector<1x16xi32>,
      %swap3A_1379 = vector.shape_cast %swap3A_1378 : vector<1x16xi32> to vector<16xi32>
      %swap3A_1380 = vector.shape_cast %select_n3A_1375 : vector<16xi32> to vector<1x16xi32>
      tpu.vector_store %arg7[%swap3A_1376, %swap3A_1377], %swap3A_1380 {strides = array<i32>} : memref<200x128xi32, #tpu.memory_space<vmem>>, vector<1x16xi32>,
      %get3A_1381 = arith.index_cast %add3A_1295 : i32 to index
      %get3A_1382 = arith.constant 80 : index
      %get3A_1383 = tpu.vector_load %arg6[%get3A_1381, %get3A_1382] {strides = array<i32>} : memref<200x128xi32, #tpu.memory_space<vmem>>, vector<1x16xi32>,
      %get3A_1384 = vector.shape_cast %get3A_1383 : vector<1x16xi32> to vector<16xi32>
      %ne3A_1385 = arith.constant -1 : i32
      %ne3A_1386 = vector.broadcast %ne3A_1385 : i32 to vector<16xi32>
      %ne3A_1387 = arith.cmpi ne, %get3A_1384, %ne3A_1386 : vector<16xi32>
      %jit3A_1388 = arith.constant 1 : i32
      %jit3A_1389 = arith.constant 0 : i32
      %broadcast_in_dim3A_1390 = vector.broadcast %jit3A_1388 : i32 to vector<16xi32>
      %broadcast_in_dim3A_1391 = vector.broadcast %jit3A_1389 : i32 to vector<16xi32>
      %select_n3A_1392 = arith.select %ne3A_1387, %broadcast_in_dim3A_1390, %broadcast_in_dim3A_1391 : vector<16xi1>, vector<16xi32>
      %swap3A_1393 = arith.index_cast %add3A_1295 : i32 to index
      %swap3A_1394 = arith.constant 80 : index
      %swap3A_1395 = tpu.vector_load %arg7[%swap3A_1393, %swap3A_1394] {strides = array<i32>} : memref<200x128xi32, #tpu.memory_space<vmem>>, vector<1x16xi32>,
      %swap3A_1396 = vector.shape_cast %swap3A_1395 : vector<1x16xi32> to vector<16xi32>
      %swap3A_1397 = vector.shape_cast %select_n3A_1392 : vector<16xi32> to vector<1x16xi32>
      tpu.vector_store %arg7[%swap3A_1393, %swap3A_1394], %swap3A_1397 {strides = array<i32>} : memref<200x128xi32, #tpu.memory_space<vmem>>, vector<1x16xi32>,
      %get3A_1398 = arith.index_cast %add3A_1295 : i32 to index
      %get3A_1399 = arith.constant 96 : index
      %get3A_1400 = tpu.vector_load %arg6[%get3A_1398, %get3A_1399] {strides = array<i32>} : memref<200x128xi32, #tpu.memory_space<vmem>>, vector<1x16xi32>,
      %get3A_1401 = vector.shape_cast %get3A_1400 : vector<1x16xi32> to vector<16xi32>
      %ne3A_1402 = arith.constant -1 : i32
      %ne3A_1403 = vector.broadcast %ne3A_1402 : i32 to vector<16xi32>
      %ne3A_1404 = arith.cmpi ne, %get3A_1401, %ne3A_1403 : vector<16xi32>
      %jit3A_1405 = arith.constant 1 : i32
      %jit3A_1406 = arith.constant 0 : i32
      %broadcast_in_dim3A_1407 = vector.broadcast %jit3A_1405 : i32 to vector<16xi32>
      %broadcast_in_dim3A_1408 = vector.broadcast %jit3A_1406 : i32 to vector<16xi32>
      %select_n3A_1409 = arith.select %ne3A_1404, %broadcast_in_dim3A_1407, %broadcast_in_dim3A_1408 : vector<16xi1>, vector<16xi32>
      %swap3A_1410 = arith.index_cast %add3A_1295 : i32 to index
      %swap3A_1411 = arith.constant 96 : index
      %swap3A_1412 = tpu.vector_load %arg7[%swap3A_1410, %swap3A_1411] {strides = array<i32>} : memref<200x128xi32, #tpu.memory_space<vmem>>, vector<1x16xi32>,
      %swap3A_1413 = vector.shape_cast %swap3A_1412 : vector<1x16xi32> to vector<16xi32>
      %swap3A_1414 = vector.shape_cast %select_n3A_1409 : vector<16xi32> to vector<1x16xi32>
      tpu.vector_store %arg7[%swap3A_1410, %swap3A_1411], %swap3A_1414 {strides = array<i32>} : memref<200x128xi32, #tpu.memory_space<vmem>>, vector<1x16xi32>,
      %get3A_1415 = arith.index_cast %add3A_1295 : i32 to index
      %get3A_1416 = arith.constant 112 : index
      %get3A_1417 = tpu.vector_load %arg6[%get3A_1415, %get3A_1416] {strides = array<i32>} : memref<200x128xi32, #tpu.memory_space<vmem>>, vector<1x16xi32>,
      %get3A_1418 = vector.shape_cast %get3A_1417 : vector<1x16xi32> to vector<16xi32>
      %ne3A_1419 = arith.constant -1 : i32
      %ne3A_1420 = vector.broadcast %ne3A_1419 : i32 to vector<16xi32>
      %ne3A_1421 = arith.cmpi ne, %get3A_1418, %ne3A_1420 : vector<16xi32>
      %jit3A_1422 = arith.constant 1 : i32
      %jit3A_1423 = arith.constant 0 : i32
      %broadcast_in_dim3A_1424 = vector.broadcast %jit3A_1422 : i32 to vector<16xi32>
      %broadcast_in_dim3A_1425 = vector.broadcast %jit3A_1423 : i32 to vector<16xi32>
      %select_n3A_1426 = arith.select %ne3A_1421, %broadcast_in_dim3A_1424, %broadcast_in_dim3A_1425 : vector<16xi1>, vector<16xi32>
      %swap3A_1427 = arith.index_cast %add3A_1295 : i32 to index
      %swap3A_1428 = arith.constant 112 : index
      %swap3A_1429 = tpu.vector_load %arg7[%swap3A_1427, %swap3A_1428] {strides = array<i32>} : memref<200x128xi32, #tpu.memory_space<vmem>>, vector<1x16xi32>,
      %swap3A_1430 = vector.shape_cast %swap3A_1429 : vector<1x16xi32> to vector<16xi32>
      %swap3A_1431 = vector.shape_cast %select_n3A_1426 : vector<16xi32> to vector<1x16xi32>
      tpu.vector_store %arg7[%swap3A_1427, %swap3A_1428], %swap3A_1431 {strides = array<i32>} : memref<200x128xi32, #tpu.memory_space<vmem>>, vector<1x16xi32>,
      %mul3A_1432 = arith.constant 4 : i32
      %mul3A_1433 = arith.muli %add3A_119, %mul3A_1432 : i32
      %add3A_1434 = arith.constant 2 : i32
      %add3A_1435 = arith.addi %mul3A_1433, %add3A_1434 : i32
      %mul3A_1436 = arith.constant 64 : i32
      %mul3A_1437 = arith.muli %add3A_1435, %mul3A_1436 : i32
      %dma_start3A_1438 = arith.constant 1 : i32
      %dma_start3A_1439 = arith.constant 2 : i32
      %dma_start3A_1440 = arith.constant 0 : i32
      %dma_start3A_1441 = arith.constant 0 : i32
      %dma_start3A_1442 = tpu.memref_slice %arg8[%dma_start3A_1438, %dma_start3A_1439, %dma_start3A_1440, %dma_start3A_1441] : memref<2x4x128x64xf32, #tpu.memory_space<vmem>> -> memref<1x1x128x64xf32, #tpu.memory_space<vmem>>
      %dma_start3A_1443 = tpu.memref_squeeze %dma_start3A_1442 : memref<1x1x128x64xf32, #tpu.memory_space<vmem>> -> memref<128x64xf32, #tpu.memory_space<vmem>>
      %dma_start3A_1444 = tpu.memref_slice %arg4[%mul3A_2, %mul3A_1437] : memref<4096x12800xf32, #tpu.memory_space<hbm>> -> memref<128x64xf32, #tpu.memory_space<hbm>>
      %dma_start3A_1445 = tpu.memref_slice %arg4[%mul3A_2, %mul3A_1437] : memref<4096x12800xf32, #tpu.memory_space<hbm>> -> memref<128x64xf32, #tpu.memory_space<hbm>>
      %dma_start3A_1446 = arith.constant 0 : i32
      %dma_start3A_1447 = arith.constant 0 : i32
      %dma_start3A_1448 = tpu.memref_slice %arg8[%dma_start3A_1438, %dma_start3A_1439, %dma_start3A_1446, %dma_start3A_1447] : memref<2x4x128x64xf32, #tpu.memory_space<vmem>> -> memref<1x1x128x64xf32, #tpu.memory_space<vmem>>
      %dma_start3A_1449 = tpu.memref_squeeze %dma_start3A_1448 : memref<1x1x128x64xf32, #tpu.memory_space<vmem>> -> memref<128x64xf32, #tpu.memory_space<vmem>>
      tpu.enqueue_dma source(%dma_start3A_1449 : memref<128x64xf32, #tpu.memory_space<vmem>>) target(%dma_start3A_1445 : memref<128x64xf32, #tpu.memory_space<hbm>>) target_semaphore(%arg12 : memref<!tpu.dma_semaphore, #tpu.memory_space<semaphore_mem>>)
      %mul3A_1450 = arith.constant 4 : i32
      %mul3A_1451 = arith.muli %add3A_119, %mul3A_1450 : i32
      %add3A_1452 = arith.constant 3 : i32
      %add3A_1453 = arith.addi %mul3A_1451, %add3A_1452 : i32
      %get3A_1454 = arith.index_cast %add3A_1453 : i32 to index
      %get3A_1455 = arith.constant 0 : index
      %get3A_1456 = tpu.vector_load %arg6[%get3A_1454, %get3A_1455] {strides = array<i32>} : memref<200x128xi32, #tpu.memory_space<vmem>>, vector<1x16xi32>,
      %get3A_1457 = vector.shape_cast %get3A_1456 : vector<1x16xi32> to vector<16xi32>
      %ne3A_1458 = arith.constant -1 : i32
      %ne3A_1459 = vector.broadcast %ne3A_1458 : i32 to vector<16xi32>
      %ne3A_1460 = arith.cmpi ne, %get3A_1457, %ne3A_1459 : vector<16xi32>
      %jit3A_1461 = arith.constant 1 : i32
      %jit3A_1462 = arith.constant 0 : i32
      %broadcast_in_dim3A_1463 = vector.broadcast %jit3A_1461 : i32 to vector<16xi32>
      %broadcast_in_dim3A_1464 = vector.broadcast %jit3A_1462 : i32 to vector<16xi32>
      %select_n3A_1465 = arith.select %ne3A_1460, %broadcast_in_dim3A_1463, %broadcast_in_dim3A_1464 : vector<16xi1>, vector<16xi32>
      %swap3A_1466 = arith.index_cast %add3A_1453 : i32 to index
      %swap3A_1467 = arith.constant 0 : index
      %swap3A_1468 = tpu.vector_load %arg7[%swap3A_1466, %swap3A_1467] {strides = array<i32>} : memref<200x128xi32, #tpu.memory_space<vmem>>, vector<1x16xi32>,
      %swap3A_1469 = vector.shape_cast %swap3A_1468 : vector<1x16xi32> to vector<16xi32>
      %swap3A_1470 = vector.shape_cast %select_n3A_1465 : vector<16xi32> to vector<1x16xi32>
      tpu.vector_store %arg7[%swap3A_1466, %swap3A_1467], %swap3A_1470 {strides = array<i32>} : memref<200x128xi32, #tpu.memory_space<vmem>>, vector<1x16xi32>,
      %get3A_1471 = arith.index_cast %add3A_1453 : i32 to index
      %get3A_1472 = arith.constant 16 : index
      %get3A_1473 = tpu.vector_load %arg6[%get3A_1471, %get3A_1472] {strides = array<i32>} : memref<200x128xi32, #tpu.memory_space<vmem>>, vector<1x16xi32>,
      %get3A_1474 = vector.shape_cast %get3A_1473 : vector<1x16xi32> to vector<16xi32>
      %ne3A_1475 = arith.constant -1 : i32
      %ne3A_1476 = vector.broadcast %ne3A_1475 : i32 to vector<16xi32>
      %ne3A_1477 = arith.cmpi ne, %get3A_1474, %ne3A_1476 : vector<16xi32>
      %jit3A_1478 = arith.constant 1 : i32
      %jit3A_1479 = arith.constant 0 : i32
      %broadcast_in_dim3A_1480 = vector.broadcast %jit3A_1478 : i32 to vector<16xi32>
      %broadcast_in_dim3A_1481 = vector.broadcast %jit3A_1479 : i32 to vector<16xi32>
      %select_n3A_1482 = arith.select %ne3A_1477, %broadcast_in_dim3A_1480, %broadcast_in_dim3A_1481 : vector<16xi1>, vector<16xi32>
      %swap3A_1483 = arith.index_cast %add3A_1453 : i32 to index
      %swap3A_1484 = arith.constant 16 : index
      %swap3A_1485 = tpu.vector_load %arg7[%swap3A_1483, %swap3A_1484] {strides = array<i32>} : memref<200x128xi32, #tpu.memory_space<vmem>>, vector<1x16xi32>,
      %swap3A_1486 = vector.shape_cast %swap3A_1485 : vector<1x16xi32> to vector<16xi32>
      %swap3A_1487 = vector.shape_cast %select_n3A_1482 : vector<16xi32> to vector<1x16xi32>
      tpu.vector_store %arg7[%swap3A_1483, %swap3A_1484], %swap3A_1487 {strides = array<i32>} : memref<200x128xi32, #tpu.memory_space<vmem>>, vector<1x16xi32>,
      %get3A_1488 = arith.index_cast %add3A_1453 : i32 to index
      %get3A_1489 = arith.constant 32 : index
      %get3A_1490 = tpu.vector_load %arg6[%get3A_1488, %get3A_1489] {strides = array<i32>} : memref<200x128xi32, #tpu.memory_space<vmem>>, vector<1x16xi32>,
      %get3A_1491 = vector.shape_cast %get3A_1490 : vector<1x16xi32> to vector<16xi32>
      %ne3A_1492 = arith.constant -1 : i32
      %ne3A_1493 = vector.broadcast %ne3A_1492 : i32 to vector<16xi32>
      %ne3A_1494 = arith.cmpi ne, %get3A_1491, %ne3A_1493 : vector<16xi32>
      %jit3A_1495 = arith.constant 1 : i32
      %jit3A_1496 = arith.constant 0 : i32
      %broadcast_in_dim3A_1497 = vector.broadcast %jit3A_1495 : i32 to vector<16xi32>
      %broadcast_in_dim3A_1498 = vector.broadcast %jit3A_1496 : i32 to vector<16xi32>
      %select_n3A_1499 = arith.select %ne3A_1494, %broadcast_in_dim3A_1497, %broadcast_in_dim3A_1498 : vector<16xi1>, vector<16xi32>
      %swap3A_1500 = arith.index_cast %add3A_1453 : i32 to index
      %swap3A_1501 = arith.constant 32 : index
      %swap3A_1502 = tpu.vector_load %arg7[%swap3A_1500, %swap3A_1501] {strides = array<i32>} : memref<200x128xi32, #tpu.memory_space<vmem>>, vector<1x16xi32>,
      %swap3A_1503 = vector.shape_cast %swap3A_1502 : vector<1x16xi32> to vector<16xi32>
      %swap3A_1504 = vector.shape_cast %select_n3A_1499 : vector<16xi32> to vector<1x16xi32>
      tpu.vector_store %arg7[%swap3A_1500, %swap3A_1501], %swap3A_1504 {strides = array<i32>} : memref<200x128xi32, #tpu.memory_space<vmem>>, vector<1x16xi32>,
      %get3A_1505 = arith.index_cast %add3A_1453 : i32 to index
      %get3A_1506 = arith.constant 48 : index
      %get3A_1507 = tpu.vector_load %arg6[%get3A_1505, %get3A_1506] {strides = array<i32>} : memref<200x128xi32, #tpu.memory_space<vmem>>, vector<1x16xi32>,
      %get3A_1508 = vector.shape_cast %get3A_1507 : vector<1x16xi32> to vector<16xi32>
      %ne3A_1509 = arith.constant -1 : i32
      %ne3A_1510 = vector.broadcast %ne3A_1509 : i32 to vector<16xi32>
      %ne3A_1511 = arith.cmpi ne, %get3A_1508, %ne3A_1510 : vector<16xi32>
      %jit3A_1512 = arith.constant 1 : i32
      %jit3A_1513 = arith.constant 0 : i32
      %broadcast_in_dim3A_1514 = vector.broadcast %jit3A_1512 : i32 to vector<16xi32>
      %broadcast_in_dim3A_1515 = vector.broadcast %jit3A_1513 : i32 to vector<16xi32>
      %select_n3A_1516 = arith.select %ne3A_1511, %broadcast_in_dim3A_1514, %broadcast_in_dim3A_1515 : vector<16xi1>, vector<16xi32>
      %swap3A_1517 = arith.index_cast %add3A_1453 : i32 to index
      %swap3A_1518 = arith.constant 48 : index
      %swap3A_1519 = tpu.vector_load %arg7[%swap3A_1517, %swap3A_1518] {strides = array<i32>} : memref<200x128xi32, #tpu.memory_space<vmem>>, vector<1x16xi32>,
      %swap3A_1520 = vector.shape_cast %swap3A_1519 : vector<1x16xi32> to vector<16xi32>
      %swap3A_1521 = vector.shape_cast %select_n3A_1516 : vector<16xi32> to vector<1x16xi32>
      tpu.vector_store %arg7[%swap3A_1517, %swap3A_1518], %swap3A_1521 {strides = array<i32>} : memref<200x128xi32, #tpu.memory_space<vmem>>, vector<1x16xi32>,
      %get3A_1522 = arith.index_cast %add3A_1453 : i32 to index
      %get3A_1523 = arith.constant 64 : index
      %get3A_1524 = tpu.vector_load %arg6[%get3A_1522, %get3A_1523] {strides = array<i32>} : memref<200x128xi32, #tpu.memory_space<vmem>>, vector<1x16xi32>,
      %get3A_1525 = vector.shape_cast %get3A_1524 : vector<1x16xi32> to vector<16xi32>
      %ne3A_1526 = arith.constant -1 : i32
      %ne3A_1527 = vector.broadcast %ne3A_1526 : i32 to vector<16xi32>
      %ne3A_1528 = arith.cmpi ne, %get3A_1525, %ne3A_1527 : vector<16xi32>
      %jit3A_1529 = arith.constant 1 : i32
      %jit3A_1530 = arith.constant 0 : i32
      %broadcast_in_dim3A_1531 = vector.broadcast %jit3A_1529 : i32 to vector<16xi32>
      %broadcast_in_dim3A_1532 = vector.broadcast %jit3A_1530 : i32 to vector<16xi32>
      %select_n3A_1533 = arith.select %ne3A_1528, %broadcast_in_dim3A_1531, %broadcast_in_dim3A_1532 : vector<16xi1>, vector<16xi32>
      %swap3A_1534 = arith.index_cast %add3A_1453 : i32 to index
      %swap3A_1535 = arith.constant 64 : index
      %swap3A_1536 = tpu.vector_load %arg7[%swap3A_1534, %swap3A_1535] {strides = array<i32>} : memref<200x128xi32, #tpu.memory_space<vmem>>, vector<1x16xi32>,
      %swap3A_1537 = vector.shape_cast %swap3A_1536 : vector<1x16xi32> to vector<16xi32>
      %swap3A_1538 = vector.shape_cast %select_n3A_1533 : vector<16xi32> to vector<1x16xi32>
      tpu.vector_store %arg7[%swap3A_1534, %swap3A_1535], %swap3A_1538 {strides = array<i32>} : memref<200x128xi32, #tpu.memory_space<vmem>>, vector<1x16xi32>,
      %get3A_1539 = arith.index_cast %add3A_1453 : i32 to index
      %get3A_1540 = arith.constant 80 : index
      %get3A_1541 = tpu.vector_load %arg6[%get3A_1539, %get3A_1540] {strides = array<i32>} : memref<200x128xi32, #tpu.memory_space<vmem>>, vector<1x16xi32>,
      %get3A_1542 = vector.shape_cast %get3A_1541 : vector<1x16xi32> to vector<16xi32>
      %ne3A_1543 = arith.constant -1 : i32
      %ne3A_1544 = vector.broadcast %ne3A_1543 : i32 to vector<16xi32>
      %ne3A_1545 = arith.cmpi ne, %get3A_1542, %ne3A_1544 : vector<16xi32>
      %jit3A_1546 = arith.constant 1 : i32
      %jit3A_1547 = arith.constant 0 : i32
      %broadcast_in_dim3A_1548 = vector.broadcast %jit3A_1546 : i32 to vector<16xi32>
      %broadcast_in_dim3A_1549 = vector.broadcast %jit3A_1547 : i32 to vector<16xi32>
      %select_n3A_1550 = arith.select %ne3A_1545, %broadcast_in_dim3A_1548, %broadcast_in_dim3A_1549 : vector<16xi1>, vector<16xi32>
      %swap3A_1551 = arith.index_cast %add3A_1453 : i32 to index
      %swap3A_1552 = arith.constant 80 : index
      %swap3A_1553 = tpu.vector_load %arg7[%swap3A_1551, %swap3A_1552] {strides = array<i32>} : memref<200x128xi32, #tpu.memory_space<vmem>>, vector<1x16xi32>,
      %swap3A_1554 = vector.shape_cast %swap3A_1553 : vector<1x16xi32> to vector<16xi32>
      %swap3A_1555 = vector.shape_cast %select_n3A_1550 : vector<16xi32> to vector<1x16xi32>
      tpu.vector_store %arg7[%swap3A_1551, %swap3A_1552], %swap3A_1555 {strides = array<i32>} : memref<200x128xi32, #tpu.memory_space<vmem>>, vector<1x16xi32>,
      %get3A_1556 = arith.index_cast %add3A_1453 : i32 to index
      %get3A_1557 = arith.constant 96 : index
      %get3A_1558 = tpu.vector_load %arg6[%get3A_1556, %get3A_1557] {strides = array<i32>} : memref<200x128xi32, #tpu.memory_space<vmem>>, vector<1x16xi32>,
      %get3A_1559 = vector.shape_cast %get3A_1558 : vector<1x16xi32> to vector<16xi32>
      %ne3A_1560 = arith.constant -1 : i32
      %ne3A_1561 = vector.broadcast %ne3A_1560 : i32 to vector<16xi32>
      %ne3A_1562 = arith.cmpi ne, %get3A_1559, %ne3A_1561 : vector<16xi32>
      %jit3A_1563 = arith.constant 1 : i32
      %jit3A_1564 = arith.constant 0 : i32
      %broadcast_in_dim3A_1565 = vector.broadcast %jit3A_1563 : i32 to vector<16xi32>
      %broadcast_in_dim3A_1566 = vector.broadcast %jit3A_1564 : i32 to vector<16xi32>
      %select_n3A_1567 = arith.select %ne3A_1562, %broadcast_in_dim3A_1565, %broadcast_in_dim3A_1566 : vector<16xi1>, vector<16xi32>
      %swap3A_1568 = arith.index_cast %add3A_1453 : i32 to index
      %swap3A_1569 = arith.constant 96 : index
      %swap3A_1570 = tpu.vector_load %arg7[%swap3A_1568, %swap3A_1569] {strides = array<i32>} : memref<200x128xi32, #tpu.memory_space<vmem>>, vector<1x16xi32>,
      %swap3A_1571 = vector.shape_cast %swap3A_1570 : vector<1x16xi32> to vector<16xi32>
      %swap3A_1572 = vector.shape_cast %select_n3A_1567 : vector<16xi32> to vector<1x16xi32>
      tpu.vector_store %arg7[%swap3A_1568, %swap3A_1569], %swap3A_1572 {strides = array<i32>} : memref<200x128xi32, #tpu.memory_space<vmem>>, vector<1x16xi32>,
      %get3A_1573 = arith.index_cast %add3A_1453 : i32 to index
      %get3A_1574 = arith.constant 112 : index
      %get3A_1575 = tpu.vector_load %arg6[%get3A_1573, %get3A_1574] {strides = array<i32>} : memref<200x128xi32, #tpu.memory_space<vmem>>, vector<1x16xi32>,
      %get3A_1576 = vector.shape_cast %get3A_1575 : vector<1x16xi32> to vector<16xi32>
      %ne3A_1577 = arith.constant -1 : i32
      %ne3A_1578 = vector.broadcast %ne3A_1577 : i32 to vector<16xi32>
      %ne3A_1579 = arith.cmpi ne, %get3A_1576, %ne3A_1578 : vector<16xi32>
      %jit3A_1580 = arith.constant 1 : i32
      %jit3A_1581 = arith.constant 0 : i32
      %broadcast_in_dim3A_1582 = vector.broadcast %jit3A_1580 : i32 to vector<16xi32>
      %broadcast_in_dim3A_1583 = vector.broadcast %jit3A_1581 : i32 to vector<16xi32>
      %select_n3A_1584 = arith.select %ne3A_1579, %broadcast_in_dim3A_1582, %broadcast_in_dim3A_1583 : vector<16xi1>, vector<16xi32>
      %swap3A_1585 = arith.index_cast %add3A_1453 : i32 to index
      %swap3A_1586 = arith.constant 112 : index
      %swap3A_1587 = tpu.vector_load %arg7[%swap3A_1585, %swap3A_1586] {strides = array<i32>} : memref<200x128xi32, #tpu.memory_space<vmem>>, vector<1x16xi32>,
      %swap3A_1588 = vector.shape_cast %swap3A_1587 : vector<1x16xi32> to vector<16xi32>
      %swap3A_1589 = vector.shape_cast %select_n3A_1584 : vector<16xi32> to vector<1x16xi32>
      tpu.vector_store %arg7[%swap3A_1585, %swap3A_1586], %swap3A_1589 {strides = array<i32>} : memref<200x128xi32, #tpu.memory_space<vmem>>, vector<1x16xi32>,
      %mul3A_1590 = arith.constant 4 : i32
      %mul3A_1591 = arith.muli %add3A_119, %mul3A_1590 : i32
      %add3A_1592 = arith.constant 3 : i32
      %add3A_1593 = arith.addi %mul3A_1591, %add3A_1592 : i32
      %mul3A_1594 = arith.constant 64 : i32
      %mul3A_1595 = arith.muli %add3A_1593, %mul3A_1594 : i32
      %dma_start3A_1596 = arith.constant 1 : i32
      %dma_start3A_1597 = arith.constant 3 : i32
      %dma_start3A_1598 = arith.constant 0 : i32
      %dma_start3A_1599 = arith.constant 0 : i32
      %dma_start3A_1600 = tpu.memref_slice %arg8[%dma_start3A_1596, %dma_start3A_1597, %dma_start3A_1598, %dma_start3A_1599] : memref<2x4x128x64xf32, #tpu.memory_space<vmem>> -> memref<1x1x128x64xf32, #tpu.memory_space<vmem>>
      %dma_start3A_1601 = tpu.memref_squeeze %dma_start3A_1600 : memref<1x1x128x64xf32, #tpu.memory_space<vmem>> -> memref<128x64xf32, #tpu.memory_space<vmem>>
      %dma_start3A_1602 = tpu.memref_slice %arg4[%mul3A_2, %mul3A_1595] : memref<4096x12800xf32, #tpu.memory_space<hbm>> -> memref<128x64xf32, #tpu.memory_space<hbm>>
      %dma_start3A_1603 = tpu.memref_slice %arg4[%mul3A_2, %mul3A_1595] : memref<4096x12800xf32, #tpu.memory_space<hbm>> -> memref<128x64xf32, #tpu.memory_space<hbm>>
      %dma_start3A_1604 = arith.constant 0 : i32
      %dma_start3A_1605 = arith.constant 0 : i32
      %dma_start3A_1606 = tpu.memref_slice %arg8[%dma_start3A_1596, %dma_start3A_1597, %dma_start3A_1604, %dma_start3A_1605] : memref<2x4x128x64xf32, #tpu.memory_space<vmem>> -> memref<1x1x128x64xf32, #tpu.memory_space<vmem>>
      %dma_start3A_1607 = tpu.memref_squeeze %dma_start3A_1606 : memref<1x1x128x64xf32, #tpu.memory_space<vmem>> -> memref<128x64xf32, #tpu.memory_space<vmem>>
      tpu.enqueue_dma source(%dma_start3A_1607 : memref<128x64xf32, #tpu.memory_space<vmem>>) target(%dma_start3A_1603 : memref<128x64xf32, #tpu.memory_space<hbm>>) target_semaphore(%arg12 : memref<!tpu.dma_semaphore, #tpu.memory_space<semaphore_mem>>)
    }
    %scan3A_57 = arith.constant 25 : i32
    %dma_wait3A = arith.constant 1 : i32
    %dma_wait3A_58 = arith.constant 0 : i32
    %dma_wait3A_59 = arith.constant 0 : i32
    %dma_wait3A_60 = arith.constant 0 : i32
    %dma_wait3A_61 = tpu.memref_slice %arg8[%dma_wait3A, %dma_wait3A_58, %dma_wait3A_59, %dma_wait3A_60] : memref<2x4x128x64xf32, #tpu.memory_space<vmem>> -> memref<1x1x128x64xf32, #tpu.memory_space<vmem>>
    %dma_wait3A_62 = tpu.memref_squeeze %dma_wait3A_61 : memref<1x1x128x64xf32, #tpu.memory_space<vmem>> -> memref<128x64xf32, #tpu.memory_space<vmem>>
    %dma_wait3A_63 = arith.constant 0 : i32
    %dma_wait3A_64 = tpu.memref_slice %arg4[%mul3A_2, %dma_wait3A_63] : memref<4096x12800xf32, #tpu.memory_space<hbm>> -> memref<128x64xf32, #tpu.memory_space<hbm>>
    %dma_wait3A_65 = arith.constant 0 : i32
    %dma_wait3A_66 = tpu.memref_slice %arg4[%mul3A_2, %dma_wait3A_65] : memref<4096x12800xf32, #tpu.memory_space<hbm>> -> memref<128x64xf32, #tpu.memory_space<hbm>>
    %dma_wait3A_67 = arith.constant 0 : i32
    %dma_wait3A_68 = arith.constant 0 : i32
    %dma_wait3A_69 = tpu.memref_slice %arg8[%dma_wait3A, %dma_wait3A_58, %dma_wait3A_67, %dma_wait3A_68] : memref<2x4x128x64xf32, #tpu.memory_space<vmem>> -> memref<1x1x128x64xf32, #tpu.memory_space<vmem>>
    %dma_wait3A_70 = tpu.memref_squeeze %dma_wait3A_69 : memref<1x1x128x64xf32, #tpu.memory_space<vmem>> -> memref<128x64xf32, #tpu.memory_space<vmem>>
    tpu.wait_dma2 semaphore(%arg12 : memref<!tpu.dma_semaphore, #tpu.memory_space<semaphore_mem>>) src(%dma_wait3A_70 : memref<128x64xf32, #tpu.memory_space<vmem>>) dst(%dma_wait3A_66 : memref<128x64xf32, #tpu.memory_space<hbm>>)
    %dma_wait3A_71 = arith.constant 1 : i32
    %dma_wait3A_72 = arith.constant 1 : i32
    %dma_wait3A_73 = arith.constant 0 : i32
    %dma_wait3A_74 = arith.constant 0 : i32
    %dma_wait3A_75 = tpu.memref_slice %arg8[%dma_wait3A_71, %dma_wait3A_72, %dma_wait3A_73, %dma_wait3A_74] : memref<2x4x128x64xf32, #tpu.memory_space<vmem>> -> memref<1x1x128x64xf32, #tpu.memory_space<vmem>>
    %dma_wait3A_76 = tpu.memref_squeeze %dma_wait3A_75 : memref<1x1x128x64xf32, #tpu.memory_space<vmem>> -> memref<128x64xf32, #tpu.memory_space<vmem>>
    %dma_wait3A_77 = arith.constant 0 : i32
    %dma_wait3A_78 = tpu.memref_slice %arg4[%mul3A_2, %dma_wait3A_77] : memref<4096x12800xf32, #tpu.memory_space<hbm>> -> memref<128x64xf32, #tpu.memory_space<hbm>>
    %dma_wait3A_79 = arith.constant 0 : i32
    %dma_wait3A_80 = tpu.memref_slice %arg4[%mul3A_2, %dma_wait3A_79] : memref<4096x12800xf32, #tpu.memory_space<hbm>> -> memref<128x64xf32, #tpu.memory_space<hbm>>
    %dma_wait3A_81 = arith.constant 0 : i32
    %dma_wait3A_82 = arith.constant 0 : i32
    %dma_wait3A_83 = tpu.memref_slice %arg8[%dma_wait3A_71, %dma_wait3A_72, %dma_wait3A_81, %dma_wait3A_82] : memref<2x4x128x64xf32, #tpu.memory_space<vmem>> -> memref<1x1x128x64xf32, #tpu.memory_space<vmem>>
    %dma_wait3A_84 = tpu.memref_squeeze %dma_wait3A_83 : memref<1x1x128x64xf32, #tpu.memory_space<vmem>> -> memref<128x64xf32, #tpu.memory_space<vmem>>
    tpu.wait_dma2 semaphore(%arg12 : memref<!tpu.dma_semaphore, #tpu.memory_space<semaphore_mem>>) src(%dma_wait3A_84 : memref<128x64xf32, #tpu.memory_space<vmem>>) dst(%dma_wait3A_80 : memref<128x64xf32, #tpu.memory_space<hbm>>)
    %dma_wait3A_85 = arith.constant 1 : i32
    %dma_wait3A_86 = arith.constant 2 : i32
    %dma_wait3A_87 = arith.constant 0 : i32
    %dma_wait3A_88 = arith.constant 0 : i32
    %dma_wait3A_89 = tpu.memref_slice %arg8[%dma_wait3A_85, %dma_wait3A_86, %dma_wait3A_87, %dma_wait3A_88] : memref<2x4x128x64xf32, #tpu.memory_space<vmem>> -> memref<1x1x128x64xf32, #tpu.memory_space<vmem>>
    %dma_wait3A_90 = tpu.memref_squeeze %dma_wait3A_89 : memref<1x1x128x64xf32, #tpu.memory_space<vmem>> -> memref<128x64xf32, #tpu.memory_space<vmem>>
    %dma_wait3A_91 = arith.constant 0 : i32
    %dma_wait3A_92 = tpu.memref_slice %arg4[%mul3A_2, %dma_wait3A_91] : memref<4096x12800xf32, #tpu.memory_space<hbm>> -> memref<128x64xf32, #tpu.memory_space<hbm>>
    %dma_wait3A_93 = arith.constant 0 : i32
    %dma_wait3A_94 = tpu.memref_slice %arg4[%mul3A_2, %dma_wait3A_93] : memref<4096x12800xf32, #tpu.memory_space<hbm>> -> memref<128x64xf32, #tpu.memory_space<hbm>>
    %dma_wait3A_95 = arith.constant 0 : i32
    %dma_wait3A_96 = arith.constant 0 : i32
    %dma_wait3A_97 = tpu.memref_slice %arg8[%dma_wait3A_85, %dma_wait3A_86, %dma_wait3A_95, %dma_wait3A_96] : memref<2x4x128x64xf32, #tpu.memory_space<vmem>> -> memref<1x1x128x64xf32, #tpu.memory_space<vmem>>
    %dma_wait3A_98 = tpu.memref_squeeze %dma_wait3A_97 : memref<1x1x128x64xf32, #tpu.memory_space<vmem>> -> memref<128x64xf32, #tpu.memory_space<vmem>>
    tpu.wait_dma2 semaphore(%arg12 : memref<!tpu.dma_semaphore, #tpu.memory_space<semaphore_mem>>) src(%dma_wait3A_98 : memref<128x64xf32, #tpu.memory_space<vmem>>) dst(%dma_wait3A_94 : memref<128x64xf32, #tpu.memory_space<hbm>>)
    %dma_wait3A_99 = arith.constant 1 : i32
    %dma_wait3A_100 = arith.constant 3 : i32
    %dma_wait3A_101 = arith.constant 0 : i32
    %dma_wait3A_102 = arith.constant 0 : i32
    %dma_wait3A_103 = tpu.memref_slice %arg8[%dma_wait3A_99, %dma_wait3A_100, %dma_wait3A_101, %dma_wait3A_102] : memref<2x4x128x64xf32, #tpu.memory_space<vmem>> -> memref<1x1x128x64xf32, #tpu.memory_space<vmem>>
    %dma_wait3A_104 = tpu.memref_squeeze %dma_wait3A_103 : memref<1x1x128x64xf32, #tpu.memory_space<vmem>> -> memref<128x64xf32, #tpu.memory_space<vmem>>
    %dma_wait3A_105 = arith.constant 0 : i32
    %dma_wait3A_106 = tpu.memref_slice %arg4[%mul3A_2, %dma_wait3A_105] : memref<4096x12800xf32, #tpu.memory_space<hbm>> -> memref<128x64xf32, #tpu.memory_space<hbm>>
    %dma_wait3A_107 = arith.constant 0 : i32
    %dma_wait3A_108 = tpu.memref_slice %arg4[%mul3A_2, %dma_wait3A_107] : memref<4096x12800xf32, #tpu.memory_space<hbm>> -> memref<128x64xf32, #tpu.memory_space<hbm>>
    %dma_wait3A_109 = arith.constant 0 : i32
    %dma_wait3A_110 = arith.constant 0 : i32
    %dma_wait3A_111 = tpu.memref_slice %arg8[%dma_wait3A_99, %dma_wait3A_100, %dma_wait3A_109, %dma_wait3A_110] : memref<2x4x128x64xf32, #tpu.memory_space<vmem>> -> memref<1x1x128x64xf32, #tpu.memory_space<vmem>>
    %dma_wait3A_112 = tpu.memref_squeeze %dma_wait3A_111 : memref<1x1x128x64xf32, #tpu.memory_space<vmem>> -> memref<128x64xf32, #tpu.memory_space<vmem>>
    tpu.wait_dma2 semaphore(%arg12 : memref<!tpu.dma_semaphore, #tpu.memory_space<semaphore_mem>>) src(%dma_wait3A_112 : memref<128x64xf32, #tpu.memory_space<vmem>>) dst(%dma_wait3A_108 : memref<128x64xf32, #tpu.memory_space<hbm>>)
    "tpu.region"() ({
      %run_scoped3A_113 = tpu.sem_alloc : memref<!tpu.dma_semaphore, #tpu.memory_space<semaphore_mem>>
      %dma_start3A_114 = arith.constant 0 : i32
      %dma_start3A_115 = tpu.memref_slice %arg5[%dma_start3A_114, %mul3A_2] : memref<200x4096xi32, #tpu.memory_space<hbm>> -> memref<200x128xi32, #tpu.memory_space<hbm>>
      %dma_start3A_116 = arith.constant 0 : i32
      %dma_start3A_117 = tpu.memref_slice %arg5[%dma_start3A_116, %mul3A_2] : memref<200x4096xi32, #tpu.memory_space<hbm>> -> memref<200x128xi32, #tpu.memory_space<hbm>>
      tpu.enqueue_dma source(%arg7 : memref<200x128xi32, #tpu.memory_space<vmem>>) target(%dma_start3A_117 : memref<200x128xi32, #tpu.memory_space<hbm>>) target_semaphore(%run_scoped3A_113 : memref<!tpu.dma_semaphore, #tpu.memory_space<semaphore_mem>>)
      %dma_wait3A_118 = arith.constant 0 : i32
      %dma_wait3A_119 = tpu.memref_slice %arg5[%dma_wait3A_118, %mul3A_2] : memref<200x4096xi32, #tpu.memory_space<hbm>> -> memref<200x128xi32, #tpu.memory_space<hbm>>
      %dma_wait3A_120 = arith.constant 0 : i32
      %dma_wait3A_121 = tpu.memref_slice %arg5[%dma_wait3A_120, %mul3A_2] : memref<200x4096xi32, #tpu.memory_space<hbm>> -> memref<200x128xi32, #tpu.memory_space<hbm>>
      tpu.wait_dma2 semaphore(%run_scoped3A_113 : memref<!tpu.dma_semaphore, #tpu.memory_space<semaphore_mem>>) src(%arg7 : memref<200x128xi32, #tpu.memory_space<vmem>>) dst(%dma_wait3A_121 : memref<200x128xi32, #tpu.memory_space<hbm>>)
      tpu.yield
    }) : () -> ()
    return
  }
}

</mosaic_0001>

<sc_bundles>
// kernel: kernel.3.cloned.1.call-start
scs
__scs_entry_jumppad:
0x0: {  	(pc) =	sbr.rel $0x88, $3  }
0x1: {  	(tag) =	ssettag $0x0;
	lr =	simm.s32 $0x1  }
0x2: {  	[smem:$0x3F9F] =	sst lr;
	_ =	strace $0xD0000000  }
0x3: {  	_ = 	snop  }
0x4: {  	_ = 	snop  }
0x5: {  	_ = 	snop  }
0x6: {  	_ = 	snop  }
0x7: {  	_ = 	snop  }
__scs_overlays_trampoline_lowered:
0x8: {  	[smem:$0x3FAE] =	sst s0  }
0x9: {  	[smem:$0x3FAF] =	sst s1  }
0xa: {  	[smem:$0x3FB0] =	sst s2  }
0xb: {  	[smem:$0x3FB1] =	sst s3  }
0xc: {  	[smem:$0x3FB2] =	sst s4  }
0xd: {  	[smem:$0x3FB3] =	sst s5  }
0xe: {  	[smem:$0x3FB4] =	sst s6  }
0xf: {  	[smem:$0x3FB5] =	sst s7  }
0x10: {  	[smem:$0x3FB6] =	sst s8  }
0x11: {  	[smem:$0x3FB7] =	sst s9;
	s0 =	simm.s32 @!p0 $0x0  }
0x12: {  	s1 =	sld [smem:$0x3F9D];
	s0 =	simm.s32 @p0 $0x1  }
0x13: {  	[smem:$0x3FB8] =	sst s0;
	s0 =	simm.s32 @!p1 $0x0  }
0x14: {  	s2 =	sld [smem:$0x3F9C];
	s0 =	simm.s32 @p1 $0x1  }
0x15: {  	[smem:$0x3FB9] =	sst s0;
	s0 =	simm.s32 @!p2 $0x0  }
0x16: {  	s3 =	sld [smem:$0x3FDB];
	s0 =	simm.s32 @p2 $0x1  }
0x17: {  	s4 =	simm.s32 $0x1BF5;
	[smem:$0x3FBB] =	sst s0  }
0x18: {  	s0 =	sld [smem:$0x3F9E];
	_ =	swait.ge [sflag:s4], $0x0  }
0x19: {  	s7 =	sld [smem:$0x3F9F]  }
0x1a: {  	s8 =	sadd.s32 $0xFFFFE003, lr  }
0x1b: {  	s9 =	sadd.s32 $0xFFFFFEF7, lr;
	s5 =	simm.s32 $0xFFFFFFFF;
	p2 =	slt.u32 s8, $0xFFFFF086  }
0x1c: {  	p1 =	slt.u32 s9, $0xF7A;
	s5 =	simm.s32 @!p2 $0x0  }
0x1d: {  	s5 =	simm.s32 @p1 $0x1;
	p0 =	seq.s32 s7, s2  }
0x1e: {  	s7 =	smul.u32 @!p0 $0xF7A, s2;
	p2 =	seq.s32 @!p0 s5, $0x0  }
0x1f: {  	s9 =	smul.u32 $0xF7A, s1;
	s8 =	simm.s32 @!p0 $0x1BF5;
	p2 =	por !p2, p0  }
0x20: {  	[sflag:s8] =	ssyncset.s32 @!p0 $0xFFFFF086;
	s6 =	sadd.s32 @!p0 s3, s7;
	s7 =	simm.s32 @!p0 $0x108  }
0x21: {  	s3 =	sadd.s32 s3, s9;
	s6 =	sadd.s32 @!p0 $0x88, s6;
	s7 =	simm.s32 @p2 $0x1082  }
0x22: {  	[simem:s7], [sflag:s8] =	dma.local @!p0 [hbm:s6], $0xF7A  }
0x23: {  	s9 =	sor.u32 $0xD0000000, s2;
	s6 =	simm.s32 $0x108;
	_ =	swait.ge @!p0 [sflag:s8], $0x0  }
0x24: {  	s3 =	sadd.s32 $0x88, s3;
	s6 =	simm.s32 @!p1 $0x1082;
	[sflag:s4] =	ssyncset.s32 $0xFFFFF086  }
0x25: {  	[simem:s6], [sflag:s4] =	dma.local [hbm:s3], $0xF7A  }
0x26: {  	[smem:$0x3F9F] =	sst s1;
	(tag) =	ssettag s2;
	_ =	strace s9  }
0x27: {  	s1 =	sld [smem:$0x3FAF]  }
0x28: {  	s2 =	sld [smem:$0x3FB0]  }
0x29: {  	s4 =	sld [smem:$0x3FB2]  }
0x2a: {  	p0 =	seq.s32 s5, $0x0;
	s5 =	sld [smem:$0x3FB3]  }
0x2b: {  	s6 =	sld [smem:$0x3FB4]  }
0x2c: {  	s7 =	sld [smem:$0x3FB5]  }
0x2d: {  	s3 =	simm.s32 $0x108;
	s8 =	sld [smem:$0x3FB6]  }
0x2e: {  	s3 =	simm.s32 @!p0 $0x1082;
	s9 =	sld [smem:$0x3FB7]  }
0x2f: {  	lr =	sadd.s32 s0, s3;
	s0 =	sld [smem:$0x3FAE]  }
0x30: {  	s3 =	sld [smem:$0x3FB1]  }
0x31: {  	[smem:$0x3FBA] =	sst s10  }
0x32: {  	s10 =	sld [smem:$0x3FB8];
	_ =	sdelay $0x3  }
0x33: {  	p0 =	seq.s32 s10, $0x1;
	s10 =	sld [smem:$0x3FBA];
	_ =	sdelay $0x3  }
0x34: {  	[smem:$0x3FBA] =	sst s10  }
0x35: {  	s10 =	sld [smem:$0x3FB9];
	_ =	sdelay $0x3  }
0x36: {  	p1 =	seq.s32 s10, $0x1;
	s10 =	sld [smem:$0x3FBA];
	_ =	sdelay $0x3  }
0x37: {  	[smem:$0x3FBA] =	sst s10  }
0x38: {  	s10 =	sld [smem:$0x3FBB]  }
0x39: {  	_ = 	snop;
	(pc) =	sbr.ind lr, $3  }
0x3a: {  	_ = 	snop  }
0x3b: {  	_ = 	snop  }
0x3c: {  	p2 =	seq.s32 s10, $0x1;
	s10 =	sld [smem:$0x3FBA]  }
0x3d: {  	_ =	shalt  }
0x3e: {  	_ =	shalt  }
0x3f: {  	_ =	shalt  }
0x40: {  	_ =	shalt  }
0x41: {  	_ =	shalt  }
0x42: {  	_ =	shalt  }
0x43: {  	_ =	shalt  }
0x44: {  	_ =	shalt  }
0x45: {  	_ =	shalt  }
0x46: {  	_ =	shalt  }
0x47: {  	_ =	shalt  }
0x48: {  	_ =	shalt  }
0x49: {  	_ =	shalt  }
0x4a: {  	_ =	shalt  }
0x4b: {  	_ =	shalt  }
0x4c: {  	_ =	shalt  }
0x4d: {  	_ =	shalt  }
0x4e: {  	_ =	shalt  }
0x4f: {  	_ =	shalt  }
0x50: {  	_ =	shalt  }
0x51: {  	_ =	shalt  }
0x52: {  	_ =	shalt  }
0x53: {  	_ =	shalt  }
0x54: {  	_ =	shalt  }
0x55: {  	_ =	shalt  }
0x56: {  	_ =	shalt  }
0x57: {  	_ =	shalt  }
0x58: {  	_ =	shalt  }
0x59: {  	_ =	shalt  }
0x5a: {  	_ =	shalt  }
0x5b: {  	_ =	shalt  }
0x5c: {  	_ =	shalt  }
0x5d: {  	_ =	shalt  }
0x5e: {  	_ =	shalt  }
0x5f: {  	_ =	shalt  }
0x60: {  	_ =	shalt  }
0x61: {  	_ =	shalt  }
0x62: {  	_ =	shalt  }
0x63: {  	_ =	shalt  }
0x64: {  	_ =	shalt  }
0x65: {  	_ =	shalt  }
0x66: {  	_ =	shalt  }
0x67: {  	_ =	shalt  }
0x68: {  	_ =	shalt  }
0x69: {  	_ =	shalt  }
0x6a: {  	_ =	shalt  }
0x6b: {  	_ =	shalt  }
0x6c: {  	_ =	shalt  }
0x6d: {  	_ =	shalt  }
0x6e: {  	_ =	shalt  }
0x6f: {  	_ =	shalt  }
0x70: {  	_ =	shalt  }
0x71: {  	_ =	shalt  }
0x72: {  	_ =	shalt  }
0x73: {  	_ =	shalt  }
0x74: {  	_ =	shalt  }
0x75: {  	_ =	shalt  }
0x76: {  	_ =	shalt  }
0x77: {  	_ =	shalt  }
0x78: {  	_ =	shalt  }
0x79: {  	_ =	shalt  }
0x7a: {  	_ =	shalt  }
0x7b: {  	_ =	shalt  }
0x7c: {  	_ =	shalt  }
0x7d: {  	_ =	shalt  }
0x7e: {  	_ =	shalt  }
0x7f: {  	_ =	shalt  }
0x80: {  	_ =	shalt  }
0x81: {  	_ =	shalt  }
0x82: {  	_ =	shalt  }
0x83: {  	_ =	shalt  }
0x84: {  	_ =	shalt  }
0x85: {  	_ =	shalt  }
0x86: {  	_ =	shalt  }
0x87: {  	_ =	shalt  }
.Lfunc_end0:
.L_simem_size_0:
called_computation.1_lowered:
.L_overlay_start_0:
0x88: {  	s2 =	sld [smem:$0x3FD9]  }
0x89: {  	s3 =	sld [smem:$0x3FFE];
	_ =	sdelay $0x1  }
0x8a: {  	s1 =	srdreg.scid  }
0x8b: {  	s0 =	sand.u32 $0x1, s1  }
0x8c: {  	s14 =	sshll.u32 s0, $0xA;
	s2 =	sadd.s32 s3, s2  }
0x8d: {  	s2 =	sadd.s32 s2, s14  }
0x8e: {  	[smem:$0x3FC6] =	sst s2  }
0x8f: {  	_ = 	snop  }
0x90: {  	s2 =	sld [smem:$0x3FD0];
	_ =	sdelay $0x2  }
0x91: {  	s15 =	simm.s32 $0xA;
	s4 =	simm.s32 $0x10  }
0x92: {  	[smem:s4], [sflag:s15] =	dma.local [hbm:s2], $0x1  }
0x93: {  	_ =	swait.eq [sflag:s15], $0x1  }
0x94: {  	[sflag:s15] =	ssyncset.done $0x0  }
0x95: {  	s16 =	sld [smem:$0x10];
	[sflag:s15] =	ssyncadd.s32 $0xFFFFFFFF  }
0x96: {  	s17 =	sld [smem:$0x11];
	(tm) =	ssettm $0x1  }
0x97: {  	s18 =	sld [smem:$0x3FFB];
	_ =	sdelay $0x3  }
0x98: {  	_ =	strace s18  }
0x99: {  	s4 =	sld [smem:$0x3FFC];
	_ =	sdelay $0x3  }
0x9a: {  	_ =	strace s4  }
0x9b: {  	s4 =	sld [smem:$0x3FFD];
	_ =	sdelay $0x3  }
0x9c: {  	_ =	strace s4  }
0x9d: {  	_ =	strace $0x8FFFFFFF  }
0x9e: {  	s19 =	sld [smem:$0x3FDB];
	_ =	sdelay $0x1  }
0x9f: {  	s5 =	simm.s32 $_scs_section_size  }
0xa0: {  	s6 =	simm.s32 $_size__tile_overlayer_lowered;
	s7 =	simm.s32 $_tile_overlayer_lowered  }
0xa1: {  	s22 =	simm.s32 $0x1BFF;
	s21 =	sshll.u32 s7, $0x1;
	s4 =	sadd.s32 s5, s19  }
0xa2: {  	s8 =	simm.s32 $0x0;
	s20 =	sshll.u32 s6, $0x1;
	s6 =	sadd.s32 s21, s4  }
0xa3: {  	[timem:s8], [sflag:s22] =	dma.local [hbm:s6], s20  }
0xa4: {  	_ =	swait.ge [sflag:s22], s20  }
0xa5: {  	s5 =	ssub.s32 $0x0, s20;
	[sflag:s22] =	ssyncset.done $0x0  }
0xa6: {  	[sflag:s22] =	ssyncadd.s32 s5;
	_ =	sdelay $0x1  }
0xa7: {  	s23 =	simm.s32 $0x1B8B  }
0xa8: {  	_ =	swait.ge [sflag:s23], $0x1  }
0xa9: {  	[sflag:s23] =	ssyncset.done $0x0  }
0xaa: {  	s25 =	simm.s32 $0x1B8E;
	s24 =	sld [smem:$0x3FFE];
	[sflag:s23] =	ssyncadd.s32 $0xFFFFFFFF  }
0xab: {  	s26 =	simm.s32 $execute0_lowered;
	[smem:$0x3FD2] =	sst s25  }
0xac: {  	s6 =	sshll.u32 s26, $0x1;
	_ =	strace $0x80000046;
	[dreg:$0x1] =	wrdreg $0xFFFFFFFF  }
0xad: {  	s28 =	simm.s32 $_size_execute0_lowered;
	s4 =	sadd.s32 s4, s6;
	[dreg:$0x0] =	wrdreg $0x0  }
0xae: {  	s6 =	sshll.u32 s28, $0x1;
	[dreg:$0x2] =	wrdreg s4  }
0xaf: {  	[dreg:$0x3] =	wrdreg s6  }
0xb0: {  	[dreg:$0x4] =	wrdreg $0xC0  }
0xb1: {  	_ =	task [dreg:s8], $0x5FFFF  }
0xb2: {  	[dreg:$0x1] =	wrdreg $0xFFFFFFFF  }
0xb3: {  	[dreg:$0x0] =	wrdreg $0x60  }
0xb4: {  	[dreg:$0x2] =	wrdreg s24  }
0xb5: {  	[dreg:$0x3] =	wrdreg s16  }
0xb6: {  	[dreg:$0x4] =	wrdreg s17  }
0xb7: {  	[dreg:$0x5] =	wrdreg $0x9  }
0xb8: {  	_ =	task.clear_ibuf [dreg:s8], $0x6FFFF;
	_ =	strace $0x90000046  }
0xb9: {  	s29 =	simm.s32 $0x9;
	_ =	strace $0x80000048  }
0xba: {  	_ =	swait.ge [sflag:s29], $0x1  }
0xbb: {  	[sflag:s29] =	ssyncadd.s32 $0xFFFFFFFF  }
0xbc: {  	_ =	strace $0x90000048  }
0xbd: {  	_ =	sfence  }
0xbe: {  	s30 =	sld [smem:$0x0];
	_ =	sdelay $0x2  }
0xbf: {  	s31 =	sshll.u32 s1, $0xD;
	s1 =	sshrl.u32 s1, $0x2  }
0xc0: {  	s3 =	sand.u32 $0x4000, s31;
	s1 =	sadd.s32 s1, s30  }
0xc1: {  	s0 =	sor.u32 s3, s0;
	s1 =	sshll.u32 s1, $0x11  }
0xc2: {  	s0 =	sor.u32 s1, s0  }
0xc3: {  	s0 =	sadd.s32 $0x8F2B, s0  }
0xc4: {  	[sflag:s0] =	ssyncadd.remote.s32 $0x1  }
0xc5: {  	_ =	sfence.sel $0xFFFF  }
0xc6: {  	[dreg:$0x0] =	wrdreg $0xFFFFFFFF;
	(pc) =	sbr.abs _section_cstart, $3  }
0xc7: {  	[dreg:$0x1] =	wrdreg $0xFFFFFFFF  }
0xc8: {  	_ =	task.clear_ibuf [dreg:s8], $0x2FFFF;
	_ =	strace $0x9FFFFFFF  }
0xc9: {  	(tm) =	ssettm $0x7FFFFFFF  }
tec
execute0_lowered:
.L_overlay_start_1:
0x0: {  	(tag) =	ssettag $0x1  }
0x1: {  	s0 =	rddreg [dreg:$0x0];
	s3 =	srdreg.scid  }
0x2: {  	s6 =	rddreg [dreg:$0x2];
	s1 =	stileid.u32;
	s11 =	simm.s32 $0xC800  }
0x3: {  	s28 =	simm.s32 $0x6400;
	s29 =	simm.s32 $0x0;
	s4 =	sand.u32 $0x1, s3  }
0x4: {  	s5 =	sshll.u32 s1, $0x8;
	s3 =	simm.s32 $0x0;
	s12 =	smul.u32 $0x320000, s1  }
0x5: {  	s7 =	sshll.u32 s4, $0x7;
	[smem:$0x7FF] =	sst s3;
	s13 =	smul.u32 $0x190000, s4  }
0x6: {  	s10 =	ssub.s32 $0x2, s4;
	s4 =	sadd.s32 $0xF43600, s0;
	s5 =	sor.u32 s7, s5  }
0x7: {  	_ =	strace $0x80000047;
	s14 =	sshrl.u32 s10, $0x1;
	s8 =	sshrl.u32 s5, $0x3  }
0x8: {  	s5 =	sadd.s32 s13, s12;
	s12 =	simm.s32 $0xE800;
	s9 =	sadd.s32 s8, s0  }
0x9: {  	s0 =	ssub.s32 s10, s14;
	s7 =	sshrl.u32 s5, $0x3;
	s15 =	sor.u32 $0x140, s5  }
0xa: {  	s17 =	sor.u32 $0x180, s5;
	s19 =	sor.u32 $0x1C0, s5;
	s21 =	sor.u32 $0x100, s5  }
0xb: {  	s23 =	sor.u32 $0x40, s5;
	s25 =	sor.u32 $0x80, s5;
	s30 =	sor.u32 $0xC0, s5  }
0xc: {  	s6 =	sadd.s32 s6, s8;
	s8 =	simm.s32 $0x80;
	s10 =	simm.s32 $0x5  }
0xd: {  	s14 =	simm.s32 $0x10800;
	[dreg:$0x4] =	wrdreg s7;
	s16 =	sshrl.u32 s15, $0x3  }
0xe: {  	s18 =	sshrl.u32 s17, $0x3;
	s20 =	sshrl.u32 s19, $0x3;
	[dreg:$0x5] =	wrdreg s16  }
0xf: {  	s22 =	sshrl.u32 s21, $0x3;
	s24 =	sshrl.u32 s23, $0x3;
	[dreg:$0x6] =	wrdreg s18  }
0x10: {  	s26 =	sshrl.u32 s25, $0x3;
	s5 =	sadd.s32 $0x1000, s9;
	[dreg:$0x7] =	wrdreg s20  }
0x11: {  	s31 =	sshrl.u32 s30, $0x3;
	s7 =	smax.u32 s0, $0x1;
	[dreg:$0x8] =	wrdreg s22  }
0x12: {  	s9 =	simm.s32 $0x1000;
	s17 =	simm.s32 $0x14800;
	[dreg:$0x9] =	wrdreg s24  }
0x13: {  	s19 =	simm.s32 $0x18800;
	s21 =	simm.s32 $0x1;
	[dreg:$0xa] =	wrdreg s26  }
0x14: {  	s23 =	simm.s32 $0x3200;
	s25 =	simm.s32 $0x2;
	[dreg:$0xb] =	wrdreg s31  }
0x15: {  	s16 =	simm.s32 $0x12800;
	s18 =	simm.s32 $0x16800;
	s20 =	simm.s32 $0x1A800  }
0x16: {  	v0 =	vimm.s32 $0x0;
	s22 =	simm.s32 $0x40;
	s24 =	simm.s32 $0x3;
	s26 =	simm.s32 $0x4  }
.LBB2_1:
0x17: {  	[tilespmem:s3], [sflag:$0x5] =	stream.strided.gather [hbm4b:s5+s8], $0x6400, s9, s8, $0x38;
	[tilespmem:$0x1C800] =	vst v63  }
0x18: {  	_ =	swait.ge [sflag:s10], $0x6400  }
0x19: {  	[sflag:s10] =	ssyncset.done $0x0  }
0x1a: {  	[sflag:s10] =	ssyncadd.s32 $0xFFFF9C00  }
0x1b: {  	[tilespmem:s11], [sflag:$0x1] =	stream.indirect.gather [hbm4b:s4+s8], $0x40, s3, s8, $0xb8;
	[tilespmem:$0x1C800] =	vst v63  }
0x1c: {  	_ = 	snop  }
0x1d: {  	[tilespmem:s12], [sflag:$0x1] =	stream.indirect.gather [hbm4b:s4+s8], $0x40, s8, s8, $0xb8;
	[tilespmem:$0x1C800] =	vst v63  }
0x1e: {  	s0 =	simm.s32 $0x100  }
0x1f: {  	[tilespmem:s14], [sflag:$0x1] =	stream.indirect.gather [hbm4b:s4+s8], $0x40, s0, s8, $0xb8;
	[tilespmem:$0x1C800] =	vst v63  }
0x20: {  	s15 =	simm.s32 $0x180;
	s31 =	simm.s32 $0x0;
	s30 =	rddreg [dreg:$0x1]  }
0x21: {  	[tilespmem:s16], [sflag:$0x1] =	stream.indirect.gather [hbm4b:s4+s8], $0x40, s15, s8, $0xb8;
	[tilespmem:$0x1C800] =	vst v63  }
.LBB2_2:
0x22: {  	p0 =	seq.s32 s31, $0x0  }
0x23: {  	s1 =	simm.s32 @!p0 $0x4  }
0x24: {  	_ =	swait.ge @!p0 [sflag:s1], $0x2000  }
0x25: {  	[sflag:s1] =	ssyncset.done @!p0 $0x0  }
0x26: {  	[sflag:s1] =	ssyncadd.s32 @!p0 $0xFFFFE000  }
0x27: {  	_ =	swait.ge @!p0 [sflag:s1], $0x2000  }
0x28: {  	[sflag:s1] =	ssyncset.done @!p0 $0x0  }
0x29: {  	[sflag:s1] =	ssyncadd.s32 @!p0 $0xFFFFE000  }
0x2a: {  	_ =	swait.ge @!p0 [sflag:s1], $0x2000  }
0x2b: {  	[sflag:s1] =	ssyncset.done @!p0 $0x0  }
0x2c: {  	[sflag:s1] =	ssyncadd.s32 @!p0 $0xFFFFE000  }
0x2d: {  	_ =	swait.ge @!p0 [sflag:s1], $0x2000  }
0x2e: {  	s0 =	sshra.s32 s31, $0x2;
	[sflag:s1] =	ssyncset.done @!p0 $0x0  }
0x2f: {  	s15 =	sadd.s32 $0x200, s0;
	[sflag:s1] =	ssyncadd.s32 @!p0 $0xFFFFE000  }
0x30: {  	[tilespmem:s17], [sflag:$0x2] =	stream.indirect.gather [hbm4b:s4+s8], $0x40, s15, s8, $0xb8;
	[tilespmem:$0x1C800] =	vst v63  }
0x31: {  	s2 =	sadd.s32 $0x280, s0  }
0x32: {  	[tilespmem:s18], [sflag:$0x2] =	stream.indirect.gather [hbm4b:s4+s8], $0x40, s2, s8, $0xb8;
	[tilespmem:$0x1C800] =	vst v63  }
0x33: {  	s13 =	sadd.s32 $0x300, s0  }
0x34: {  	[tilespmem:s19], [sflag:$0x2] =	stream.indirect.gather [hbm4b:s4+s8], $0x40, s13, s8, $0xb8;
	[tilespmem:$0x1C800] =	vst v63  }
0x35: {  	s15 =	sadd.s32 $0x380, s0  }
0x36: {  	[tilespmem:s20], [sflag:$0x2] =	stream.indirect.gather [hbm4b:s4+s8], $0x40, s15, s8, $0xb8;
	[tilespmem:$0x1C800] =	vst v63  }
0x37: {  	_ =	swait.ge [sflag:s21], $0x2000  }
0x38: {  	[sflag:s21] =	ssyncset.done $0x0  }
0x39: {  	[sflag:s21] =	ssyncadd.s32 $0xFFFFE000  }
0x3a: {  	_ =	swait.ge [sflag:s21], $0x2000  }
0x3b: {  	[sflag:s21] =	ssyncset.done $0x0  }
0x3c: {  	[sflag:s21] =	ssyncadd.s32 $0xFFFFE000  }
0x3d: {  	_ =	swait.ge [sflag:s21], $0x2000  }
0x3e: {  	[sflag:s21] =	ssyncset.done $0x0  }
0x3f: {  	[sflag:s21] =	ssyncadd.s32 $0xFFFFE000  }
0x40: {  	_ =	swait.ge [sflag:s21], $0x2000  }
0x41: {  	[sflag:s21] =	ssyncset.done $0x0  }
0x42: {  	[sflag:s21] =	ssyncadd.s32 $0xFFFFE000  }
0x43: {  	v1 =	vld [tilespmem:s0+$0x0]  }
0x44: {  	v2 =	vld [tilespmem:s0+$0x10]  }
0x45: {  	v3 =	vld [tilespmem:s0+$0x20]  }
0x46: {  	v4 =	vld [tilespmem:s0+$0x30]  }
0x47: {  	v5 =	vld [tilespmem:s0+$0x40]  }
0x48: {  	vm0 =	vne.s32 v1, $0xFFFFFFFF;
	v1 =	vld [tilespmem:s0+$0x50]  }
0x49: {  	vm13 =	vne.s32 v2, $0xFFFFFFFF;
	v2 =	vld [tilespmem:s0+$0x60];
	v6 =	vsel vm0, $0x1, v0  }
0x4a: {  	vm14 =	vne.s32 v3, $0xFFFFFFFF;
	v3 =	vld [tilespmem:s0+$0x70];
	v19 =	vsel vm13, $0x1, v0;
	[tilespmem:s0+$0x6400] =	vst v6  }
0x4b: {  	vm15 =	vne.s32 v4, $0xFFFFFFFF;
	v20 =	vsel vm14, $0x1, v0;
	[tilespmem:s0+$0x6410] =	vst v19  }
0x4c: {  	vm4 =	vne.s32 v5, $0xFFFFFFFF;
	v4 =	vsel vm15, $0x1, v0;
	[tilespmem:s0+$0x6420] =	vst v20  }
0x4d: {  	v21 =	vsel vm4, $0x1, v0;
	[tilespmem:s0+$0x6430] =	vst v4;
	vm5 =	vne.s32 v1, $0xFFFFFFFF  }
0x4e: {  	[tilespmem:s0+$0x6440] =	vst v21;
	vm6 =	vne.s32 v2, $0xFFFFFFFF;
	v1 =	vsel vm5, $0x1, v0  }
0x4f: {  	vm7 =	vne.s32 v3, $0xFFFFFFFF;
	[tilespmem:s0+$0x6450] =	vst v1;
	v1 =	vsel vm6, $0x1, v0  }
0x50: {  	s2 =	rddreg [dreg:$0x4];
	[tilespmem:s0+$0x6460] =	vst v1;
	v1 =	vsel vm7, $0x1, v0  }
0x51: {  	s1 =	sadd.s32 s30, s2;
	[tilespmem:s0+$0x6470] =	vst v1  }
0x52: {  	[hbm4b:s1+s22] =	stream.strided.scatter [tilespmem:s11], [sflag:$0x3], $0x2000, s23, s22, $0x38;
	[tilespmem:$0x1C800] =	vst v63  }
0x53: {  	v1 =	vld [tilespmem:s0+$0x80]  }
0x54: {  	v2 =	vld [tilespmem:s0+$0x90]  }
0x55: {  	v3 =	vld [tilespmem:s0+$0xA0]  }
0x56: {  	v22 =	vld [tilespmem:s0+$0xB0]  }
0x57: {  	v23 =	vld [tilespmem:s0+$0xC0]  }
0x58: {  	vm8 =	vne.s32 v1, $0xFFFFFFFF;
	v1 =	vld [tilespmem:s0+$0xD0]  }
0x59: {  	vm9 =	vne.s32 v2, $0xFFFFFFFF;
	v2 =	vld [tilespmem:s0+$0xE0];
	v24 =	vsel vm8, $0x1, v0  }
0x5a: {  	vm10 =	vne.s32 v3, $0xFFFFFFFF;
	v3 =	vld [tilespmem:s0+$0xF0];
	v25 =	vsel vm9, $0x1, v0;
	[tilespmem:s0+$0x6480] =	vst v24  }
0x5b: {  	vm11 =	vne.s32 v22, $0xFFFFFFFF;
	v26 =	vsel vm10, $0x1, v0;
	[tilespmem:s0+$0x6490] =	vst v25  }
0x5c: {  	vm12 =	vne.s32 v23, $0xFFFFFFFF;
	v4 =	vsel vm11, $0x1, v0;
	[tilespmem:s0+$0x64A0] =	vst v26  }
0x5d: {  	v27 =	vsel vm12, $0x1, v0;
	[tilespmem:s0+$0x64B0] =	vst v4;
	vm13 =	vne.s32 v1, $0xFFFFFFFF  }
0x5e: {  	[tilespmem:s0+$0x64C0] =	vst v27;
	vm14 =	vne.s32 v2, $0xFFFFFFFF;
	v1 =	vsel vm13, $0x1, v0  }
0x5f: {  	vm15 =	vne.s32 v3, $0xFFFFFFFF;
	[tilespmem:s0+$0x64D0] =	vst v1;
	v1 =	vsel vm14, $0x1, v0  }
0x60: {  	s13 =	rddreg [dreg:$0x9];
	[tilespmem:s0+$0x64E0] =	vst v1;
	v1 =	vsel vm15, $0x1, v0  }
0x61: {  	s1 =	sadd.s32 s30, s13;
	[tilespmem:s0+$0x64F0] =	vst v1  }
0x62: {  	[hbm4b:s1+s22] =	stream.strided.scatter [tilespmem:s12], [sflag:$0x3], $0x2000, s23, s22, $0x38;
	[tilespmem:$0x1C800] =	vst v63  }
0x63: {  	v1 =	vld [tilespmem:s0+$0x100]  }
0x64: {  	v2 =	vld [tilespmem:s0+$0x110]  }
0x65: {  	v3 =	vld [tilespmem:s0+$0x120]  }
0x66: {  	v28 =	vld [tilespmem:s0+$0x130]  }
0x67: {  	v29 =	vld [tilespmem:s0+$0x140]  }
0x68: {  	vm4 =	vne.s32 v1, $0xFFFFFFFF;
	v1 =	vld [tilespmem:s0+$0x150]  }
0x69: {  	vm5 =	vne.s32 v2, $0xFFFFFFFF;
	v2 =	vld [tilespmem:s0+$0x160];
	v30 =	vsel vm4, $0x1, v0  }
0x6a: {  	vm6 =	vne.s32 v3, $0xFFFFFFFF;
	v3 =	vld [tilespmem:s0+$0x170];
	v31 =	vsel vm5, $0x1, v0;
	[tilespmem:s0+$0x6500] =	vst v30  }
0x6b: {  	vm7 =	vne.s32 v28, $0xFFFFFFFF;
	v32 =	vsel vm6, $0x1, v0;
	[tilespmem:s0+$0x6510] =	vst v31  }
0x6c: {  	vm8 =	vne.s32 v29, $0xFFFFFFFF;
	v4 =	vsel vm7, $0x1, v0;
	[tilespmem:s0+$0x6520] =	vst v32  }
0x6d: {  	v33 =	vsel vm8, $0x1, v0;
	[tilespmem:s0+$0x6530] =	vst v4;
	vm9 =	vne.s32 v1, $0xFFFFFFFF  }
0x6e: {  	[tilespmem:s0+$0x6540] =	vst v33;
	vm10 =	vne.s32 v2, $0xFFFFFFFF;
	v1 =	vsel vm9, $0x1, v0  }
0x6f: {  	vm11 =	vne.s32 v3, $0xFFFFFFFF;
	[tilespmem:s0+$0x6550] =	vst v1;
	v1 =	vsel vm10, $0x1, v0  }
0x70: {  	s15 =	rddreg [dreg:$0xa];
	[tilespmem:s0+$0x6560] =	vst v1;
	v1 =	vsel vm11, $0x1, v0  }
0x71: {  	s1 =	sadd.s32 s30, s15;
	[tilespmem:s0+$0x6570] =	vst v1  }
0x72: {  	[hbm4b:s1+s22] =	stream.strided.scatter [tilespmem:s14], [sflag:$0x3], $0x2000, s23, s22, $0x38;
	[tilespmem:$0x1C800] =	vst v63  }
0x73: {  	v1 =	vld [tilespmem:s0+$0x180]  }
0x74: {  	v2 =	vld [tilespmem:s0+$0x190]  }
0x75: {  	v3 =	vld [tilespmem:s0+$0x1A0]  }
0x76: {  	v34 =	vld [tilespmem:s0+$0x1B0]  }
0x77: {  	v35 =	vld [tilespmem:s0+$0x1C0]  }
0x78: {  	vm12 =	vne.s32 v1, $0xFFFFFFFF;
	v1 =	vld [tilespmem:s0+$0x1D0]  }
0x79: {  	vm13 =	vne.s32 v2, $0xFFFFFFFF;
	v2 =	vld [tilespmem:s0+$0x1E0];
	v36 =	vsel vm12, $0x1, v0  }
0x7a: {  	vm14 =	vne.s32 v3, $0xFFFFFFFF;
	v3 =	vld [tilespmem:s0+$0x1F0];
	v37 =	vsel vm13, $0x1, v0;
	[tilespmem:s0+$0x6580] =	vst v36  }
0x7b: {  	vm15 =	vne.s32 v34, $0xFFFFFFFF;
	v38 =	vsel vm14, $0x1, v0;
	[tilespmem:s0+$0x6590] =	vst v37  }
0x7c: {  	vm4 =	vne.s32 v35, $0xFFFFFFFF;
	v4 =	vsel vm15, $0x1, v0;
	[tilespmem:s0+$0x65A0] =	vst v38  }
0x7d: {  	v39 =	vsel vm4, $0x1, v0;
	[tilespmem:s0+$0x65B0] =	vst v4;
	vm5 =	vne.s32 v1, $0xFFFFFFFF  }
0x7e: {  	[tilespmem:s0+$0x65C0] =	vst v39;
	vm6 =	vne.s32 v2, $0xFFFFFFFF;
	v1 =	vsel vm5, $0x1, v0  }
0x7f: {  	vm7 =	vne.s32 v3, $0xFFFFFFFF;
	[tilespmem:s0+$0x65D0] =	vst v1;
	v1 =	vsel vm6, $0x1, v0  }
0x80: {  	s2 =	rddreg [dreg:$0xb];
	[tilespmem:s0+$0x65E0] =	vst v1;
	v1 =	vsel vm7, $0x1, v0  }
0x81: {  	s1 =	sadd.s32 s30, s2;
	[tilespmem:s0+$0x65F0] =	vst v1  }
0x82: {  	[hbm4b:s1+s22] =	stream.strided.scatter [tilespmem:s16], [sflag:$0x3], $0x2000, s23, s22, $0x38;
	[tilespmem:$0x1C800] =	vst v63  }
0x83: {  	_ =	swait.ge [sflag:s24], $0x2000  }
0x84: {  	[sflag:s24] =	ssyncset.done $0x0  }
0x85: {  	[sflag:s24] =	ssyncadd.s32 $0xFFFFE000  }
0x86: {  	_ =	swait.ge [sflag:s24], $0x2000  }
0x87: {  	[sflag:s24] =	ssyncset.done $0x0  }
0x88: {  	[sflag:s24] =	ssyncadd.s32 $0xFFFFE000  }
0x89: {  	_ =	swait.ge [sflag:s24], $0x2000  }
0x8a: {  	[sflag:s24] =	ssyncset.done $0x0  }
0x8b: {  	[sflag:s24] =	ssyncadd.s32 $0xFFFFE000  }
0x8c: {  	p0 =	seq.s32 s31, $0x18000;
	_ =	swait.ge [sflag:s24], $0x2000  }
0x8d: {  	s13 =	simm.s32 @!p0 $0x80;
	s1 =	sshra.s32 @!p0 s31, $0x2;
	[sflag:s24] =	ssyncset.done $0x0  }
0x8e: {  	s15 =	simm.s32 @!p0 $0xC800;
	s2 =	sadd.s32 @!p0 $0x400, s1;
	[sflag:s24] =	ssyncadd.s32 $0xFFFFE000  }
0x8f: {  	[tilespmem:s15], [sflag:$0x1] =	stream.indirect.gather @!p0 [hbm4b:s4+s13], $0x40, s2, s13, $0xb8;
	[tilespmem:$0x1C800] =	vst v63  }
0x90: {  	s2 =	sadd.s32 @!p0 $0x480, s1;
	s15 =	simm.s32 @!p0 $0xE800  }
0x91: {  	[tilespmem:s15], [sflag:$0x1] =	stream.indirect.gather @!p0 [hbm4b:s4+s13], $0x40, s2, s13, $0xb8;
	[tilespmem:$0x1C800] =	vst v63  }
0x92: {  	s2 =	sadd.s32 @!p0 $0x500, s1;
	s15 =	simm.s32 @!p0 $0x10800  }
0x93: {  	[tilespmem:s15], [sflag:$0x1] =	stream.indirect.gather @!p0 [hbm4b:s4+s13], $0x40, s2, s13, $0xb8;
	[tilespmem:$0x1C800] =	vst v63  }
0x94: {  	s1 =	sadd.s32 @!p0 $0x580, s1;
	s2 =	simm.s32 @!p0 $0x12800  }
0x95: {  	[tilespmem:s2], [sflag:$0x1] =	stream.indirect.gather @!p0 [hbm4b:s4+s13], $0x40, s1, s13, $0xb8;
	[tilespmem:$0x1C800] =	vst v63  }
0x96: {  	_ =	swait.ge [sflag:s25], $0x2000  }
0x97: {  	[sflag:s25] =	ssyncset.done $0x0  }
0x98: {  	[sflag:s25] =	ssyncadd.s32 $0xFFFFE000  }
0x99: {  	_ =	swait.ge [sflag:s25], $0x2000  }
0x9a: {  	[sflag:s25] =	ssyncset.done $0x0  }
0x9b: {  	[sflag:s25] =	ssyncadd.s32 $0xFFFFE000  }
0x9c: {  	_ =	swait.ge [sflag:s25], $0x2000  }
0x9d: {  	[sflag:s25] =	ssyncset.done $0x0  }
0x9e: {  	[sflag:s25] =	ssyncadd.s32 $0xFFFFE000  }
0x9f: {  	_ =	swait.ge [sflag:s25], $0x2000  }
0xa0: {  	[sflag:s25] =	ssyncset.done $0x0  }
0xa1: {  	[sflag:s25] =	ssyncadd.s32 $0xFFFFE000  }
0xa2: {  	v1 =	vld [tilespmem:s0+$0x200]  }
0xa3: {  	v2 =	vld [tilespmem:s0+$0x210]  }
0xa4: {  	v3 =	vld [tilespmem:s0+$0x220]  }
0xa5: {  	v40 =	vld [tilespmem:s0+$0x230]  }
0xa6: {  	v41 =	vld [tilespmem:s0+$0x240]  }
0xa7: {  	vm8 =	vne.s32 v1, $0xFFFFFFFF;
	v1 =	vld [tilespmem:s0+$0x250]  }
0xa8: {  	vm9 =	vne.s32 v2, $0xFFFFFFFF;
	v2 =	vld [tilespmem:s0+$0x260];
	v42 =	vsel vm8, $0x1, v0  }
0xa9: {  	vm10 =	vne.s32 v3, $0xFFFFFFFF;
	v3 =	vld [tilespmem:s0+$0x270];
	v43 =	vsel vm9, $0x1, v0;
	[tilespmem:s0+$0x6600] =	vst v42  }
0xaa: {  	vm11 =	vne.s32 v40, $0xFFFFFFFF;
	v44 =	vsel vm10, $0x1, v0;
	[tilespmem:s0+$0x6610] =	vst v43  }
0xab: {  	vm12 =	vne.s32 v41, $0xFFFFFFFF;
	v4 =	vsel vm11, $0x1, v0;
	[tilespmem:s0+$0x6620] =	vst v44  }
0xac: {  	v45 =	vsel vm12, $0x1, v0;
	[tilespmem:s0+$0x6630] =	vst v4;
	vm13 =	vne.s32 v1, $0xFFFFFFFF  }
0xad: {  	[tilespmem:s0+$0x6640] =	vst v45;
	vm14 =	vne.s32 v2, $0xFFFFFFFF;
	v1 =	vsel vm13, $0x1, v0  }
0xae: {  	vm15 =	vne.s32 v3, $0xFFFFFFFF;
	[tilespmem:s0+$0x6650] =	vst v1;
	v1 =	vsel vm14, $0x1, v0  }
0xaf: {  	s13 =	rddreg [dreg:$0x8];
	[tilespmem:s0+$0x6660] =	vst v1;
	v1 =	vsel vm15, $0x1, v0  }
0xb0: {  	s1 =	sadd.s32 s30, s13;
	[tilespmem:s0+$0x6670] =	vst v1  }
0xb1: {  	[hbm4b:s1+s22] =	stream.strided.scatter [tilespmem:s17], [sflag:$0x4], $0x2000, s23, s22, $0x38;
	[tilespmem:$0x1C800] =	vst v63  }
0xb2: {  	v1 =	vld [tilespmem:s0+$0x280]  }
0xb3: {  	v2 =	vld [tilespmem:s0+$0x290]  }
0xb4: {  	v3 =	vld [tilespmem:s0+$0x2A0]  }
0xb5: {  	v46 =	vld [tilespmem:s0+$0x2B0]  }
0xb6: {  	v47 =	vld [tilespmem:s0+$0x2C0]  }
0xb7: {  	vm4 =	vne.s32 v1, $0xFFFFFFFF;
	v1 =	vld [tilespmem:s0+$0x2D0]  }
0xb8: {  	vm5 =	vne.s32 v2, $0xFFFFFFFF;
	v2 =	vld [tilespmem:s0+$0x2E0];
	v48 =	vsel vm4, $0x1, v0  }
0xb9: {  	vm6 =	vne.s32 v3, $0xFFFFFFFF;
	v3 =	vld [tilespmem:s0+$0x2F0];
	v49 =	vsel vm5, $0x1, v0;
	[tilespmem:s0+$0x6680] =	vst v48  }
0xba: {  	vm7 =	vne.s32 v46, $0xFFFFFFFF;
	v50 =	vsel vm6, $0x1, v0;
	[tilespmem:s0+$0x6690] =	vst v49  }
0xbb: {  	vm8 =	vne.s32 v47, $0xFFFFFFFF;
	v4 =	vsel vm7, $0x1, v0;
	[tilespmem:s0+$0x66A0] =	vst v50  }
0xbc: {  	v51 =	vsel vm8, $0x1, v0;
	[tilespmem:s0+$0x66B0] =	vst v4;
	vm9 =	vne.s32 v1, $0xFFFFFFFF  }
0xbd: {  	[tilespmem:s0+$0x66C0] =	vst v51;
	vm10 =	vne.s32 v2, $0xFFFFFFFF;
	v1 =	vsel vm9, $0x1, v0  }
0xbe: {  	vm11 =	vne.s32 v3, $0xFFFFFFFF;
	[tilespmem:s0+$0x66D0] =	vst v1;
	v1 =	vsel vm10, $0x1, v0  }
0xbf: {  	s15 =	rddreg [dreg:$0x5];
	[tilespmem:s0+$0x66E0] =	vst v1;
	v1 =	vsel vm11, $0x1, v0  }
0xc0: {  	s1 =	sadd.s32 s30, s15;
	[tilespmem:s0+$0x66F0] =	vst v1  }
0xc1: {  	[hbm4b:s1+s22] =	stream.strided.scatter [tilespmem:s18], [sflag:$0x4], $0x2000, s23, s22, $0x38;
	[tilespmem:$0x1C800] =	vst v63  }
0xc2: {  	v1 =	vld [tilespmem:s0+$0x300]  }
0xc3: {  	v2 =	vld [tilespmem:s0+$0x310]  }
0xc4: {  	v3 =	vld [tilespmem:s0+$0x320]  }
0xc5: {  	v52 =	vld [tilespmem:s0+$0x330]  }
0xc6: {  	v53 =	vld [tilespmem:s0+$0x340]  }
0xc7: {  	vm12 =	vne.s32 v1, $0xFFFFFFFF;
	v1 =	vld [tilespmem:s0+$0x350]  }
0xc8: {  	vm13 =	vne.s32 v2, $0xFFFFFFFF;
	v2 =	vld [tilespmem:s0+$0x360];
	v54 =	vsel vm12, $0x1, v0  }
0xc9: {  	vm14 =	vne.s32 v3, $0xFFFFFFFF;
	v3 =	vld [tilespmem:s0+$0x370];
	v55 =	vsel vm13, $0x1, v0;
	[tilespmem:s0+$0x6700] =	vst v54  }
0xca: {  	vm15 =	vne.s32 v52, $0xFFFFFFFF;
	v56 =	vsel vm14, $0x1, v0;
	[tilespmem:s0+$0x6710] =	vst v55  }
0xcb: {  	vm4 =	vne.s32 v53, $0xFFFFFFFF;
	v4 =	vsel vm15, $0x1, v0;
	[tilespmem:s0+$0x6720] =	vst v56  }
0xcc: {  	v57 =	vsel vm4, $0x1, v0;
	[tilespmem:s0+$0x6730] =	vst v4;
	vm5 =	vne.s32 v1, $0xFFFFFFFF  }
0xcd: {  	[tilespmem:s0+$0x6740] =	vst v57;
	vm6 =	vne.s32 v2, $0xFFFFFFFF;
	v1 =	vsel vm5, $0x1, v0  }
0xce: {  	vm7 =	vne.s32 v3, $0xFFFFFFFF;
	[tilespmem:s0+$0x6750] =	vst v1;
	v1 =	vsel vm6, $0x1, v0  }
0xcf: {  	s2 =	rddreg [dreg:$0x6];
	[tilespmem:s0+$0x6760] =	vst v1;
	v1 =	vsel vm7, $0x1, v0  }
0xd0: {  	s1 =	sadd.s32 s30, s2;
	[tilespmem:s0+$0x6770] =	vst v1  }
0xd1: {  	[hbm4b:s1+s22] =	stream.strided.scatter [tilespmem:s19], [sflag:$0x4], $0x2000, s23, s22, $0x38;
	[tilespmem:$0x1C800] =	vst v63  }
0xd2: {  	v1 =	vld [tilespmem:s0+$0x380]  }
0xd3: {  	v2 =	vld [tilespmem:s0+$0x390]  }
0xd4: {  	v3 =	vld [tilespmem:s0+$0x3A0]  }
0xd5: {  	v58 =	vld [tilespmem:s0+$0x3B0]  }
0xd6: {  	v59 =	vld [tilespmem:s0+$0x3C0]  }
0xd7: {  	vm8 =	vne.s32 v1, $0xFFFFFFFF;
	v1 =	vld [tilespmem:s0+$0x3D0]  }
0xd8: {  	vm9 =	vne.s32 v2, $0xFFFFFFFF;
	v2 =	vld [tilespmem:s0+$0x3E0];
	v60 =	vsel vm8, $0x1, v0  }
0xd9: {  	vm10 =	vne.s32 v3, $0xFFFFFFFF;
	v3 =	vld [tilespmem:s0+$0x3F0];
	v61 =	vsel vm9, $0x1, v0;
	[tilespmem:s0+$0x6780] =	vst v60  }
0xda: {  	vm11 =	vne.s32 v58, $0xFFFFFFFF;
	v62 =	vsel vm10, $0x1, v0;
	[tilespmem:s0+$0x6790] =	vst v61  }
0xdb: {  	s31 =	sadd.s32 $0x1000, s31;
	vm12 =	vne.s32 v59, $0xFFFFFFFF;
	v4 =	vsel vm11, $0x1, v0;
	[tilespmem:s0+$0x67A0] =	vst v62  }
0xdc: {  	p0 =	sne.s32 s31, $0x19000;
	v63 =	vsel vm12, $0x1, v0;
	[tilespmem:s0+$0x67B0] =	vst v4;
	vm13 =	vne.s32 v1, $0xFFFFFFFF  }
.Ltmp0:
0xdd: {  	[tilespmem:s0+$0x67C0] =	vst v63;
	vm14 =	vne.s32 v2, $0xFFFFFFFF;
	v1 =	vsel vm13, $0x1, v0;
	(pc) =	sbr.rel @p0 .LBB2_2-.Ltmp0, $4  }
0xde: {  	vm15 =	vne.s32 v3, $0xFFFFFFFF;
	[tilespmem:s0+$0x67D0] =	vst v1;
	v1 =	vsel vm14, $0x1, v0  }
0xdf: {  	s13 =	rddreg [dreg:$0x7];
	[tilespmem:s0+$0x67E0] =	vst v1;
	v1 =	vsel vm15, $0x1, v0  }
0xe0: {  	s15 =	sadd.s32 s30, s13;
	s30 =	sadd.s32 $0x40, s30;
	[tilespmem:s0+$0x67F0] =	vst v1  }
0xe1: {  	[hbm4b:s15+s22] =	stream.strided.scatter [tilespmem:s20], [sflag:$0x4], $0x2000, s23, s22, $0x38;
	[tilespmem:$0x1C800] =	vst v63  }
0xe2: {  	_ =	swait.ge [sflag:s26], $0x2000  }
0xe3: {  	[sflag:s26] =	ssyncset.done $0x0  }
0xe4: {  	[sflag:s26] =	ssyncadd.s32 $0xFFFFE000  }
0xe5: {  	_ =	swait.ge [sflag:s26], $0x2000  }
0xe6: {  	[sflag:s26] =	ssyncset.done $0x0  }
0xe7: {  	[sflag:s26] =	ssyncadd.s32 $0xFFFFE000  }
0xe8: {  	_ =	swait.ge [sflag:s26], $0x2000  }
0xe9: {  	[sflag:s26] =	ssyncset.done $0x0  }
0xea: {  	[sflag:s26] =	ssyncadd.s32 $0xFFFFE000  }
0xeb: {  	s29 =	sadd.s32 $0x1, s29;
	_ =	swait.ge [sflag:s26], $0x2000  }
0xec: {  	p0 =	sne.s32 s29, s7;
	[sflag:s26] =	ssyncset.done $0x0  }
.Ltmp1:
0xed: {  	[sflag:s26] =	ssyncadd.s32 $0xFFFFE000;
	(pc) =	sbr.rel @p0 .LBB2_1-.Ltmp1, $4  }
0xee: {  	[hbm4b:s6+s8] =	stream.strided.scatter [tilespmem:s28], [sflag:$0x5], $0x6400, s9, s8, $0x38;
	[tilespmem:$0x1C800] =	vst v63  }
0xef: {  	_ =	swait.ge [sflag:s10], $0x6400  }
0xf0: {  	[sflag:s10] =	ssyncset.done $0x0  }
0xf1: {  	[sflag:s10] =	ssyncadd.s32 $0xFFFF9C00  }
0xf2: {  	_ =	sfence.sel $0x180000  }
0xf3: {  	[bflag:$0x0] =	sbarrier.arrive $0xFFFF  }
0xf4: {  	_ =	strace $0x90000047  }
0xf5: {  	s0 =	stileid.u32;
	[bflag:$0x2] =	sbarrier.arrive $0xFFFF  }
0xf6: {  	p0 =	sne.s32 s0, $0x0;
	s0 =	rddreg [dreg:$0x3]  }
0xf7: {  	s0 =	sadd.s32 @!p0 $0x100000, s0  }
0xf8: {  	[sflag:s0] =	ssyncadd.tile.s32 @!p0 $0x1;
	_ =	shalt  }
.Lfunc_end2:
_tile_overlayer_lowered:
.L_overlay_start_2:
0xf9: {  	(tag) =	ssettag $0x2  }
0xfa: {  	s0 =	rddreg [dreg:$0x0];
	s2 =	stileid.u32  }
0xfb: {  	s1 =	rddreg [dreg:$0x1];
	p0 =	sne.s32 s2, $0x0  }
0xfc: {  	s3 =	rddreg [dreg:$0x2];
	[bflag:$0x3] =	sbarrier.arrive $0xFFFF;
	s2 =	simm.s32 @!p0 $0x1C05  }
0xfd: {  	[timem:s3], [sflag:s2] =	dma.local @!p0 [hbm:s0], s1  }
0xfe: {  	s0 =	simm.s32 @!p0 $0x5  }
0xff: {  	_ =	swait.ge @!p0 [sflag:s0], s1  }
0x100: {  	s1 =	ssub.s32 @!p0 $0x0, s1;
	[sflag:s0] =	ssyncset.done @!p0 $0x0  }
0x101: {  	[sflag:s0] =	ssyncadd.s32 @!p0 s1  }
0x102: {  	[bflag:$0x3] =	sbarrier.arrive $0xFFFF  }
0x103: {  	_ =	shalt  }

// kernel: sparse-core-data-format-call.cloned.1.call-start
scs
called_computation_lowered:
.L_overlay_start_0:
0x0: {  	s2 =	sld [smem:$0x3FD9]  }
0x1: {  	s3 =	sld [smem:$0x3FFE];
	_ =	sdelay $0x1  }
0x2: {  	s1 =	srdreg.scid  }
0x3: {  	s0 =	sand.u32 $0x1, s1  }
0x4: {  	s15 =	sshll.u32 s0, $0xA;
	s2 =	sadd.s32 s3, s2  }
0x5: {  	s2 =	sadd.s32 s2, s15  }
0x6: {  	[smem:$0x3FC6] =	sst s2  }
0x7: {  	_ = 	snop  }
0x8: {  	s2 =	sld [smem:$0x3FD0];
	_ =	sdelay $0x2  }
0x9: {  	s16 =	simm.s32 $0xA;
	s4 =	simm.s32 $0x10  }
0xa: {  	[smem:s4], [sflag:s16] =	dma.local [hbm:s2], $0x1  }
0xb: {  	_ =	swait.eq [sflag:s16], $0x1  }
0xc: {  	[sflag:s16] =	ssyncset.done $0x0  }
0xd: {  	[sflag:s16] =	ssyncadd.s32 $0xFFFFFFFF  }
0xe: {  	s17 =	sld [smem:$0x10];
	(tm) =	ssettm $0x1  }
0xf: {  	s18 =	sld [smem:$0x3FFB];
	_ =	sdelay $0x3  }
0x10: {  	_ =	strace s18  }
0x11: {  	s3 =	sld [smem:$0x3FFC];
	_ =	sdelay $0x3  }
0x12: {  	_ =	strace s3  }
0x13: {  	s3 =	sld [smem:$0x3FFD];
	_ =	sdelay $0x3  }
0x14: {  	_ =	strace s3  }
0x15: {  	_ =	strace $0x8FFFFFFF  }
0x16: {  	s19 =	sld [smem:$0x3FDB];
	_ =	sdelay $0x1  }
0x17: {  	s20 =	simm.s32 $_scs_section_size  }
0x18: {  	s5 =	simm.s32 $_size__tile_overlayer_lowered;
	s6 =	simm.s32 $_tile_overlayer_lowered  }
0x19: {  	s23 =	simm.s32 $0x1BFF;
	s22 =	sshll.u32 s6, $0x1;
	s3 =	sadd.s32 s20, s19  }
0x1a: {  	s7 =	simm.s32 $0x0;
	s21 =	sshll.u32 s5, $0x1;
	s5 =	sadd.s32 s22, s3  }
0x1b: {  	[timem:s7], [sflag:s23] =	dma.local [hbm:s5], s21  }
0x1c: {  	_ =	swait.ge [sflag:s23], s21  }
0x1d: {  	s4 =	ssub.s32 $0x0, s21;
	[sflag:s23] =	ssyncset.done $0x0  }
0x1e: {  	[sflag:s23] =	ssyncadd.s32 s4;
	_ =	sdelay $0x1  }
0x1f: {  	s24 =	simm.s32 $0x1B8B  }
0x20: {  	_ =	swait.ge [sflag:s24], $0x1  }
0x21: {  	[sflag:s24] =	ssyncset.done $0x0  }
0x22: {  	s26 =	simm.s32 $0x1B8E;
	s25 =	sld [smem:$0x3FFE];
	[sflag:s24] =	ssyncadd.s32 $0xFFFFFFFF  }
0x23: {  	s27 =	simm.s32 $execute0_lowered;
	[smem:$0x3FD2] =	sst s26  }
0x24: {  	s5 =	sshll.u32 s27, $0x1;
	_ =	strace $0x80000049;
	[dreg:$0x1] =	wrdreg $0xFFFFFFFF  }
0x25: {  	s28 =	simm.s32 $_size_execute0_lowered;
	s3 =	sadd.s32 s3, s5;
	[dreg:$0x0] =	wrdreg $0x0  }
0x26: {  	s5 =	sshll.u32 s28, $0x1;
	[dreg:$0x2] =	wrdreg s3  }
0x27: {  	[dreg:$0x3] =	wrdreg s5  }
0x28: {  	[dreg:$0x4] =	wrdreg $0xC0  }
0x29: {  	_ =	task [dreg:s7], $0x5FFFF  }
0x2a: {  	[dreg:$0x1] =	wrdreg $0xFFFFFFFF  }
0x2b: {  	[dreg:$0x0] =	wrdreg $0x60  }
0x2c: {  	[dreg:$0x2] =	wrdreg s25  }
0x2d: {  	[dreg:$0x3] =	wrdreg s17  }
0x2e: {  	[dreg:$0x4] =	wrdreg $0x9  }
0x2f: {  	_ =	task.clear_ibuf [dreg:s7], $0x5FFFF;
	_ =	strace $0x90000049  }
0x30: {  	s29 =	simm.s32 $0x9;
	_ =	strace $0x8000004B  }
0x31: {  	_ =	swait.ge [sflag:s29], $0x1  }
0x32: {  	[sflag:s29] =	ssyncadd.s32 $0xFFFFFFFF  }
0x33: {  	_ =	strace $0x9000004B  }
0x34: {  	_ =	sfence  }
0x35: {  	s30 =	sld [smem:$0x0];
	_ =	sdelay $0x2  }
0x36: {  	s31 =	sshll.u32 s1, $0xD;
	s1 =	sshrl.u32 s1, $0x2  }
0x37: {  	s3 =	sand.u32 $0x4000, s31;
	s1 =	sadd.s32 s1, s30  }
0x38: {  	s0 =	sor.u32 s3, s0;
	s1 =	sshll.u32 s1, $0x11  }
0x39: {  	s0 =	sor.u32 s1, s0  }
0x3a: {  	s0 =	sadd.s32 $0x8F2B, s0  }
0x3b: {  	[sflag:s0] =	ssyncadd.remote.s32 $0x1  }
0x3c: {  	_ =	sfence.sel $0xFFFF  }
0x3d: {  	[dreg:$0x0] =	wrdreg $0xFFFFFFFF;
	(pc) =	sbr.abs _section_cstart, $3  }
0x3e: {  	[dreg:$0x1] =	wrdreg $0xFFFFFFFF  }
0x3f: {  	_ =	task.clear_ibuf [dreg:s7], $0x2FFFF;
	_ =	strace $0x9FFFFFFF  }
0x40: {  	(tm) =	ssettm $0x7FFFFFFF  }
0x41: {  	_ =	shalt  }
tec
execute0_lowered:
.L_overlay_start_1:
0x0: {  	(tag) =	ssettag $0x1  }
0x1: {  	s0 =	srdreg.scid  }
0x2: {  	s1 =	sshll.u32 s0, $0x4  }
0x3: {  	s0 =	stileid.u32;
	s1 =	sand.u32 $0x10, s1  }
0x4: {  	s1 =	sor.u32 s0, s1  }
0x5: {  	s6 =	rddreg [dreg:$0x0];
	s4 =	simm.s32 $0x1;
	s2 =	sshll.u32 s1, $0x7  }
0x6: {  	s7 =	simm.s32 $0x2;
	s13 =	simm.s32 $0x0;
	s1 =	ssub.s32 $0x1000, s2  }
0x7: {  	s8 =	simm.s32 $0x8000;
	s12 =	simm.s32 $0x0;
	s3 =	sand.u32 $0xF80, s1  }
0x8: {  	s9 =	simm.s32 $0x0;
	s5 =	sshrl.u32 s1, $0xC;
	p0 =	sne.s32 s3, $0x0  }
.Ltmp0:
0x9: {  	s1 =	rddreg [dreg:$0x2];
	s4 =	simm.s32 @!p0 $0x0;
	(pc) =	sbr.rel .LBB1_1-.Ltmp0, $4  }
0xa: {  	s11 =	simm.s32 $0x0;
	s3 =	rddreg [dreg:$0x1];
	s5 =	sadd.s32 s4, s5  }
0xb: {  	_ =	strace $0x8000004A;
	s4 =	simm.s32 $0x1;
	s5 =	smul.u32 $0x64, s5  }
0xc: {  	s6 =	sadd.s32 $0x1000, s6;
	s10 =	smov.u32 s2;
	[sflag:s4] =	ssyncpa.u1 $0x0  }
0xd: {  	p0 =	por $0x0, $0x0;
	[sflag:s7] =	ssyncpa.u1 $0x0;
	s7 =	sor.u32 $0x1, s5  }
.LBB1_4:
0xe: {  	v5 =	vld [tilespmem:s17+$0xFFFFFFD0];
	[tilespmem:s16+$0x2040 ss:$0x81] =	vst.msk $0xffff, v4;
	s19 =	sshll.u32 s13, $0xC;
	s20 =	sshll.u32 s12, $0x3  }
0xf: {  	v58 =	vld [tilespmem:s17+$0xFFFFFFE0];
	[tilespmem:s16+$0x2850 ss:$0x81] =	vst.msk $0xffff, v3;
	s19 =	sand.u32 $0xFFFF8000, s19;
	s21 =	sand.u32 $0xFFFFFC00, s20  }
0x10: {  	s18 =	sshra.s32 s18, $0x2;
	v59 =	vld [tilespmem:s17+$0xFFFFFFF0];
	[tilespmem:s16+$0x3060 ss:$0x81] =	vst.msk $0xffff, v2;
	s19 =	sadd.s32 s21, s19  }
0x11: {  	v60 =	vld [tilespmem:s17+$0x0];
	[tilespmem:s16+$0x0 ss:$0x81] =	vst.msk $0xffff, v0;
	s15 =	sadd.s32 s18, s15;
	s26 =	sshrl.u32 s19, $0xC  }
0x12: {  	v61 =	vld [tilespmem:s17+$0x10];
	[tilespmem:s15+$0x3870 ss:$0x81] =	vst.msk $0xffff, v1;
	s27 =	smulhi.u32 $0xA3D71, s26  }
0x13: {  	v62 =	vld [tilespmem:s17+$0x20];
	s28 =	sand.u32 $0x78, s12;
	[tilespmem:s15+$0x810 ss:$0x81] =	vst.msk $0xffff, v5  }
0x14: {  	v63 =	vld [tilespmem:s17+$0xFFFFFFC0];
	s29 =	sshll.u32 s13, $0x7;
	s30 =	sand.u32 $0xC00, s20;
	[tilespmem:s15+$0x1020 ss:$0x81] =	vst.msk $0xffff, v58;
	s18 =	sshrl.u32 s27, $0x1  }
0x15: {  	s13 =	sand.u32 $0x380, s29;
	s17 =	sor.u32 s28, s30;
	[tilespmem:s15+$0x1830 ss:$0x81] =	vst.msk $0xffff, v59;
	s18 =	smul.u32 $0x3200, s18  }
0x16: {  	s13 =	sor.u32 s13, s17;
	[tilespmem:s15+$0x2040 ss:$0x81] =	vst.msk $0xffff, v60  }
0x17: {  	s31 =	sand.u32 $0x7, s12;
	s13 =	sshrl.u32 s13, $0x3;
	[tilespmem:s15+$0x2850 ss:$0x81] =	vst.msk $0xffff, v61;
	s16 =	ssub.s32 s26, s18  }
0x18: {  	s12 =	sshll.u32 s31, $0x12;
	[tilespmem:s15+$0x3060 ss:$0x81] =	vst.msk $0xffff, v62;
	s13 =	sadd.s32 s3, s13;
	s16 =	sshll.u32 s16, $0x9  }
0x19: {  	s12 =	sor.u32 $0x400, s12;
	[tilespmem:s15+$0x0 ss:$0x81] =	vst.msk $0xffff, v63;
	s13 =	sadd.s32 s16, s13  }
0x1a: {  	[hbm4b:s13+s12] =	stream.strided.scatter [tilespmem:s14], [sflag:$0x2], $0x4000, s8, s12, $0x20;
	[tilespmem:$0x10100] =	vst v63  }
.LBB1_5:
0x1b: {  	s14 =	sadd.s32 $0x80, s9  }
0x1c: {  	s12 =	sadd.s32 $0x1000, s10;
	s16 =	smov.u32 s10;
	p2 =	sgt.s32 s14, $0x31FF  }
0x1d: {  	s16 =	smov.u32 @p2 s12  }
0x1e: {  	s14 =	simm.s32 @p2 $0x0;
	p2 =	sgt.s32 s16, $0xFFF  }
0x1f: {  	s16 =	smov.u32 @p2 s2;
	p2 =	sne.s32 s11, s7  }
.Ltmp1:
0x20: {  	p1 =	slt.u32 s11, $0x2;
	(pc) =	sbr.rel @!p2 .LBB1_6-.Ltmp1, $4  }
0x21: {  	s15 =	simm.s32 @!p1 $0x2  }
0x22: {  	s13 =	smov.u32 s9;
	p0 =	por !p0, !p0;
	_ =	swait.ge @!p1 [sflag:s15], $0x4000  }
0x23: {  	s12 =	smov.u32 s10;
	[sflag:s15] =	ssyncset.done @!p1 $0x0;
	s9 =	smov.u32 s14  }
0x24: {  	s11 =	sadd.s32 $0x1, s11;
	[sflag:s15] =	ssyncadd.s32 @!p1 $0xFFFFC000;
	s10 =	smov.u32 s16  }
.LBB1_1:
0x25: {  	p1 =	sge.u32 s11, s5  }
0x26: {  	s14 =	sshrl.u32 @!p1 s10, $0x3  }
0x27: {  	s15 =	sshll.u32 @!p1 s9, $0x3;
	s14 =	smul.u32 @!p1 $0x19000, s14  }
0x28: {  	s16 =	sshll.u32 @!p1 s10, $0x7;
	s15 =	sand.u32 @!p1 $0xFFFFFC00, s15  }
0x29: {  	s14 =	sadd.s32 @!p1 s14, s15;
	s15 =	sand.u32 @!p1 $0x380, s16  }
0x2a: {  	s16 =	sand.u32 @!p1 $0x7F, s9;
	s14 =	sor.u32 @!p1 s15, s14  }
0x2b: {  	s15 =	sor.u32 @!p1 s16, s14  }
0x2c: {  	s16 =	smulhi.u32 @!p1 $0x51EB851F, s15;
	_ =	sdelay $0x1  }
0x2d: {  	s14 =	smulhi.u32 @!p1 $0x51EB851F, s14;
	s16 =	sshrl.u32 @!p1 s16, $0xC  }
0x2e: {  	s16 =	smul.u32 @!p1 $0x3200, s16  }
0x2f: {  	s31 =	sadd.s32 $0xFFFFFFFF, s11;
	s17 =	sxor.u32 @!p1 $0xFFFFFFFF, s11;
	s14 =	sshrl.u32 @!p1 s14, $0xC  }
0x30: {  	s17 =	sshll.u32 @!p1 s17, $0xE;
	s14 =	sand.u32 @!p1 $0xFFF, s14;
	s15 =	ssub.s32 @!p1 s15, s16  }
0x31: {  	s14 =	smul.u32 @!p1 $0x640, s14;
	s16 =	sshrl.u32 @!p1 s15, $0x3;
	s15 =	sand.u32 @!p1 $0x7, s15  }
0x32: {  	s17 =	sand.u32 @!p1 $0x4000, s17;
	s16 =	sadd.s32 @!p1 s6, s16;
	s15 =	sshll.u32 @!p1 s15, $0x12  }
0x33: {  	s14 =	sadd.s32 @!p1 s14, s16;
	s15 =	sor.u32 @!p1 $0x400, s15;
	s16 =	simm.s32 @!p1 $0x19000  }
0x34: {  	[tilespmem:s17], [sflag:$0x1] =	stream.strided.gather @!p1 [hbm4b:s14+s15], $0x4000, s16, s15, $0x38;
	[tilespmem:$0x10100] =	vst v63  }
0x35: {  	p1 =	sge.u32 s31, s5  }
.Ltmp2:
0x36: {  	_ = 	snop;
	(pc) =	sbr.rel @p1 .LBB1_5-.Ltmp2, $1  }
0x37: {  	_ =	sdelay $0x3  }
0x38: {  	s14 =	simm.s32 $0x1  }
0x39: {  	_ =	swait.ge [sflag:s4], $0x4000;
	s14 =	simm.s32 @!p0 $0x0  }
0x3a: {  	[sflag:s4] =	ssyncset.done $0x0;
	s15 =	sshll.u32 s14, $0xE  }
0x3b: {  	[sflag:s4] =	ssyncadd.s32 $0xFFFFC000;
	s17 =	sor.u32 $0x40, s15  }
0x3c: {  	s14 =	smul.u32 $0x10200, s14;
	v0 =	vld [tilespmem:s17+$0x30]  }
0x3d: {  	v1 =	vld [tilespmem:s17+$0xFFFFFFD0]  }
0x3e: {  	s14 =	sshrl.u32 s14, $0x2;
	v5 =	vld [tilespmem:s17+$0xFFFFFFE0]  }
0x3f: {  	v6 =	vld [tilespmem:s17+$0xFFFFFFF0];
	s15 =	sor.u32 $0x8000, s14  }
0x40: {  	s31 =	sand.u32 $0x1, s11;
	v4 =	vld [tilespmem:s17+$0x0];
	s16 =	sadd.s32 $0x0, s15  }
0x41: {  	v3 =	vld [tilespmem:s17+$0x10];
	s14 =	smul.u32 $0x10200, s31;
	[tilespmem:s16+$0x3870 ss:$0x81] =	vst.msk $0xffff, v0  }
0x42: {  	v2 =	vld [tilespmem:s17+$0x20];
	[tilespmem:s16+$0x810 ss:$0x81] =	vst.msk $0xffff, v1  }
0x43: {  	s14 =	sshrl.u32 s14, $0x2;
	v0 =	vld [tilespmem:s17+$0xFFFFFFC0];
	[tilespmem:s16+$0x1020 ss:$0x81] =	vst.msk $0xffff, v5;
	s17 =	sadd.s32 $0x80, s17  }
0x44: {  	s18 =	simm.s32 $0x4;
	s19 =	simm.s32 $0x8;
	s14 =	sor.u32 $0x8000, s14;
	[tilespmem:s16+$0x1830 ss:$0x81] =	vst.msk $0xffff, v6;
	v1 =	vld [tilespmem:s17+$0x30]  }
.LBB1_3:
0x45: {  	p1 =	sne.s32 s19, $0x1FC;
	v5 =	vld [tilespmem:s17+$0xFFFFFFD0];
	[tilespmem:s16+$0x2040 ss:$0x81] =	vst.msk $0xffff, v4  }
0x46: {  	v6 =	vld [tilespmem:s17+$0xFFFFFFE0];
	[tilespmem:s16+$0x2850 ss:$0x81] =	vst.msk $0xffff, v3  }
0x47: {  	s20 =	sshra.s32 s18, $0x2;
	s18 =	smov.u32 s19;
	v7 =	vld [tilespmem:s17+$0xFFFFFFF0];
	[tilespmem:s16+$0x3060 ss:$0x81] =	vst.msk $0xffff, v2  }
.Ltmp3:
0x48: {  	v4 =	vld [tilespmem:s17+$0x0];
	[tilespmem:s16+$0x0 ss:$0x81] =	vst.msk $0xffff, v0;
	s16 =	sadd.s32 s20, s15;
	(pc) =	sbr.rel @p1 .LBB1_3-.Ltmp3, $4  }
0x49: {  	v3 =	vld [tilespmem:s17+$0x10];
	[tilespmem:s16+$0x3870 ss:$0x81] =	vst.msk $0xffff, v1  }
0x4a: {  	[tilespmem:s16+$0x810 ss:$0x81] =	vst.msk $0xffff, v5;
	v2 =	vld [tilespmem:s17+$0x20]  }
0x4b: {  	v0 =	vld [tilespmem:s17+$0xFFFFFFC0];
	[tilespmem:s16+$0x1020 ss:$0x81] =	vst.msk $0xffff, v6;
	s17 =	sadd.s32 $0x80, s17  }
0x4c: {  	s19 =	sadd.s32 $0x4, s19;
	v1 =	vld [tilespmem:s17+$0x30];
	[tilespmem:s16+$0x1830 ss:$0x81] =	vst.msk $0xffff, v7  }
.Ltmp4:
0x4d: {  	_ = 	snop;
	(pc) =	sbr.rel .LBB1_4-.Ltmp4, $1  }
0x4e: {  	_ =	sdelay $0x3  }
.LBB1_6:
0x4f: {  	_ =	sfence.sel $0x180000  }
0x50: {  	s2 =	simm.s32 $0x1;
	[bflag:$0x0] =	sbarrier.arrive $0xFFFF  }
0x51: {  	s31 =	simm.s32 $0x2;
	[sflag:s2] =	ssyncpa.u1 $0x1  }
0x52: {  	[sflag:s31] =	ssyncpa.u1 $0x1  }
0x53: {  	p0 =	sne.s32 s0, $0x0;
	_ =	strace $0x9000004A  }
0x54: {  	s0 =	sadd.s32 @!p0 $0x100000, s1;
	[bflag:$0x2] =	sbarrier.arrive $0xFFFF  }
0x55: {  	[sflag:s0] =	ssyncadd.tile.s32 @!p0 $0x1;
	_ =	shalt  }
.Lfunc_end1:
_tile_overlayer_lowered:
.L_overlay_start_2:
0x56: {  	(tag) =	ssettag $0x2  }
0x57: {  	s0 =	rddreg [dreg:$0x0];
	s2 =	stileid.u32  }
0x58: {  	s1 =	rddreg [dreg:$0x1];
	p0 =	sne.s32 s2, $0x0  }
0x59: {  	s3 =	rddreg [dreg:$0x2];
	[bflag:$0x3] =	sbarrier.arrive $0xFFFF;
	s2 =	simm.s32 @!p0 $0x1C01  }
0x5a: {  	[timem:s3], [sflag:s2] =	dma.local @!p0 [hbm:s0], s1  }
0x5b: {  	s0 =	simm.s32 @!p0 $0x1  }
0x5c: {  	_ =	swait.ge @!p0 [sflag:s0], s1  }
0x5d: {  	s1 =	ssub.s32 @!p0 $0x0, s1;
	[sflag:s0] =	ssyncset.done @!p0 $0x0  }
0x5e: {  	[sflag:s0] =	ssyncadd.s32 @!p0 s1  }
0x5f: {  	[bflag:$0x3] =	sbarrier.arrive $0xFFFF  }
0x60: {  	_ =	shalt  }

</sc_bundles>
